<compile_context>
chip_gen: v7x
topology: tpu7x:2x2x1
jax: 0.10.2.dev20260603
libtpu: 0.0.44.dev20260713+nightly
codegen_flags: <defaults>
</compile_context>

<pallas_src>
import functools

import jax
import jax.numpy as jnp
from jax import lax
from jax.experimental import pallas as pl
from jax.experimental.pallas import tpu as pltpu
from jax.experimental.pallas import tpu_sc as plsc

N_NODES = 10000
N_EDGES = 160000
D_FEAT = 128
D_EEMB = 16
D_ATTR = 4

NC = 2
NS = 16
NW = NC * NS

CH = 128
E_PAD = 163840
NCH_PAD = E_PAD // CH
NCHUNK = 40
E_HALF = E_PAD // 2
NCH_HALF = NCH_PAD // 2
NCHUNK_G = 20
N_PAD = 10240
RPT = N_PAD // NS
DP = D_FEAT // 2

INV1 = 1.0 / float((272 * 4) ** 0.5)
INV2 = 1.0 / float((128 * 4) ** 0.5)
INV3 = 1.0 / float((256 * 4) ** 0.5)
INV4 = 1.0 / float((512) ** 0.5)


NBUF = 4


def _gather_sc_body(feats, dst2, src2, xi_out, xj_out, idx_d, idx_s, rows, sem_g, sem_w):
    c = lax.axis_index("c")
    s = lax.axis_index("s")
    cs = s * 2 * NCHUNK_G + c * 24
    n = 24 - 8 * c
    b0 = jnp.minimum(cs, NCH_HALF - 24)
    roff = cs - b0
    pltpu.sync_copy(dst2.at[pl.ds(b0, 24)], idx_d)
    pltpu.sync_copy(src2.at[pl.ds(b0, 24)], idx_s)

    def _fire(j, b):
        idx = idx_d if b % 2 == 0 else idx_s
        return pltpu.async_copy(feats.at[idx.at[roff + j]], rows.at[b], sem_g)

    def _write(j, b):
        out = xi_out if b % 2 == 0 else xj_out
        return pltpu.async_copy(
            rows.at[b], out.at[pl.ds((cs + j) * CH, CH)], sem_w
        )

    def _drain_write(b):
        pltpu.make_async_copy(xi_out.at[pl.ds(0, CH)], rows.at[b], sem_w).wait()

    @pl.loop(0, n, step=2)
    def _sup(j0):
        gathers = [_fire(j0 + b // 2, b) for b in range(NBUF)]

        @pl.when(j0 > 0)
        def _():
            for b in range(NBUF):
                _drain_write(b)

        for b in range(NBUF):
            gathers[b].wait()
            _write(j0 + b // 2, b)

    for b in range(NBUF):
        _drain_write(b)


def _scatter_sc_body(msgs0, msgs1, dst2, zeros, out, shared, idx_v, rows_v):
    c = lax.axis_index("c")
    s = lax.axis_index("s")
    pltpu.sync_copy(zeros.at[pl.ds(s * RPT, RPT)], shared.at[pl.ds(s * RPT, RPT)])
    cs = s * NCHUNK
    pltpu.sync_copy(dst2.at[pl.ds(c * NCH_HALF + cs, NCHUNK)], idx_v)
    plsc.subcore_barrier()

    @pl.loop(0, NCHUNK)
    def _chunk(j):
        @pl.when(c == 0)
        def _():
            pltpu.sync_copy(msgs0.at[pl.ds((cs + j) * CH, CH)], rows_v)

        @pl.when(c == 1)
        def _():
            pltpu.sync_copy(msgs1.at[pl.ds((cs + j) * CH, CH)], rows_v)

        pltpu.sync_copy(rows_v, shared.at[idx_v.at[j]], add=True)

    plsc.subcore_barrier()
    pltpu.sync_copy(shared.at[pl.ds(s * RPT, RPT)], out.at[c, pl.ds(s * RPT, RPT)])


@functools.lru_cache(maxsize=None)
def _sc_kernels():
    mesh = plsc.VectorSubcoreMesh(
        core_axis_name="c", subcore_axis_name="s", num_cores=NC, num_subcores=NS
    )
    gather = pl.kernel(
        _gather_sc_body,
        compiler_params=pltpu.CompilerParams(use_tc_tiling_on_sc=False),
        out_type=(
            jax.ShapeDtypeStruct((E_HALF, DP), jnp.int32),
            jax.ShapeDtypeStruct((E_HALF, DP), jnp.int32),
        ),
        mesh=mesh,
        scratch_types=[
            pltpu.VMEM((24, CH), jnp.int32),
            pltpu.VMEM((24, CH), jnp.int32),
            pltpu.VMEM((NBUF, CH, DP), jnp.int32),
            pltpu.SemaphoreType.DMA,
            pltpu.SemaphoreType.DMA,
        ],
    )
    scatter = pl.kernel(
        _scatter_sc_body,
        out_type=jax.ShapeDtypeStruct((NC, N_PAD, D_FEAT), jnp.float32),
        mesh=mesh,
        scratch_types=[
            pltpu.VMEM_SHARED((N_PAD, D_FEAT), jnp.float32),
            pltpu.VMEM((NCHUNK, CH), jnp.int32),
            pltpu.VMEM((CH, D_FEAT), jnp.float32),
        ],
    )
    return gather, scatter


BLK_E = 1024


def _silu(x):
    return x * jax.nn.sigmoid(x)


def _unpack_bf16(x):
    lo = lax.bitcast_convert_type(x << 16, jnp.float32)
    hi = lax.bitcast_convert_type(x & jnp.int32(-65536), jnp.float32)
    return jnp.concatenate(
        [lo.astype(jnp.bfloat16), hi.astype(jnp.bfloat16)], axis=1
    )


def _msg_body(xi_ref, xj_ref, emb_ref, att_ref, wab, w1c, w2c, out_ref):
    xi = _unpack_bf16(xi_ref[...])
    xj = _unpack_bf16(xj_ref[...])
    emb = emb_ref[...]
    a = att_ref[...]
    xcat = jnp.concatenate([xi, xj], axis=1)
    t = jnp.dot(xcat, wab[...], preferred_element_type=jnp.float32) + jnp.dot(
        emb, w1c[...], preferred_element_type=jnp.float32
    )
    acc = jnp.zeros((BLK_E, D_FEAT), jnp.float32)
    for g in range(D_ATTR):
        acc = acc + a[:, g : g + 1] * t[:, g * D_FEAT : (g + 1) * D_FEAT]
    m1 = _silu(acc * INV1).astype(jnp.bfloat16)
    t2 = jnp.dot(m1, w2c[...], preferred_element_type=jnp.float32)
    acc2 = jnp.zeros((BLK_E, D_FEAT), jnp.float32)
    for g in range(D_ATTR):
        acc2 = acc2 + a[:, g : g + 1] * t2[:, g * D_FEAT : (g + 1) * D_FEAT]
    out_ref[...] = _silu(acc2 * INV2)


def _messages_tc(n_real, xi, xj, emb, att, wab, w1c, w2c):
    n_blk = (n_real + BLK_E - 1) // BLK_E
    return pl.pallas_call(
        _msg_body,
        grid=(n_blk,),
        in_specs=[
            pl.BlockSpec((BLK_E, DP), lambda i: (i, 0)),
            pl.BlockSpec((BLK_E, DP), lambda i: (i, 0)),
            pl.BlockSpec((BLK_E, D_EEMB), lambda i: (i, 0)),
            pl.BlockSpec((BLK_E, D_ATTR), lambda i: (i, 0)),
            pl.BlockSpec((2 * D_FEAT, D_ATTR * D_FEAT), lambda i: (0, 0)),
            pl.BlockSpec((D_EEMB, D_ATTR * D_FEAT), lambda i: (0, 0)),
            pl.BlockSpec((D_FEAT, D_ATTR * D_FEAT), lambda i: (0, 0)),
        ],
        out_specs=pl.BlockSpec((BLK_E, D_FEAT), lambda i: (i, 0)),
        out_shape=jax.ShapeDtypeStruct((E_HALF, D_FEAT), jnp.float32),
    )(xi, xj, emb, att, wab, w1c, w2c)


BLK_N = 2000


def _upd_body(f_ref, pa_ref, pb_ref, na_ref, w3a, w3b, w4, out_ref):
    f = f_ref[...]
    msg = pa_ref[...] + pb_ref[...]
    na = na_ref[...]
    acc = jnp.zeros((BLK_N, D_FEAT), jnp.float32)
    for g in range(D_ATTR):
        t = jnp.dot(f, w3a[g], preferred_element_type=jnp.float32) + jnp.dot(
            msg, w3b[g], preferred_element_type=jnp.float32
        )
        acc = acc + na[:, g : g + 1] * t
    u = _silu(acc * INV3)
    acc2 = jnp.zeros((BLK_N, D_FEAT), jnp.float32)
    for g in range(D_ATTR):
        acc2 = acc2 + na[:, g : g + 1] * jnp.dot(
            u, w4[g], preferred_element_type=jnp.float32
        )
    out_ref[...] = acc2 * INV4 + f


def _update_tc(feats, pa, pb, nattr, w3a, w3b, w4):
    n_blk = N_NODES // BLK_N
    return pl.pallas_call(
        _upd_body,
        grid=(n_blk,),
        in_specs=[
            pl.BlockSpec((BLK_N, D_FEAT), lambda i: (i, 0)),
            pl.BlockSpec((BLK_N, D_FEAT), lambda i: (i, 0)),
            pl.BlockSpec((BLK_N, D_FEAT), lambda i: (i, 0)),
            pl.BlockSpec((BLK_N, D_ATTR), lambda i: (i, 0)),
            pl.BlockSpec((D_ATTR, D_FEAT, D_FEAT), lambda i: (0, 0, 0)),
            pl.BlockSpec((D_ATTR, D_FEAT, D_FEAT), lambda i: (0, 0, 0)),
            pl.BlockSpec((D_ATTR, D_FEAT, D_FEAT), lambda i: (0, 0, 0)),
        ],
        out_specs=pl.BlockSpec((BLK_N, D_FEAT), lambda i: (i, 0)),
        out_shape=jax.ShapeDtypeStruct((N_NODES, D_FEAT), jnp.float32),
    )(feats, pa, pb, nattr, w3a, w3b, w4)


def kernel(node_feats, node_attrs, edge_embedding, edge_attrs, edge_index, batch, W1, W2, W3, W4):
    del batch
    pad = E_PAD - N_EDGES
    src = edge_index[0].astype(jnp.int32)
    dst = edge_index[1].astype(jnp.int32)
    trash = N_PAD - 1
    dst2 = jnp.pad(dst, (0, pad), constant_values=trash).reshape(NCH_PAD, CH)
    src2 = jnp.pad(src, (0, pad), constant_values=trash).reshape(NCH_PAD, CH)

    feats_bf = jnp.pad(
        node_feats.astype(jnp.bfloat16), ((0, N_PAD - N_NODES), (0, 0))
    )
    feats_pk = lax.bitcast_convert_type(feats_bf.reshape(N_PAD, DP, 2), jnp.int32)
    emb_bf = edge_embedding.astype(jnp.bfloat16)
    w1a = jnp.transpose(W1[:D_FEAT], (1, 0, 2)).astype(jnp.bfloat16)
    w1a = jnp.concatenate([w1a[:, 0::2, :], w1a[:, 1::2, :]], axis=1)
    w1b = jnp.transpose(W1[D_FEAT : 2 * D_FEAT], (1, 0, 2)).astype(jnp.bfloat16)
    w1b = jnp.concatenate([w1b[:, 0::2, :], w1b[:, 1::2, :]], axis=1)
    wab = jnp.concatenate(
        [
            jnp.transpose(w1a, (1, 0, 2)).reshape(D_FEAT, D_ATTR * D_FEAT),
            jnp.transpose(w1b, (1, 0, 2)).reshape(D_FEAT, D_ATTR * D_FEAT),
        ],
        axis=0,
    )
    w1c = jnp.transpose(W1[2 * D_FEAT :], (1, 0, 2)).astype(jnp.bfloat16)
    w1c = jnp.transpose(w1c, (1, 0, 2)).reshape(D_EEMB, D_ATTR * D_FEAT)
    w2 = jnp.transpose(W2, (1, 0, 2)).astype(jnp.bfloat16)
    w2c = jnp.transpose(w2, (1, 0, 2)).reshape(D_FEAT, D_ATTR * D_FEAT)
    w3a = jnp.transpose(W3[:D_FEAT], (1, 0, 2))
    w3b = jnp.transpose(W3[D_FEAT:], (1, 0, 2))
    w4 = jnp.transpose(W4, (1, 0, 2))

    gather_sc, scatter_sc = _sc_kernels()
    xi0, xj0 = gather_sc(feats_pk, dst2[:NCH_HALF], src2[:NCH_HALF])
    xi1, xj1 = gather_sc(feats_pk, dst2[NCH_HALF:], src2[NCH_HALF:])
    msgs0 = _messages_tc(
        E_HALF, xi0, xj0, emb_bf[:E_HALF], edge_attrs[:E_HALF], wab, w1c, w2c
    )
    msgs1 = _messages_tc(
        N_EDGES - E_HALF, xi1, xj1, emb_bf[E_HALF:], edge_attrs[E_HALF:],
        wab, w1c, w2c,
    )
    partials = scatter_sc(
        msgs0, msgs1, dst2, jnp.zeros((N_PAD, D_FEAT), jnp.float32)
    )
    return _update_tc(
        node_feats, partials[0, :N_NODES], partials[1, :N_NODES], node_attrs, w3a, w3b, w4
    )

# --- scband reference (transcript-rebuilt; emitter-appended) ---
"""Pipeline reference for scband-segnnmessage-passing-2491081032269 (READ-ONLY COPY).

The authoritative reference and input builder live on the scoring server;
editing this copy changes nothing except your own understanding.
"""

import jax, jax.numpy as jnp
import numpy as np

N_NODES = 10000
N_EDGES = 160000
D_FEAT = 128
D_NATTR = 4
D_EATTR = 4
D_EEMB = 16
D_CONV = 128


def _fctp(x, y, W):
    # FullyConnectedTensorProduct restricted to scalar (0e) irreps reduces exactly to a
    # fully-connected bilinear map: out[e,o] = sum_{f,g} W[f,g,o] x[e,f] y[e,g],
    # with e3nn path normalization 1/sqrt(in1_dim * in2_dim).
    out = jnp.einsum('ef,eg,fgo->eo', x, y, W, optimize='optimal')
    return out / jnp.sqrt(float(x.shape[-1] * y.shape[-1]))


def _act(x):
    # gate activation on all-scalar irreps reduces to elementwise nonlinearity (silu)
    return jax.nn.silu(x)


def setup_inputs(seed: int = 0) -> dict:
    key = jax.random.key(seed)
    ks = jax.random.split(key, 12)
    node_feats = jax.random.normal(ks[0], (N_NODES, D_FEAT), dtype=jnp.float32)
    node_attrs = jax.random.normal(ks[1], (N_NODES, D_NATTR), dtype=jnp.float32)
    edge_embedding = jax.random.normal(ks[2], (N_EDGES, D_EEMB), dtype=jnp.float32)
    edge_attrs = jax.random.normal(ks[3], (N_EDGES, D_EATTR), dtype=jnp.float32)
    edge_index = jax.random.randint(ks[4], (2, N_EDGES), 0, N_NODES, dtype=jnp.int64 if jax.config.jax_enable_x64 else jnp.int32)
    batch = jnp.zeros((N_NODES,), dtype=jnp.int32)
    msg_in = D_FEAT + D_FEAT + D_EEMB  # 272
    upd_in = D_FEAT + D_CONV           # 256
    s = 0.1
    W1 = jax.random.normal(ks[5], (msg_in, D_EATTR, D_CONV), dtype=jnp.float32) * s
    W2 = jax.random.normal(ks[6], (D_CONV, D_EATTR, D_CONV), dtype=jnp.float32) * s
    W3 = jax.random.normal(ks[7], (upd_in, D_NATTR, D_CONV), dtype=jnp.float32) * s
    W4 = jax.random.normal(ks[8], (D_CONV, D_NATTR, D_CONV), dtype=jnp.float32) * s
    return {
        'node_feats': node_feats,
        'node_attrs': node_attrs,
        'edge_embedding': edge_embedding,
        'edge_attrs': edge_attrs,
        'edge_index': edge_index,
        'batch': batch,
        'W1': W1, 'W2': W2, 'W3': W3, 'W4': W4,
    }


def reference(node_feats, node_attrs, edge_embedding, edge_attrs, edge_index, batch, W1, W2, W3, W4):
    edge_src = edge_index[0]
    edge_dst = edge_index[1]
    # gather endpoint features
    x_i = node_feats[edge_dst]
    x_j = node_feats[edge_src]
    x = jnp.concatenate((x_i, x_j, edge_embedding), axis=-1)
    # message layers: tensor product with edge_attrs + gate activation
    x = _act(_fctp(x, edge_attrs, W1))
    x = _act(_fctp(x, edge_attrs, W2))
    # message_norm: normalization=None -> identity
    # scatter-sum messages to destination nodes
    msg = jax.ops.segment_sum(x, edge_dst, num_segments=node_feats.shape[0])
    # update layers: tensor product with node_attrs
    x = jnp.concatenate((node_feats, msg), axis=-1)
    x = _act(_fctp(x, node_attrs, W3))
    x = _fctp(x, node_attrs, W4)
    # resnet: node_feats_irreps (128x0e) == conv_layer_irreps (128x0e) -> True
    x = x + node_feats
    # update_norm: normalization=None -> identity
    return x

if __name__ == "__main__":
    import jax
    _d = setup_inputs()
    print(jax.jit(kernel)(*tuple(_d.values())))

</pallas_src>

<mosaic_0001>
#map = affine_map<(d0, d1) -> (0, 0)>
module attributes {stable_mosaic.version = 14 : i64} {
  func.func @_gather_sc_body(%arg0: i32, %arg1: i32, %arg2: memref<10240x64xi32, #tpu.memory_space<hbm>>, %arg3: memref<640x128xi32, #tpu.memory_space<hbm>>, %arg4: memref<640x128xi32, #tpu.memory_space<hbm>>, %arg5: memref<81920x64xi32, #tpu.memory_space<hbm>>, %arg6: memref<81920x64xi32, #tpu.memory_space<hbm>>, %arg7: memref<24x128xi32, #tpu.memory_space<vmem>>, %arg8: memref<24x128xi32, #tpu.memory_space<vmem>>, %arg9: memref<4x128x64xi32, #tpu.memory_space<vmem>>, %arg10: memref<!tpu.dma_semaphore, #tpu.memory_space<semaphore_mem>>, %arg11: memref<!tpu.dma_semaphore, #tpu.memory_space<semaphore_mem>>) attributes {dimension_semantics = [#tpu.dimension_semantics<core_parallel>, #tpu.dimension_semantics<subcore_parallel>], iteration_bounds = array<i64: 2, 16>, scalar_prefetch = 0 : i64, scratch_operands = 5 : i64, tpu.core_type = #tpu.core_type<sc_vector_subcore>, window_params = [{transform_indices = #map}, {transform_indices = #map}, {transform_indices = #map}, {transform_indices = #map}, {transform_indices = #map}]} {
    %mul3A = arith.constant 2 : i32
    %mul3A_0 = arith.muli %arg1, %mul3A : i32
    %mul3A_1 = arith.constant 20 : i32
    %mul3A_2 = arith.muli %mul3A_0, %mul3A_1 : i32
    %mul3A_3 = arith.constant 24 : i32
    %mul3A_4 = arith.muli %arg0, %mul3A_3 : i32
    %add3A = arith.addi %mul3A_2, %mul3A_4 : i32
    %mul3A_5 = arith.constant 8 : i32
    %mul3A_6 = arith.muli %mul3A_5, %arg0 : i32
    %sub3A = arith.constant 24 : i32
    %sub3A_7 = arith.subi %sub3A, %mul3A_6 : i32
    %min3A = arith.constant 616 : i32
    %min3A_8 = arith.minsi %add3A, %min3A : i32
    %sub3A_9 = arith.subi %add3A, %min3A_8 : i32
    "tpu.region"() ({
      %run_scoped3A = tpu.sem_alloc : memref<!tpu.dma_semaphore, #tpu.memory_space<semaphore_mem>>
      %dma_start3A = arith.constant 0 : i32
      %dma_start3A_86 = tpu.memref_slice %arg3[%min3A_8, %dma_start3A] : memref<640x128xi32, #tpu.memory_space<hbm>> -> memref<24x128xi32, #tpu.memory_space<hbm>>
      %dma_start3A_87 = arith.constant 0 : i32
      %dma_start3A_88 = tpu.memref_slice %arg3[%min3A_8, %dma_start3A_87] : memref<640x128xi32, #tpu.memory_space<hbm>> -> memref<24x128xi32, #tpu.memory_space<hbm>>
      tpu.enqueue_dma source(%dma_start3A_88 : memref<24x128xi32, #tpu.memory_space<hbm>>) target(%arg7 : memref<24x128xi32, #tpu.memory_space<vmem>>) target_semaphore(%run_scoped3A : memref<!tpu.dma_semaphore, #tpu.memory_space<semaphore_mem>>)
      %dma_wait3A_89 = arith.constant 0 : i32
      %dma_wait3A_90 = tpu.memref_slice %arg3[%min3A_8, %dma_wait3A_89] : memref<640x128xi32, #tpu.memory_space<hbm>> -> memref<24x128xi32, #tpu.memory_space<hbm>>
      %dma_wait3A_91 = arith.constant 0 : i32
      %dma_wait3A_92 = tpu.memref_slice %arg3[%min3A_8, %dma_wait3A_91] : memref<640x128xi32, #tpu.memory_space<hbm>> -> memref<24x128xi32, #tpu.memory_space<hbm>>
      tpu.wait_dma2 semaphore(%run_scoped3A : memref<!tpu.dma_semaphore, #tpu.memory_space<semaphore_mem>>) src(%dma_wait3A_92 : memref<24x128xi32, #tpu.memory_space<hbm>>) dst(%arg7 : memref<24x128xi32, #tpu.memory_space<vmem>>)
      tpu.yield
    }) : () -> ()
    "tpu.region"() ({
      %run_scoped3A = tpu.sem_alloc : memref<!tpu.dma_semaphore, #tpu.memory_space<semaphore_mem>>
      %dma_start3A = arith.constant 0 : i32
      %dma_start3A_86 = tpu.memref_slice %arg4[%min3A_8, %dma_start3A] : memref<640x128xi32, #tpu.memory_space<hbm>> -> memref<24x128xi32, #tpu.memory_space<hbm>>
      %dma_start3A_87 = arith.constant 0 : i32
      %dma_start3A_88 = tpu.memref_slice %arg4[%min3A_8, %dma_start3A_87] : memref<640x128xi32, #tpu.memory_space<hbm>> -> memref<24x128xi32, #tpu.memory_space<hbm>>
      tpu.enqueue_dma source(%dma_start3A_88 : memref<24x128xi32, #tpu.memory_space<hbm>>) target(%arg8 : memref<24x128xi32, #tpu.memory_space<vmem>>) target_semaphore(%run_scoped3A : memref<!tpu.dma_semaphore, #tpu.memory_space<semaphore_mem>>)
      %dma_wait3A_89 = arith.constant 0 : i32
      %dma_wait3A_90 = tpu.memref_slice %arg4[%min3A_8, %dma_wait3A_89] : memref<640x128xi32, #tpu.memory_space<hbm>> -> memref<24x128xi32, #tpu.memory_space<hbm>>
      %dma_wait3A_91 = arith.constant 0 : i32
      %dma_wait3A_92 = tpu.memref_slice %arg4[%min3A_8, %dma_wait3A_91] : memref<640x128xi32, #tpu.memory_space<hbm>> -> memref<24x128xi32, #tpu.memory_space<hbm>>
      tpu.wait_dma2 semaphore(%run_scoped3A : memref<!tpu.dma_semaphore, #tpu.memory_space<semaphore_mem>>) src(%dma_wait3A_92 : memref<24x128xi32, #tpu.memory_space<hbm>>) dst(%arg8 : memref<24x128xi32, #tpu.memory_space<vmem>>)
      tpu.yield
    }) : () -> ()
    %sub3A_10 = arith.constant 0 : i32
    %sub3A_11 = arith.subi %sub3A_7, %sub3A_10 : i32
    %sub3A_12 = arith.constant 2 : i32
    %sub3A_13 = arith.constant 1 : i32
    %sub3A_14 = arith.subi %sub3A_12, %sub3A_13 : i32
    %add3A_15 = arith.addi %sub3A_11, %sub3A_14 : i32
    %div3A = arith.constant 2 : i32
    %div3A_16 = arith.divsi %add3A_15, %div3A : i32
    %while3A = arith.constant 2 : i32
    %while3A_17 = arith.constant 0 : i32
    %while3A_18 = arith.constant 0 : i32
    %while3A_19 = arith.subi %div3A_16, %while3A_18 : i32
    %while3A_20 = arith.addi %while3A_18, %while3A_19 : i32
    %while3A_21 = arith.constant 1 : i32
    %while3A_22 = arith.divsi %while3A_19, %while3A_21 : i32
    %while3A_23 = arith.muli %while3A_22, %while3A_21 : i32
    %while3A_24 = arith.addi %while3A_18, %while3A_23 : i32
    %while3A_25 = arith.constant 1 : i32
    scf.for %while3A_86 = %while3A_18 to %while3A_24 step %while3A_25  : i32 {
      %mul3A_87 = arith.muli %while3A_86, %while3A : i32
      %add3A_88 = arith.addi %while3A_17, %mul3A_87 : i32
      %add3A_89 = arith.constant 0 : i32
      %add3A_90 = arith.addi %add3A_88, %add3A_89 : i32
      %add3A_91 = arith.addi %sub3A_9, %add3A_90 : i32
      %dma_start3A = arith.constant 0 : i32
      %dma_start3A_92 = arith.constant 0 : i32
      %dma_start3A_93 = arith.constant 0 : i32
      %dma_start3A_94 = tpu.memref_slice %arg9[%dma_start3A, %dma_start3A_92, %dma_start3A_93] : memref<4x128x64xi32, #tpu.memory_space<vmem>> -> memref<1x128x64xi32, #tpu.memory_space<vmem>>
      %dma_start3A_95 = tpu.memref_squeeze %dma_start3A_94 : memref<1x128x64xi32, #tpu.memory_space<vmem>> -> memref<128x64xi32, #tpu.memory_space<vmem>>
      %dma_start3A_96 = arith.constant 0 : i32
      %dma_start3A_97 = tpu.memref_slice %arg7[%add3A_91, %dma_start3A_96] : memref<24x128xi32, #tpu.memory_space<vmem>> -> memref<1x128xi32, #tpu.memory_space<vmem>>
      %dma_start3A_98 = tpu.memref_squeeze %dma_start3A_97 : memref<1x128xi32, #tpu.memory_space<vmem>> -> memref<128xi32, #tpu.memory_space<vmem>>
      %dma_start3A_99 = arith.constant 0 : i32
      %dma_start3A_100 = arith.constant 0 : i32
      %dma_start3A_101 = tpu.memref_slice %arg2[%dma_start3A_99, %dma_start3A_100] : memref<10240x64xi32, #tpu.memory_space<hbm>> -> memref<10240x64xi32, #tpu.memory_space<hbm>>
      tpu.enqueue_indirect_dma source(%dma_start3A_101 : memref<10240x64xi32, #tpu.memory_space<hbm>>) target(%dma_start3A_95 : memref<128x64xi32, #tpu.memory_space<vmem>>) offsets(%dma_start3A_98 : memref<128xi32, #tpu.memory_space<vmem>>) semaphore(%arg10 : memref<!tpu.dma_semaphore, #tpu.memory_space<semaphore_mem>>)
      %add3A_102 = arith.constant 0 : i32
      %add3A_103 = arith.addi %add3A_88, %add3A_102 : i32
      %add3A_104 = arith.addi %sub3A_9, %add3A_103 : i32
      %dma_start3A_105 = arith.constant 1 : i32
      %dma_start3A_106 = arith.constant 0 : i32
      %dma_start3A_107 = arith.constant 0 : i32
      %dma_start3A_108 = tpu.memref_slice %arg9[%dma_start3A_105, %dma_start3A_106, %dma_start3A_107] : memref<4x128x64xi32, #tpu.memory_space<vmem>> -> memref<1x128x64xi32, #tpu.memory_space<vmem>>
      %dma_start3A_109 = tpu.memref_squeeze %dma_start3A_108 : memref<1x128x64xi32, #tpu.memory_space<vmem>> -> memref<128x64xi32, #tpu.memory_space<vmem>>
      %dma_start3A_110 = arith.constant 0 : i32
      %dma_start3A_111 = tpu.memref_slice %arg8[%add3A_104, %dma_start3A_110] : memref<24x128xi32, #tpu.memory_space<vmem>> -> memref<1x128xi32, #tpu.memory_space<vmem>>
      %dma_start3A_112 = tpu.memref_squeeze %dma_start3A_111 : memref<1x128xi32, #tpu.memory_space<vmem>> -> memref<128xi32, #tpu.memory_space<vmem>>
      %dma_start3A_113 = arith.constant 0 : i32
      %dma_start3A_114 = arith.constant 0 : i32
      %dma_start3A_115 = tpu.memref_slice %arg2[%dma_start3A_113, %dma_start3A_114] : memref<10240x64xi32, #tpu.memory_space<hbm>> -> memref<10240x64xi32, #tpu.memory_space<hbm>>
      tpu.enqueue_indirect_dma source(%dma_start3A_115 : memref<10240x64xi32, #tpu.memory_space<hbm>>) target(%dma_start3A_109 : memref<128x64xi32, #tpu.memory_space<vmem>>) offsets(%dma_start3A_112 : memref<128xi32, #tpu.memory_space<vmem>>) semaphore(%arg10 : memref<!tpu.dma_semaphore, #tpu.memory_space<semaphore_mem>>)
      %add3A_116 = arith.constant 1 : i32
      %add3A_117 = arith.addi %add3A_88, %add3A_116 : i32
      %add3A_118 = arith.addi %sub3A_9, %add3A_117 : i32
      %dma_start3A_119 = arith.constant 2 : i32
      %dma_start3A_120 = arith.constant 0 : i32
      %dma_start3A_121 = arith.constant 0 : i32
      %dma_start3A_122 = tpu.memref_slice %arg9[%dma_start3A_119, %dma_start3A_120, %dma_start3A_121] : memref<4x128x64xi32, #tpu.memory_space<vmem>> -> memref<1x128x64xi32, #tpu.memory_space<vmem>>
      %dma_start3A_123 = tpu.memref_squeeze %dma_start3A_122 : memref<1x128x64xi32, #tpu.memory_space<vmem>> -> memref<128x64xi32, #tpu.memory_space<vmem>>
      %dma_start3A_124 = arith.constant 0 : i32
      %dma_start3A_125 = tpu.memref_slice %arg7[%add3A_118, %dma_start3A_124] : memref<24x128xi32, #tpu.memory_space<vmem>> -> memref<1x128xi32, #tpu.memory_space<vmem>>
      %dma_start3A_126 = tpu.memref_squeeze %dma_start3A_125 : memref<1x128xi32, #tpu.memory_space<vmem>> -> memref<128xi32, #tpu.memory_space<vmem>>
      %dma_start3A_127 = arith.constant 0 : i32
      %dma_start3A_128 = arith.constant 0 : i32
      %dma_start3A_129 = tpu.memref_slice %arg2[%dma_start3A_127, %dma_start3A_128] : memref<10240x64xi32, #tpu.memory_space<hbm>> -> memref<10240x64xi32, #tpu.memory_space<hbm>>
      tpu.enqueue_indirect_dma source(%dma_start3A_129 : memref<10240x64xi32, #tpu.memory_space<hbm>>) target(%dma_start3A_123 : memref<128x64xi32, #tpu.memory_space<vmem>>) offsets(%dma_start3A_126 : memref<128xi32, #tpu.memory_space<vmem>>) semaphore(%arg10 : memref<!tpu.dma_semaphore, #tpu.memory_space<semaphore_mem>>)
      %add3A_130 = arith.constant 1 : i32
      %add3A_131 = arith.addi %add3A_88, %add3A_130 : i32
      %add3A_132 = arith.addi %sub3A_9, %add3A_131 : i32
      %dma_start3A_133 = arith.constant 3 : i32
      %dma_start3A_134 = arith.constant 0 : i32
      %dma_start3A_135 = arith.constant 0 : i32
      %dma_start3A_136 = tpu.memref_slice %arg9[%dma_start3A_133, %dma_start3A_134, %dma_start3A_135] : memref<4x128x64xi32, #tpu.memory_space<vmem>> -> memref<1x128x64xi32, #tpu.memory_space<vmem>>
      %dma_start3A_137 = tpu.memref_squeeze %dma_start3A_136 : memref<1x128x64xi32, #tpu.memory_space<vmem>> -> memref<128x64xi32, #tpu.memory_space<vmem>>
      %dma_start3A_138 = arith.constant 0 : i32
      %dma_start3A_139 = tpu.memref_slice %arg8[%add3A_132, %dma_start3A_138] : memref<24x128xi32, #tpu.memory_space<vmem>> -> memref<1x128xi32, #tpu.memory_space<vmem>>
      %dma_start3A_140 = tpu.memref_squeeze %dma_start3A_139 : memref<1x128xi32, #tpu.memory_space<vmem>> -> memref<128xi32, #tpu.memory_space<vmem>>
      %dma_start3A_141 = arith.constant 0 : i32
      %dma_start3A_142 = arith.constant 0 : i32
      %dma_start3A_143 = tpu.memref_slice %arg2[%dma_start3A_141, %dma_start3A_142] : memref<10240x64xi32, #tpu.memory_space<hbm>> -> memref<10240x64xi32, #tpu.memory_space<hbm>>
      tpu.enqueue_indirect_dma source(%dma_start3A_143 : memref<10240x64xi32, #tpu.memory_space<hbm>>) target(%dma_start3A_137 : memref<128x64xi32, #tpu.memory_space<vmem>>) offsets(%dma_start3A_140 : memref<128xi32, #tpu.memory_space<vmem>>) semaphore(%arg10 : memref<!tpu.dma_semaphore, #tpu.memory_space<semaphore_mem>>)
      %gt3A = arith.constant 0 : i32
      %gt3A_144 = arith.cmpi sgt, %add3A_88, %gt3A : i32
      %convert_element_type3A = arith.extui %gt3A_144 : i1 to i32
      %cond3A = arith.constant 0 : i32
      %cond3A_145 = arith.cmpi ne, %convert_element_type3A, %cond3A : i32
      scf.if %cond3A_145 {
        %dma_wait3A_262 = arith.constant 0 : i32
        %dma_wait3A_263 = arith.constant 0 : i32
        %dma_wait3A_264 = arith.constant 0 : i32
        %dma_wait3A_265 = tpu.memref_slice %arg9[%dma_wait3A_262, %dma_wait3A_263, %dma_wait3A_264] : memref<4x128x64xi32, #tpu.memory_space<vmem>> -> memref<1x128x64xi32, #tpu.memory_space<vmem>>
        %dma_wait3A_266 = tpu.memref_squeeze %dma_wait3A_265 : memref<1x128x64xi32, #tpu.memory_space<vmem>> -> memref<128x64xi32, #tpu.memory_space<vmem>>
        %dma_wait3A_267 = arith.constant 0 : i32
        %dma_wait3A_268 = arith.constant 0 : i32
        %dma_wait3A_269 = tpu.memref_slice %arg5[%dma_wait3A_267, %dma_wait3A_268] : memref<81920x64xi32, #tpu.memory_space<hbm>> -> memref<128x64xi32, #tpu.memory_space<hbm>>
        %dma_wait3A_270 = arith.constant 0 : i32
        %dma_wait3A_271 = arith.constant 0 : i32
        %dma_wait3A_272 = tpu.memref_slice %arg9[%dma_wait3A_262, %dma_wait3A_270, %dma_wait3A_271] : memref<4x128x64xi32, #tpu.memory_space<vmem>> -> memref<1x128x64xi32, #tpu.memory_space<vmem>>
        %dma_wait3A_273 = tpu.memref_squeeze %dma_wait3A_272 : memref<1x128x64xi32, #tpu.memory_space<vmem>> -> memref<128x64xi32, #tpu.memory_space<vmem>>
        %dma_wait3A_274 = arith.constant 0 : i32
        %dma_wait3A_275 = arith.constant 0 : i32
        %dma_wait3A_276 = tpu.memref_slice %arg5[%dma_wait3A_274, %dma_wait3A_275] : memref<81920x64xi32, #tpu.memory_space<hbm>> -> memref<128x64xi32, #tpu.memory_space<hbm>>
        tpu.wait_dma2 semaphore(%arg11 : memref<!tpu.dma_semaphore, #tpu.memory_space<semaphore_mem>>) src(%dma_wait3A_276 : memref<128x64xi32, #tpu.memory_space<hbm>>) dst(%dma_wait3A_273 : memref<128x64xi32, #tpu.memory_space<vmem>>)
        %dma_wait3A_277 = arith.constant 1 : i32
        %dma_wait3A_278 = arith.constant 0 : i32
        %dma_wait3A_279 = arith.constant 0 : i32
        %dma_wait3A_280 = tpu.memref_slice %arg9[%dma_wait3A_277, %dma_wait3A_278, %dma_wait3A_279] : memref<4x128x64xi32, #tpu.memory_space<vmem>> -> memref<1x128x64xi32, #tpu.memory_space<vmem>>
        %dma_wait3A_281 = tpu.memref_squeeze %dma_wait3A_280 : memref<1x128x64xi32, #tpu.memory_space<vmem>> -> memref<128x64xi32, #tpu.memory_space<vmem>>
        %dma_wait3A_282 = arith.constant 0 : i32
        %dma_wait3A_283 = arith.constant 0 : i32
        %dma_wait3A_284 = tpu.memref_slice %arg5[%dma_wait3A_282, %dma_wait3A_283] : memref<81920x64xi32, #tpu.memory_space<hbm>> -> memref<128x64xi32, #tpu.memory_space<hbm>>
        %dma_wait3A_285 = arith.constant 0 : i32
        %dma_wait3A_286 = arith.constant 0 : i32
        %dma_wait3A_287 = tpu.memref_slice %arg9[%dma_wait3A_277, %dma_wait3A_285, %dma_wait3A_286] : memref<4x128x64xi32, #tpu.memory_space<vmem>> -> memref<1x128x64xi32, #tpu.memory_space<vmem>>
        %dma_wait3A_288 = tpu.memref_squeeze %dma_wait3A_287 : memref<1x128x64xi32, #tpu.memory_space<vmem>> -> memref<128x64xi32, #tpu.memory_space<vmem>>
        %dma_wait3A_289 = arith.constant 0 : i32
        %dma_wait3A_290 = arith.constant 0 : i32
        %dma_wait3A_291 = tpu.memref_slice %arg5[%dma_wait3A_289, %dma_wait3A_290] : memref<81920x64xi32, #tpu.memory_space<hbm>> -> memref<128x64xi32, #tpu.memory_space<hbm>>
        tpu.wait_dma2 semaphore(%arg11 : memref<!tpu.dma_semaphore, #tpu.memory_space<semaphore_mem>>) src(%dma_wait3A_291 : memref<128x64xi32, #tpu.memory_space<hbm>>) dst(%dma_wait3A_288 : memref<128x64xi32, #tpu.memory_space<vmem>>)
        %dma_wait3A_292 = arith.constant 2 : i32
        %dma_wait3A_293 = arith.constant 0 : i32
        %dma_wait3A_294 = arith.constant 0 : i32
        %dma_wait3A_295 = tpu.memref_slice %arg9[%dma_wait3A_292, %dma_wait3A_293, %dma_wait3A_294] : memref<4x128x64xi32, #tpu.memory_space<vmem>> -> memref<1x128x64xi32, #tpu.memory_space<vmem>>
        %dma_wait3A_296 = tpu.memref_squeeze %dma_wait3A_295 : memref<1x128x64xi32, #tpu.memory_space<vmem>> -> memref<128x64xi32, #tpu.memory_space<vmem>>
        %dma_wait3A_297 = arith.constant 0 : i32
        %dma_wait3A_298 = arith.constant 0 : i32
        %dma_wait3A_299 = tpu.memref_slice %arg5[%dma_wait3A_297, %dma_wait3A_298] : memref<81920x64xi32, #tpu.memory_space<hbm>> -> memref<128x64xi32, #tpu.memory_space<hbm>>
        %dma_wait3A_300 = arith.constant 0 : i32
        %dma_wait3A_301 = arith.constant 0 : i32
        %dma_wait3A_302 = tpu.memref_slice %arg9[%dma_wait3A_292, %dma_wait3A_300, %dma_wait3A_301] : memref<4x128x64xi32, #tpu.memory_space<vmem>> -> memref<1x128x64xi32, #tpu.memory_space<vmem>>
        %dma_wait3A_303 = tpu.memref_squeeze %dma_wait3A_302 : memref<1x128x64xi32, #tpu.memory_space<vmem>> -> memref<128x64xi32, #tpu.memory_space<vmem>>
        %dma_wait3A_304 = arith.constant 0 : i32
        %dma_wait3A_305 = arith.constant 0 : i32
        %dma_wait3A_306 = tpu.memref_slice %arg5[%dma_wait3A_304, %dma_wait3A_305] : memref<81920x64xi32, #tpu.memory_space<hbm>> -> memref<128x64xi32, #tpu.memory_space<hbm>>
        tpu.wait_dma2 semaphore(%arg11 : memref<!tpu.dma_semaphore, #tpu.memory_space<semaphore_mem>>) src(%dma_wait3A_306 : memref<128x64xi32, #tpu.memory_space<hbm>>) dst(%dma_wait3A_303 : memref<128x64xi32, #tpu.memory_space<vmem>>)
        %dma_wait3A_307 = arith.constant 3 : i32
        %dma_wait3A_308 = arith.constant 0 : i32
        %dma_wait3A_309 = arith.constant 0 : i32
        %dma_wait3A_310 = tpu.memref_slice %arg9[%dma_wait3A_307, %dma_wait3A_308, %dma_wait3A_309] : memref<4x128x64xi32, #tpu.memory_space<vmem>> -> memref<1x128x64xi32, #tpu.memory_space<vmem>>
        %dma_wait3A_311 = tpu.memref_squeeze %dma_wait3A_310 : memref<1x128x64xi32, #tpu.memory_space<vmem>> -> memref<128x64xi32, #tpu.memory_space<vmem>>
        %dma_wait3A_312 = arith.constant 0 : i32
        %dma_wait3A_313 = arith.constant 0 : i32
        %dma_wait3A_314 = tpu.memref_slice %arg5[%dma_wait3A_312, %dma_wait3A_313] : memref<81920x64xi32, #tpu.memory_space<hbm>> -> memref<128x64xi32, #tpu.memory_space<hbm>>
        %dma_wait3A_315 = arith.constant 0 : i32
        %dma_wait3A_316 = arith.constant 0 : i32
        %dma_wait3A_317 = tpu.memref_slice %arg9[%dma_wait3A_307, %dma_wait3A_315, %dma_wait3A_316] : memref<4x128x64xi32, #tpu.memory_space<vmem>> -> memref<1x128x64xi32, #tpu.memory_space<vmem>>
        %dma_wait3A_318 = tpu.memref_squeeze %dma_wait3A_317 : memref<1x128x64xi32, #tpu.memory_space<vmem>> -> memref<128x64xi32, #tpu.memory_space<vmem>>
        %dma_wait3A_319 = arith.constant 0 : i32
        %dma_wait3A_320 = arith.constant 0 : i32
        %dma_wait3A_321 = tpu.memref_slice %arg5[%dma_wait3A_319, %dma_wait3A_320] : memref<81920x64xi32, #tpu.memory_space<hbm>> -> memref<128x64xi32, #tpu.memory_space<hbm>>
        tpu.wait_dma2 semaphore(%arg11 : memref<!tpu.dma_semaphore, #tpu.memory_space<semaphore_mem>>) src(%dma_wait3A_321 : memref<128x64xi32, #tpu.memory_space<hbm>>) dst(%dma_wait3A_318 : memref<128x64xi32, #tpu.memory_space<vmem>>)
      } else {
      }
      %dma_wait3A_146 = arith.constant 0 : i32
      %dma_wait3A_147 = arith.constant 0 : i32
      %dma_wait3A_148 = arith.constant 0 : i32
      %dma_wait3A_149 = tpu.memref_slice %arg9[%dma_wait3A_146, %dma_wait3A_147, %dma_wait3A_148] : memref<4x128x64xi32, #tpu.memory_space<vmem>> -> memref<1x128x64xi32, #tpu.memory_space<vmem>>
      %dma_wait3A_150 = tpu.memref_squeeze %dma_wait3A_149 : memref<1x128x64xi32, #tpu.memory_space<vmem>> -> memref<128x64xi32, #tpu.memory_space<vmem>>
      %dma_wait3A_151 = arith.constant 0 : i32
      %dma_wait3A_152 = tpu.memref_slice %arg7[%add3A_91, %dma_wait3A_151] : memref<24x128xi32, #tpu.memory_space<vmem>> -> memref<1x128xi32, #tpu.memory_space<vmem>>
      %dma_wait3A_153 = tpu.memref_squeeze %dma_wait3A_152 : memref<1x128xi32, #tpu.memory_space<vmem>> -> memref<128xi32, #tpu.memory_space<vmem>>
      %dma_wait3A_154 = arith.constant 0 : i32
      %dma_wait3A_155 = arith.constant 0 : i32
      %dma_wait3A_156 = tpu.memref_slice %arg2[%dma_wait3A_154, %dma_wait3A_155] : memref<10240x64xi32, #tpu.memory_space<hbm>> -> memref<10240x64xi32, #tpu.memory_space<hbm>>
      tpu.wait_indirect_dma semaphore(%arg10 : memref<!tpu.dma_semaphore, #tpu.memory_space<semaphore_mem>>) src(%dma_wait3A_156 : memref<10240x64xi32, #tpu.memory_space<hbm>>) dst(%dma_wait3A_150 : memref<128x64xi32, #tpu.memory_space<vmem>>)
      %add3A_157 = arith.constant 0 : i32
      %add3A_158 = arith.addi %add3A_88, %add3A_157 : i32
      %add3A_159 = arith.addi %add3A, %add3A_158 : i32
      %mul3A_160 = arith.constant 128 : i32
      %mul3A_161 = arith.muli %add3A_159, %mul3A_160 : i32
      %dma_start3A_162 = arith.constant 0 : i32
      %dma_start3A_163 = arith.constant 0 : i32
      %dma_start3A_164 = arith.constant 0 : i32
      %dma_start3A_165 = tpu.memref_slice %arg9[%dma_start3A_162, %dma_start3A_163, %dma_start3A_164] : memref<4x128x64xi32, #tpu.memory_space<vmem>> -> memref<1x128x64xi32, #tpu.memory_space<vmem>>
      %dma_start3A_166 = tpu.memref_squeeze %dma_start3A_165 : memref<1x128x64xi32, #tpu.memory_space<vmem>> -> memref<128x64xi32, #tpu.memory_space<vmem>>
      %dma_start3A_167 = arith.constant 0 : i32
      %dma_start3A_168 = tpu.memref_slice %arg5[%mul3A_161, %dma_start3A_167] : memref<81920x64xi32, #tpu.memory_space<hbm>> -> memref<128x64xi32, #tpu.memory_space<hbm>>
      %dma_start3A_169 = arith.constant 0 : i32
      %dma_start3A_170 = tpu.memref_slice %arg5[%mul3A_161, %dma_start3A_169] : memref<81920x64xi32, #tpu.memory_space<hbm>> -> memref<128x64xi32, #tpu.memory_space<hbm>>
      %dma_start3A_171 = arith.constant 0 : i32
      %dma_start3A_172 = arith.constant 0 : i32
      %dma_start3A_173 = tpu.memref_slice %arg9[%dma_start3A_162, %dma_start3A_171, %dma_start3A_172] : memref<4x128x64xi32, #tpu.memory_space<vmem>> -> memref<1x128x64xi32, #tpu.memory_space<vmem>>
      %dma_start3A_174 = tpu.memref_squeeze %dma_start3A_173 : memref<1x128x64xi32, #tpu.memory_space<vmem>> -> memref<128x64xi32, #tpu.memory_space<vmem>>
      tpu.enqueue_dma source(%dma_start3A_174 : memref<128x64xi32, #tpu.memory_space<vmem>>) target(%dma_start3A_170 : memref<128x64xi32, #tpu.memory_space<hbm>>) target_semaphore(%arg11 : memref<!tpu.dma_semaphore, #tpu.memory_space<semaphore_mem>>)
      %dma_wait3A_175 = arith.constant 1 : i32
      %dma_wait3A_176 = arith.constant 0 : i32
      %dma_wait3A_177 = arith.constant 0 : i32
      %dma_wait3A_178 = tpu.memref_slice %arg9[%dma_wait3A_175, %dma_wait3A_176, %dma_wait3A_177] : memref<4x128x64xi32, #tpu.memory_space<vmem>> -> memref<1x128x64xi32, #tpu.memory_space<vmem>>
      %dma_wait3A_179 = tpu.memref_squeeze %dma_wait3A_178 : memref<1x128x64xi32, #tpu.memory_space<vmem>> -> memref<128x64xi32, #tpu.memory_space<vmem>>
      %dma_wait3A_180 = arith.constant 0 : i32
      %dma_wait3A_181 = tpu.memref_slice %arg8[%add3A_104, %dma_wait3A_180] : memref<24x128xi32, #tpu.memory_space<vmem>> -> memref<1x128xi32, #tpu.memory_space<vmem>>
      %dma_wait3A_182 = tpu.memref_squeeze %dma_wait3A_181 : memref<1x128xi32, #tpu.memory_space<vmem>> -> memref<128xi32, #tpu.memory_space<vmem>>
      %dma_wait3A_183 = arith.constant 0 : i32
      %dma_wait3A_184 = arith.constant 0 : i32
      %dma_wait3A_185 = tpu.memref_slice %arg2[%dma_wait3A_183, %dma_wait3A_184] : memref<10240x64xi32, #tpu.memory_space<hbm>> -> memref<10240x64xi32, #tpu.memory_space<hbm>>
      tpu.wait_indirect_dma semaphore(%arg10 : memref<!tpu.dma_semaphore, #tpu.memory_space<semaphore_mem>>) src(%dma_wait3A_185 : memref<10240x64xi32, #tpu.memory_space<hbm>>) dst(%dma_wait3A_179 : memref<128x64xi32, #tpu.memory_space<vmem>>)
      %add3A_186 = arith.constant 0 : i32
      %add3A_187 = arith.addi %add3A_88, %add3A_186 : i32
      %add3A_188 = arith.addi %add3A, %add3A_187 : i32
      %mul3A_189 = arith.constant 128 : i32
      %mul3A_190 = arith.muli %add3A_188, %mul3A_189 : i32
      %dma_start3A_191 = arith.constant 1 : i32
      %dma_start3A_192 = arith.constant 0 : i32
      %dma_start3A_193 = arith.constant 0 : i32
      %dma_start3A_194 = tpu.memref_slice %arg9[%dma_start3A_191, %dma_start3A_192, %dma_start3A_193] : memref<4x128x64xi32, #tpu.memory_space<vmem>> -> memref<1x128x64xi32, #tpu.memory_space<vmem>>
      %dma_start3A_195 = tpu.memref_squeeze %dma_start3A_194 : memref<1x128x64xi32, #tpu.memory_space<vmem>> -> memref<128x64xi32, #tpu.memory_space<vmem>>
      %dma_start3A_196 = arith.constant 0 : i32
      %dma_start3A_197 = tpu.memref_slice %arg6[%mul3A_190, %dma_start3A_196] : memref<81920x64xi32, #tpu.memory_space<hbm>> -> memref<128x64xi32, #tpu.memory_space<hbm>>
      %dma_start3A_198 = arith.constant 0 : i32
      %dma_start3A_199 = tpu.memref_slice %arg6[%mul3A_190, %dma_start3A_198] : memref<81920x64xi32, #tpu.memory_space<hbm>> -> memref<128x64xi32, #tpu.memory_space<hbm>>
      %dma_start3A_200 = arith.constant 0 : i32
      %dma_start3A_201 = arith.constant 0 : i32
      %dma_start3A_202 = tpu.memref_slice %arg9[%dma_start3A_191, %dma_start3A_200, %dma_start3A_201] : memref<4x128x64xi32, #tpu.memory_space<vmem>> -> memref<1x128x64xi32, #tpu.memory_space<vmem>>
      %dma_start3A_203 = tpu.memref_squeeze %dma_start3A_202 : memref<1x128x64xi32, #tpu.memory_space<vmem>> -> memref<128x64xi32, #tpu.memory_space<vmem>>
      tpu.enqueue_dma source(%dma_start3A_203 : memref<128x64xi32, #tpu.memory_space<vmem>>) target(%dma_start3A_199 : memref<128x64xi32, #tpu.memory_space<hbm>>) target_semaphore(%arg11 : memref<!tpu.dma_semaphore, #tpu.memory_space<semaphore_mem>>)
      %dma_wait3A_204 = arith.constant 2 : i32
      %dma_wait3A_205 = arith.constant 0 : i32
      %dma_wait3A_206 = arith.constant 0 : i32
      %dma_wait3A_207 = tpu.memref_slice %arg9[%dma_wait3A_204, %dma_wait3A_205, %dma_wait3A_206] : memref<4x128x64xi32, #tpu.memory_space<vmem>> -> memref<1x128x64xi32, #tpu.memory_space<vmem>>
      %dma_wait3A_208 = tpu.memref_squeeze %dma_wait3A_207 : memref<1x128x64xi32, #tpu.memory_space<vmem>> -> memref<128x64xi32, #tpu.memory_space<vmem>>
      %dma_wait3A_209 = arith.constant 0 : i32
      %dma_wait3A_210 = tpu.memref_slice %arg7[%add3A_118, %dma_wait3A_209] : memref<24x128xi32, #tpu.memory_space<vmem>> -> memref<1x128xi32, #tpu.memory_space<vmem>>
      %dma_wait3A_211 = tpu.memref_squeeze %dma_wait3A_210 : memref<1x128xi32, #tpu.memory_space<vmem>> -> memref<128xi32, #tpu.memory_space<vmem>>
      %dma_wait3A_212 = arith.constant 0 : i32
      %dma_wait3A_213 = arith.constant 0 : i32
      %dma_wait3A_214 = tpu.memref_slice %arg2[%dma_wait3A_212, %dma_wait3A_213] : memref<10240x64xi32, #tpu.memory_space<hbm>> -> memref<10240x64xi32, #tpu.memory_space<hbm>>
      tpu.wait_indirect_dma semaphore(%arg10 : memref<!tpu.dma_semaphore, #tpu.memory_space<semaphore_mem>>) src(%dma_wait3A_214 : memref<10240x64xi32, #tpu.memory_space<hbm>>) dst(%dma_wait3A_208 : memref<128x64xi32, #tpu.memory_space<vmem>>)
      %add3A_215 = arith.constant 1 : i32
      %add3A_216 = arith.addi %add3A_88, %add3A_215 : i32
      %add3A_217 = arith.addi %add3A, %add3A_216 : i32
      %mul3A_218 = arith.constant 128 : i32
      %mul3A_219 = arith.muli %add3A_217, %mul3A_218 : i32
      %dma_start3A_220 = arith.constant 2 : i32
      %dma_start3A_221 = arith.constant 0 : i32
      %dma_start3A_222 = arith.constant 0 : i32
      %dma_start3A_223 = tpu.memref_slice %arg9[%dma_start3A_220, %dma_start3A_221, %dma_start3A_222] : memref<4x128x64xi32, #tpu.memory_space<vmem>> -> memref<1x128x64xi32, #tpu.memory_space<vmem>>
      %dma_start3A_224 = tpu.memref_squeeze %dma_start3A_223 : memref<1x128x64xi32, #tpu.memory_space<vmem>> -> memref<128x64xi32, #tpu.memory_space<vmem>>
      %dma_start3A_225 = arith.constant 0 : i32
      %dma_start3A_226 = tpu.memref_slice %arg5[%mul3A_219, %dma_start3A_225] : memref<81920x64xi32, #tpu.memory_space<hbm>> -> memref<128x64xi32, #tpu.memory_space<hbm>>
      %dma_start3A_227 = arith.constant 0 : i32
      %dma_start3A_228 = tpu.memref_slice %arg5[%mul3A_219, %dma_start3A_227] : memref<81920x64xi32, #tpu.memory_space<hbm>> -> memref<128x64xi32, #tpu.memory_space<hbm>>
      %dma_start3A_229 = arith.constant 0 : i32
      %dma_start3A_230 = arith.constant 0 : i32
      %dma_start3A_231 = tpu.memref_slice %arg9[%dma_start3A_220, %dma_start3A_229, %dma_start3A_230] : memref<4x128x64xi32, #tpu.memory_space<vmem>> -> memref<1x128x64xi32, #tpu.memory_space<vmem>>
      %dma_start3A_232 = tpu.memref_squeeze %dma_start3A_231 : memref<1x128x64xi32, #tpu.memory_space<vmem>> -> memref<128x64xi32, #tpu.memory_space<vmem>>
      tpu.enqueue_dma source(%dma_start3A_232 : memref<128x64xi32, #tpu.memory_space<vmem>>) target(%dma_start3A_228 : memref<128x64xi32, #tpu.memory_space<hbm>>) target_semaphore(%arg11 : memref<!tpu.dma_semaphore, #tpu.memory_space<semaphore_mem>>)
      %dma_wait3A_233 = arith.constant 3 : i32
      %dma_wait3A_234 = arith.constant 0 : i32
      %dma_wait3A_235 = arith.constant 0 : i32
      %dma_wait3A_236 = tpu.memref_slice %arg9[%dma_wait3A_233, %dma_wait3A_234, %dma_wait3A_235] : memref<4x128x64xi32, #tpu.memory_space<vmem>> -> memref<1x128x64xi32, #tpu.memory_space<vmem>>
      %dma_wait3A_237 = tpu.memref_squeeze %dma_wait3A_236 : memref<1x128x64xi32, #tpu.memory_space<vmem>> -> memref<128x64xi32, #tpu.memory_space<vmem>>
      %dma_wait3A_238 = arith.constant 0 : i32
      %dma_wait3A_239 = tpu.memref_slice %arg8[%add3A_132, %dma_wait3A_238] : memref<24x128xi32, #tpu.memory_space<vmem>> -> memref<1x128xi32, #tpu.memory_space<vmem>>
      %dma_wait3A_240 = tpu.memref_squeeze %dma_wait3A_239 : memref<1x128xi32, #tpu.memory_space<vmem>> -> memref<128xi32, #tpu.memory_space<vmem>>
      %dma_wait3A_241 = arith.constant 0 : i32
      %dma_wait3A_242 = arith.constant 0 : i32
      %dma_wait3A_243 = tpu.memref_slice %arg2[%dma_wait3A_241, %dma_wait3A_242] : memref<10240x64xi32, #tpu.memory_space<hbm>> -> memref<10240x64xi32, #tpu.memory_space<hbm>>
      tpu.wait_indirect_dma semaphore(%arg10 : memref<!tpu.dma_semaphore, #tpu.memory_space<semaphore_mem>>) src(%dma_wait3A_243 : memref<10240x64xi32, #tpu.memory_space<hbm>>) dst(%dma_wait3A_237 : memref<128x64xi32, #tpu.memory_space<vmem>>)
      %add3A_244 = arith.constant 1 : i32
      %add3A_245 = arith.addi %add3A_88, %add3A_244 : i32
      %add3A_246 = arith.addi %add3A, %add3A_245 : i32
      %mul3A_247 = arith.constant 128 : i32
      %mul3A_248 = arith.muli %add3A_246, %mul3A_247 : i32
      %dma_start3A_249 = arith.constant 3 : i32
      %dma_start3A_250 = arith.constant 0 : i32
      %dma_start3A_251 = arith.constant 0 : i32
      %dma_start3A_252 = tpu.memref_slice %arg9[%dma_start3A_249, %dma_start3A_250, %dma_start3A_251] : memref<4x128x64xi32, #tpu.memory_space<vmem>> -> memref<1x128x64xi32, #tpu.memory_space<vmem>>
      %dma_start3A_253 = tpu.memref_squeeze %dma_start3A_252 : memref<1x128x64xi32, #tpu.memory_space<vmem>> -> memref<128x64xi32, #tpu.memory_space<vmem>>
      %dma_start3A_254 = arith.constant 0 : i32
      %dma_start3A_255 = tpu.memref_slice %arg6[%mul3A_248, %dma_start3A_254] : memref<81920x64xi32, #tpu.memory_space<hbm>> -> memref<128x64xi32, #tpu.memory_space<hbm>>
      %dma_start3A_256 = arith.constant 0 : i32
      %dma_start3A_257 = tpu.memref_slice %arg6[%mul3A_248, %dma_start3A_256] : memref<81920x64xi32, #tpu.memory_space<hbm>> -> memref<128x64xi32, #tpu.memory_space<hbm>>
      %dma_start3A_258 = arith.constant 0 : i32
      %dma_start3A_259 = arith.constant 0 : i32
      %dma_start3A_260 = tpu.memref_slice %arg9[%dma_start3A_249, %dma_start3A_258, %dma_start3A_259] : memref<4x128x64xi32, #tpu.memory_space<vmem>> -> memref<1x128x64xi32, #tpu.memory_space<vmem>>
      %dma_start3A_261 = tpu.memref_squeeze %dma_start3A_260 : memref<1x128x64xi32, #tpu.memory_space<vmem>> -> memref<128x64xi32, #tpu.memory_space<vmem>>
      tpu.enqueue_dma source(%dma_start3A_261 : memref<128x64xi32, #tpu.memory_space<vmem>>) target(%dma_start3A_257 : memref<128x64xi32, #tpu.memory_space<hbm>>) target_semaphore(%arg11 : memref<!tpu.dma_semaphore, #tpu.memory_space<semaphore_mem>>)
    }
    %while3A_26 = arith.constant 1 : i32
    scf.for %while3A_86 = %while3A_24 to %while3A_20 step %while3A_26  : i32 {
      %mul3A_87 = arith.muli %while3A_86, %while3A : i32
      %add3A_88 = arith.addi %while3A_17, %mul3A_87 : i32
      %add3A_89 = arith.constant 0 : i32
      %add3A_90 = arith.addi %add3A_88, %add3A_89 : i32
      %add3A_91 = arith.addi %sub3A_9, %add3A_90 : i32
      %dma_start3A = arith.constant 0 : i32
      %dma_start3A_92 = arith.constant 0 : i32
      %dma_start3A_93 = arith.constant 0 : i32
      %dma_start3A_94 = tpu.memref_slice %arg9[%dma_start3A, %dma_start3A_92, %dma_start3A_93] : memref<4x128x64xi32, #tpu.memory_space<vmem>> -> memref<1x128x64xi32, #tpu.memory_space<vmem>>
      %dma_start3A_95 = tpu.memref_squeeze %dma_start3A_94 : memref<1x128x64xi32, #tpu.memory_space<vmem>> -> memref<128x64xi32, #tpu.memory_space<vmem>>
      %dma_start3A_96 = arith.constant 0 : i32
      %dma_start3A_97 = tpu.memref_slice %arg7[%add3A_91, %dma_start3A_96] : memref<24x128xi32, #tpu.memory_space<vmem>> -> memref<1x128xi32, #tpu.memory_space<vmem>>
      %dma_start3A_98 = tpu.memref_squeeze %dma_start3A_97 : memref<1x128xi32, #tpu.memory_space<vmem>> -> memref<128xi32, #tpu.memory_space<vmem>>
      %dma_start3A_99 = arith.constant 0 : i32
      %dma_start3A_100 = arith.constant 0 : i32
      %dma_start3A_101 = tpu.memref_slice %arg2[%dma_start3A_99, %dma_start3A_100] : memref<10240x64xi32, #tpu.memory_space<hbm>> -> memref<10240x64xi32, #tpu.memory_space<hbm>>
      tpu.enqueue_indirect_dma source(%dma_start3A_101 : memref<10240x64xi32, #tpu.memory_space<hbm>>) target(%dma_start3A_95 : memref<128x64xi32, #tpu.memory_space<vmem>>) offsets(%dma_start3A_98 : memref<128xi32, #tpu.memory_space<vmem>>) semaphore(%arg10 : memref<!tpu.dma_semaphore, #tpu.memory_space<semaphore_mem>>)
      %add3A_102 = arith.constant 0 : i32
      %add3A_103 = arith.addi %add3A_88, %add3A_102 : i32
      %add3A_104 = arith.addi %sub3A_9, %add3A_103 : i32
      %dma_start3A_105 = arith.constant 1 : i32
      %dma_start3A_106 = arith.constant 0 : i32
      %dma_start3A_107 = arith.constant 0 : i32
      %dma_start3A_108 = tpu.memref_slice %arg9[%dma_start3A_105, %dma_start3A_106, %dma_start3A_107] : memref<4x128x64xi32, #tpu.memory_space<vmem>> -> memref<1x128x64xi32, #tpu.memory_space<vmem>>
      %dma_start3A_109 = tpu.memref_squeeze %dma_start3A_108 : memref<1x128x64xi32, #tpu.memory_space<vmem>> -> memref<128x64xi32, #tpu.memory_space<vmem>>
      %dma_start3A_110 = arith.constant 0 : i32
      %dma_start3A_111 = tpu.memref_slice %arg8[%add3A_104, %dma_start3A_110] : memref<24x128xi32, #tpu.memory_space<vmem>> -> memref<1x128xi32, #tpu.memory_space<vmem>>
      %dma_start3A_112 = tpu.memref_squeeze %dma_start3A_111 : memref<1x128xi32, #tpu.memory_space<vmem>> -> memref<128xi32, #tpu.memory_space<vmem>>
      %dma_start3A_113 = arith.constant 0 : i32
      %dma_start3A_114 = arith.constant 0 : i32
      %dma_start3A_115 = tpu.memref_slice %arg2[%dma_start3A_113, %dma_start3A_114] : memref<10240x64xi32, #tpu.memory_space<hbm>> -> memref<10240x64xi32, #tpu.memory_space<hbm>>
      tpu.enqueue_indirect_dma source(%dma_start3A_115 : memref<10240x64xi32, #tpu.memory_space<hbm>>) target(%dma_start3A_109 : memref<128x64xi32, #tpu.memory_space<vmem>>) offsets(%dma_start3A_112 : memref<128xi32, #tpu.memory_space<vmem>>) semaphore(%arg10 : memref<!tpu.dma_semaphore, #tpu.memory_space<semaphore_mem>>)
      %add3A_116 = arith.constant 1 : i32
      %add3A_117 = arith.addi %add3A_88, %add3A_116 : i32
      %add3A_118 = arith.addi %sub3A_9, %add3A_117 : i32
      %dma_start3A_119 = arith.constant 2 : i32
      %dma_start3A_120 = arith.constant 0 : i32
      %dma_start3A_121 = arith.constant 0 : i32
      %dma_start3A_122 = tpu.memref_slice %arg9[%dma_start3A_119, %dma_start3A_120, %dma_start3A_121] : memref<4x128x64xi32, #tpu.memory_space<vmem>> -> memref<1x128x64xi32, #tpu.memory_space<vmem>>
      %dma_start3A_123 = tpu.memref_squeeze %dma_start3A_122 : memref<1x128x64xi32, #tpu.memory_space<vmem>> -> memref<128x64xi32, #tpu.memory_space<vmem>>
      %dma_start3A_124 = arith.constant 0 : i32
      %dma_start3A_125 = tpu.memref_slice %arg7[%add3A_118, %dma_start3A_124] : memref<24x128xi32, #tpu.memory_space<vmem>> -> memref<1x128xi32, #tpu.memory_space<vmem>>
      %dma_start3A_126 = tpu.memref_squeeze %dma_start3A_125 : memref<1x128xi32, #tpu.memory_space<vmem>> -> memref<128xi32, #tpu.memory_space<vmem>>
      %dma_start3A_127 = arith.constant 0 : i32
      %dma_start3A_128 = arith.constant 0 : i32
      %dma_start3A_129 = tpu.memref_slice %arg2[%dma_start3A_127, %dma_start3A_128] : memref<10240x64xi32, #tpu.memory_space<hbm>> -> memref<10240x64xi32, #tpu.memory_space<hbm>>
      tpu.enqueue_indirect_dma source(%dma_start3A_129 : memref<10240x64xi32, #tpu.memory_space<hbm>>) target(%dma_start3A_123 : memref<128x64xi32, #tpu.memory_space<vmem>>) offsets(%dma_start3A_126 : memref<128xi32, #tpu.memory_space<vmem>>) semaphore(%arg10 : memref<!tpu.dma_semaphore, #tpu.memory_space<semaphore_mem>>)
      %add3A_130 = arith.constant 1 : i32
      %add3A_131 = arith.addi %add3A_88, %add3A_130 : i32
      %add3A_132 = arith.addi %sub3A_9, %add3A_131 : i32
      %dma_start3A_133 = arith.constant 3 : i32
      %dma_start3A_134 = arith.constant 0 : i32
      %dma_start3A_135 = arith.constant 0 : i32
      %dma_start3A_136 = tpu.memref_slice %arg9[%dma_start3A_133, %dma_start3A_134, %dma_start3A_135] : memref<4x128x64xi32, #tpu.memory_space<vmem>> -> memref<1x128x64xi32, #tpu.memory_space<vmem>>
      %dma_start3A_137 = tpu.memref_squeeze %dma_start3A_136 : memref<1x128x64xi32, #tpu.memory_space<vmem>> -> memref<128x64xi32, #tpu.memory_space<vmem>>
      %dma_start3A_138 = arith.constant 0 : i32
      %dma_start3A_139 = tpu.memref_slice %arg8[%add3A_132, %dma_start3A_138] : memref<24x128xi32, #tpu.memory_space<vmem>> -> memref<1x128xi32, #tpu.memory_space<vmem>>
      %dma_start3A_140 = tpu.memref_squeeze %dma_start3A_139 : memref<1x128xi32, #tpu.memory_space<vmem>> -> memref<128xi32, #tpu.memory_space<vmem>>
      %dma_start3A_141 = arith.constant 0 : i32
      %dma_start3A_142 = arith.constant 0 : i32
      %dma_start3A_143 = tpu.memref_slice %arg2[%dma_start3A_141, %dma_start3A_142] : memref<10240x64xi32, #tpu.memory_space<hbm>> -> memref<10240x64xi32, #tpu.memory_space<hbm>>
      tpu.enqueue_indirect_dma source(%dma_start3A_143 : memref<10240x64xi32, #tpu.memory_space<hbm>>) target(%dma_start3A_137 : memref<128x64xi32, #tpu.memory_space<vmem>>) offsets(%dma_start3A_140 : memref<128xi32, #tpu.memory_space<vmem>>) semaphore(%arg10 : memref<!tpu.dma_semaphore, #tpu.memory_space<semaphore_mem>>)
      %gt3A = arith.constant 0 : i32
      %gt3A_144 = arith.cmpi sgt, %add3A_88, %gt3A : i32
      %convert_element_type3A = arith.extui %gt3A_144 : i1 to i32
      %cond3A = arith.constant 0 : i32
      %cond3A_145 = arith.cmpi ne, %convert_element_type3A, %cond3A : i32
      scf.if %cond3A_145 {
        %dma_wait3A_262 = arith.constant 0 : i32
        %dma_wait3A_263 = arith.constant 0 : i32
        %dma_wait3A_264 = arith.constant 0 : i32
        %dma_wait3A_265 = tpu.memref_slice %arg9[%dma_wait3A_262, %dma_wait3A_263, %dma_wait3A_264] : memref<4x128x64xi32, #tpu.memory_space<vmem>> -> memref<1x128x64xi32, #tpu.memory_space<vmem>>
        %dma_wait3A_266 = tpu.memref_squeeze %dma_wait3A_265 : memref<1x128x64xi32, #tpu.memory_space<vmem>> -> memref<128x64xi32, #tpu.memory_space<vmem>>
        %dma_wait3A_267 = arith.constant 0 : i32
        %dma_wait3A_268 = arith.constant 0 : i32
        %dma_wait3A_269 = tpu.memref_slice %arg5[%dma_wait3A_267, %dma_wait3A_268] : memref<81920x64xi32, #tpu.memory_space<hbm>> -> memref<128x64xi32, #tpu.memory_space<hbm>>
        %dma_wait3A_270 = arith.constant 0 : i32
        %dma_wait3A_271 = arith.constant 0 : i32
        %dma_wait3A_272 = tpu.memref_slice %arg9[%dma_wait3A_262, %dma_wait3A_270, %dma_wait3A_271] : memref<4x128x64xi32, #tpu.memory_space<vmem>> -> memref<1x128x64xi32, #tpu.memory_space<vmem>>
        %dma_wait3A_273 = tpu.memref_squeeze %dma_wait3A_272 : memref<1x128x64xi32, #tpu.memory_space<vmem>> -> memref<128x64xi32, #tpu.memory_space<vmem>>
        %dma_wait3A_274 = arith.constant 0 : i32
        %dma_wait3A_275 = arith.constant 0 : i32
        %dma_wait3A_276 = tpu.memref_slice %arg5[%dma_wait3A_274, %dma_wait3A_275] : memref<81920x64xi32, #tpu.memory_space<hbm>> -> memref<128x64xi32, #tpu.memory_space<hbm>>
        tpu.wait_dma2 semaphore(%arg11 : memref<!tpu.dma_semaphore, #tpu.memory_space<semaphore_mem>>) src(%dma_wait3A_276 : memref<128x64xi32, #tpu.memory_space<hbm>>) dst(%dma_wait3A_273 : memref<128x64xi32, #tpu.memory_space<vmem>>)
        %dma_wait3A_277 = arith.constant 1 : i32
        %dma_wait3A_278 = arith.constant 0 : i32
        %dma_wait3A_279 = arith.constant 0 : i32
        %dma_wait3A_280 = tpu.memref_slice %arg9[%dma_wait3A_277, %dma_wait3A_278, %dma_wait3A_279] : memref<4x128x64xi32, #tpu.memory_space<vmem>> -> memref<1x128x64xi32, #tpu.memory_space<vmem>>
        %dma_wait3A_281 = tpu.memref_squeeze %dma_wait3A_280 : memref<1x128x64xi32, #tpu.memory_space<vmem>> -> memref<128x64xi32, #tpu.memory_space<vmem>>
        %dma_wait3A_282 = arith.constant 0 : i32
        %dma_wait3A_283 = arith.constant 0 : i32
        %dma_wait3A_284 = tpu.memref_slice %arg5[%dma_wait3A_282, %dma_wait3A_283] : memref<81920x64xi32, #tpu.memory_space<hbm>> -> memref<128x64xi32, #tpu.memory_space<hbm>>
        %dma_wait3A_285 = arith.constant 0 : i32
        %dma_wait3A_286 = arith.constant 0 : i32
        %dma_wait3A_287 = tpu.memref_slice %arg9[%dma_wait3A_277, %dma_wait3A_285, %dma_wait3A_286] : memref<4x128x64xi32, #tpu.memory_space<vmem>> -> memref<1x128x64xi32, #tpu.memory_space<vmem>>
        %dma_wait3A_288 = tpu.memref_squeeze %dma_wait3A_287 : memref<1x128x64xi32, #tpu.memory_space<vmem>> -> memref<128x64xi32, #tpu.memory_space<vmem>>
        %dma_wait3A_289 = arith.constant 0 : i32
        %dma_wait3A_290 = arith.constant 0 : i32
        %dma_wait3A_291 = tpu.memref_slice %arg5[%dma_wait3A_289, %dma_wait3A_290] : memref<81920x64xi32, #tpu.memory_space<hbm>> -> memref<128x64xi32, #tpu.memory_space<hbm>>
        tpu.wait_dma2 semaphore(%arg11 : memref<!tpu.dma_semaphore, #tpu.memory_space<semaphore_mem>>) src(%dma_wait3A_291 : memref<128x64xi32, #tpu.memory_space<hbm>>) dst(%dma_wait3A_288 : memref<128x64xi32, #tpu.memory_space<vmem>>)
        %dma_wait3A_292 = arith.constant 2 : i32
        %dma_wait3A_293 = arith.constant 0 : i32
        %dma_wait3A_294 = arith.constant 0 : i32
        %dma_wait3A_295 = tpu.memref_slice %arg9[%dma_wait3A_292, %dma_wait3A_293, %dma_wait3A_294] : memref<4x128x64xi32, #tpu.memory_space<vmem>> -> memref<1x128x64xi32, #tpu.memory_space<vmem>>
        %dma_wait3A_296 = tpu.memref_squeeze %dma_wait3A_295 : memref<1x128x64xi32, #tpu.memory_space<vmem>> -> memref<128x64xi32, #tpu.memory_space<vmem>>
        %dma_wait3A_297 = arith.constant 0 : i32
        %dma_wait3A_298 = arith.constant 0 : i32
        %dma_wait3A_299 = tpu.memref_slice %arg5[%dma_wait3A_297, %dma_wait3A_298] : memref<81920x64xi32, #tpu.memory_space<hbm>> -> memref<128x64xi32, #tpu.memory_space<hbm>>
        %dma_wait3A_300 = arith.constant 0 : i32
        %dma_wait3A_301 = arith.constant 0 : i32
        %dma_wait3A_302 = tpu.memref_slice %arg9[%dma_wait3A_292, %dma_wait3A_300, %dma_wait3A_301] : memref<4x128x64xi32, #tpu.memory_space<vmem>> -> memref<1x128x64xi32, #tpu.memory_space<vmem>>
        %dma_wait3A_303 = tpu.memref_squeeze %dma_wait3A_302 : memref<1x128x64xi32, #tpu.memory_space<vmem>> -> memref<128x64xi32, #tpu.memory_space<vmem>>
        %dma_wait3A_304 = arith.constant 0 : i32
        %dma_wait3A_305 = arith.constant 0 : i32
        %dma_wait3A_306 = tpu.memref_slice %arg5[%dma_wait3A_304, %dma_wait3A_305] : memref<81920x64xi32, #tpu.memory_space<hbm>> -> memref<128x64xi32, #tpu.memory_space<hbm>>
        tpu.wait_dma2 semaphore(%arg11 : memref<!tpu.dma_semaphore, #tpu.memory_space<semaphore_mem>>) src(%dma_wait3A_306 : memref<128x64xi32, #tpu.memory_space<hbm>>) dst(%dma_wait3A_303 : memref<128x64xi32, #tpu.memory_space<vmem>>)
        %dma_wait3A_307 = arith.constant 3 : i32
        %dma_wait3A_308 = arith.constant 0 : i32
        %dma_wait3A_309 = arith.constant 0 : i32
        %dma_wait3A_310 = tpu.memref_slice %arg9[%dma_wait3A_307, %dma_wait3A_308, %dma_wait3A_309] : memref<4x128x64xi32, #tpu.memory_space<vmem>> -> memref<1x128x64xi32, #tpu.memory_space<vmem>>
        %dma_wait3A_311 = tpu.memref_squeeze %dma_wait3A_310 : memref<1x128x64xi32, #tpu.memory_space<vmem>> -> memref<128x64xi32, #tpu.memory_space<vmem>>
        %dma_wait3A_312 = arith.constant 0 : i32
        %dma_wait3A_313 = arith.constant 0 : i32
        %dma_wait3A_314 = tpu.memref_slice %arg5[%dma_wait3A_312, %dma_wait3A_313] : memref<81920x64xi32, #tpu.memory_space<hbm>> -> memref<128x64xi32, #tpu.memory_space<hbm>>
        %dma_wait3A_315 = arith.constant 0 : i32
        %dma_wait3A_316 = arith.constant 0 : i32
        %dma_wait3A_317 = tpu.memref_slice %arg9[%dma_wait3A_307, %dma_wait3A_315, %dma_wait3A_316] : memref<4x128x64xi32, #tpu.memory_space<vmem>> -> memref<1x128x64xi32, #tpu.memory_space<vmem>>
        %dma_wait3A_318 = tpu.memref_squeeze %dma_wait3A_317 : memref<1x128x64xi32, #tpu.memory_space<vmem>> -> memref<128x64xi32, #tpu.memory_space<vmem>>
        %dma_wait3A_319 = arith.constant 0 : i32
        %dma_wait3A_320 = arith.constant 0 : i32
        %dma_wait3A_321 = tpu.memref_slice %arg5[%dma_wait3A_319, %dma_wait3A_320] : memref<81920x64xi32, #tpu.memory_space<hbm>> -> memref<128x64xi32, #tpu.memory_space<hbm>>
        tpu.wait_dma2 semaphore(%arg11 : memref<!tpu.dma_semaphore, #tpu.memory_space<semaphore_mem>>) src(%dma_wait3A_321 : memref<128x64xi32, #tpu.memory_space<hbm>>) dst(%dma_wait3A_318 : memref<128x64xi32, #tpu.memory_space<vmem>>)
      } else {
      }
      %dma_wait3A_146 = arith.constant 0 : i32
      %dma_wait3A_147 = arith.constant 0 : i32
      %dma_wait3A_148 = arith.constant 0 : i32
      %dma_wait3A_149 = tpu.memref_slice %arg9[%dma_wait3A_146, %dma_wait3A_147, %dma_wait3A_148] : memref<4x128x64xi32, #tpu.memory_space<vmem>> -> memref<1x128x64xi32, #tpu.memory_space<vmem>>
      %dma_wait3A_150 = tpu.memref_squeeze %dma_wait3A_149 : memref<1x128x64xi32, #tpu.memory_space<vmem>> -> memref<128x64xi32, #tpu.memory_space<vmem>>
      %dma_wait3A_151 = arith.constant 0 : i32
      %dma_wait3A_152 = tpu.memref_slice %arg7[%add3A_91, %dma_wait3A_151] : memref<24x128xi32, #tpu.memory_space<vmem>> -> memref<1x128xi32, #tpu.memory_space<vmem>>
      %dma_wait3A_153 = tpu.memref_squeeze %dma_wait3A_152 : memref<1x128xi32, #tpu.memory_space<vmem>> -> memref<128xi32, #tpu.memory_space<vmem>>
      %dma_wait3A_154 = arith.constant 0 : i32
      %dma_wait3A_155 = arith.constant 0 : i32
      %dma_wait3A_156 = tpu.memref_slice %arg2[%dma_wait3A_154, %dma_wait3A_155] : memref<10240x64xi32, #tpu.memory_space<hbm>> -> memref<10240x64xi32, #tpu.memory_space<hbm>>
      tpu.wait_indirect_dma semaphore(%arg10 : memref<!tpu.dma_semaphore, #tpu.memory_space<semaphore_mem>>) src(%dma_wait3A_156 : memref<10240x64xi32, #tpu.memory_space<hbm>>) dst(%dma_wait3A_150 : memref<128x64xi32, #tpu.memory_space<vmem>>)
      %add3A_157 = arith.constant 0 : i32
      %add3A_158 = arith.addi %add3A_88, %add3A_157 : i32
      %add3A_159 = arith.addi %add3A, %add3A_158 : i32
      %mul3A_160 = arith.constant 128 : i32
      %mul3A_161 = arith.muli %add3A_159, %mul3A_160 : i32
      %dma_start3A_162 = arith.constant 0 : i32
      %dma_start3A_163 = arith.constant 0 : i32
      %dma_start3A_164 = arith.constant 0 : i32
      %dma_start3A_165 = tpu.memref_slice %arg9[%dma_start3A_162, %dma_start3A_163, %dma_start3A_164] : memref<4x128x64xi32, #tpu.memory_space<vmem>> -> memref<1x128x64xi32, #tpu.memory_space<vmem>>
      %dma_start3A_166 = tpu.memref_squeeze %dma_start3A_165 : memref<1x128x64xi32, #tpu.memory_space<vmem>> -> memref<128x64xi32, #tpu.memory_space<vmem>>
      %dma_start3A_167 = arith.constant 0 : i32
      %dma_start3A_168 = tpu.memref_slice %arg5[%mul3A_161, %dma_start3A_167] : memref<81920x64xi32, #tpu.memory_space<hbm>> -> memref<128x64xi32, #tpu.memory_space<hbm>>
      %dma_start3A_169 = arith.constant 0 : i32
      %dma_start3A_170 = tpu.memref_slice %arg5[%mul3A_161, %dma_start3A_169] : memref<81920x64xi32, #tpu.memory_space<hbm>> -> memref<128x64xi32, #tpu.memory_space<hbm>>
      %dma_start3A_171 = arith.constant 0 : i32
      %dma_start3A_172 = arith.constant 0 : i32
      %dma_start3A_173 = tpu.memref_slice %arg9[%dma_start3A_162, %dma_start3A_171, %dma_start3A_172] : memref<4x128x64xi32, #tpu.memory_space<vmem>> -> memref<1x128x64xi32, #tpu.memory_space<vmem>>
      %dma_start3A_174 = tpu.memref_squeeze %dma_start3A_173 : memref<1x128x64xi32, #tpu.memory_space<vmem>> -> memref<128x64xi32, #tpu.memory_space<vmem>>
      tpu.enqueue_dma source(%dma_start3A_174 : memref<128x64xi32, #tpu.memory_space<vmem>>) target(%dma_start3A_170 : memref<128x64xi32, #tpu.memory_space<hbm>>) target_semaphore(%arg11 : memref<!tpu.dma_semaphore, #tpu.memory_space<semaphore_mem>>)
      %dma_wait3A_175 = arith.constant 1 : i32
      %dma_wait3A_176 = arith.constant 0 : i32
      %dma_wait3A_177 = arith.constant 0 : i32
      %dma_wait3A_178 = tpu.memref_slice %arg9[%dma_wait3A_175, %dma_wait3A_176, %dma_wait3A_177] : memref<4x128x64xi32, #tpu.memory_space<vmem>> -> memref<1x128x64xi32, #tpu.memory_space<vmem>>
      %dma_wait3A_179 = tpu.memref_squeeze %dma_wait3A_178 : memref<1x128x64xi32, #tpu.memory_space<vmem>> -> memref<128x64xi32, #tpu.memory_space<vmem>>
      %dma_wait3A_180 = arith.constant 0 : i32
      %dma_wait3A_181 = tpu.memref_slice %arg8[%add3A_104, %dma_wait3A_180] : memref<24x128xi32, #tpu.memory_space<vmem>> -> memref<1x128xi32, #tpu.memory_space<vmem>>
      %dma_wait3A_182 = tpu.memref_squeeze %dma_wait3A_181 : memref<1x128xi32, #tpu.memory_space<vmem>> -> memref<128xi32, #tpu.memory_space<vmem>>
      %dma_wait3A_183 = arith.constant 0 : i32
      %dma_wait3A_184 = arith.constant 0 : i32
      %dma_wait3A_185 = tpu.memref_slice %arg2[%dma_wait3A_183, %dma_wait3A_184] : memref<10240x64xi32, #tpu.memory_space<hbm>> -> memref<10240x64xi32, #tpu.memory_space<hbm>>
      tpu.wait_indirect_dma semaphore(%arg10 : memref<!tpu.dma_semaphore, #tpu.memory_space<semaphore_mem>>) src(%dma_wait3A_185 : memref<10240x64xi32, #tpu.memory_space<hbm>>) dst(%dma_wait3A_179 : memref<128x64xi32, #tpu.memory_space<vmem>>)
      %add3A_186 = arith.constant 0 : i32
      %add3A_187 = arith.addi %add3A_88, %add3A_186 : i32
      %add3A_188 = arith.addi %add3A, %add3A_187 : i32
      %mul3A_189 = arith.constant 128 : i32
      %mul3A_190 = arith.muli %add3A_188, %mul3A_189 : i32
      %dma_start3A_191 = arith.constant 1 : i32
      %dma_start3A_192 = arith.constant 0 : i32
      %dma_start3A_193 = arith.constant 0 : i32
      %dma_start3A_194 = tpu.memref_slice %arg9[%dma_start3A_191, %dma_start3A_192, %dma_start3A_193] : memref<4x128x64xi32, #tpu.memory_space<vmem>> -> memref<1x128x64xi32, #tpu.memory_space<vmem>>
      %dma_start3A_195 = tpu.memref_squeeze %dma_start3A_194 : memref<1x128x64xi32, #tpu.memory_space<vmem>> -> memref<128x64xi32, #tpu.memory_space<vmem>>
      %dma_start3A_196 = arith.constant 0 : i32
      %dma_start3A_197 = tpu.memref_slice %arg6[%mul3A_190, %dma_start3A_196] : memref<81920x64xi32, #tpu.memory_space<hbm>> -> memref<128x64xi32, #tpu.memory_space<hbm>>
      %dma_start3A_198 = arith.constant 0 : i32
      %dma_start3A_199 = tpu.memref_slice %arg6[%mul3A_190, %dma_start3A_198] : memref<81920x64xi32, #tpu.memory_space<hbm>> -> memref<128x64xi32, #tpu.memory_space<hbm>>
      %dma_start3A_200 = arith.constant 0 : i32
      %dma_start3A_201 = arith.constant 0 : i32
      %dma_start3A_202 = tpu.memref_slice %arg9[%dma_start3A_191, %dma_start3A_200, %dma_start3A_201] : memref<4x128x64xi32, #tpu.memory_space<vmem>> -> memref<1x128x64xi32, #tpu.memory_space<vmem>>
      %dma_start3A_203 = tpu.memref_squeeze %dma_start3A_202 : memref<1x128x64xi32, #tpu.memory_space<vmem>> -> memref<128x64xi32, #tpu.memory_space<vmem>>
      tpu.enqueue_dma source(%dma_start3A_203 : memref<128x64xi32, #tpu.memory_space<vmem>>) target(%dma_start3A_199 : memref<128x64xi32, #tpu.memory_space<hbm>>) target_semaphore(%arg11 : memref<!tpu.dma_semaphore, #tpu.memory_space<semaphore_mem>>)
      %dma_wait3A_204 = arith.constant 2 : i32
      %dma_wait3A_205 = arith.constant 0 : i32
      %dma_wait3A_206 = arith.constant 0 : i32
      %dma_wait3A_207 = tpu.memref_slice %arg9[%dma_wait3A_204, %dma_wait3A_205, %dma_wait3A_206] : memref<4x128x64xi32, #tpu.memory_space<vmem>> -> memref<1x128x64xi32, #tpu.memory_space<vmem>>
      %dma_wait3A_208 = tpu.memref_squeeze %dma_wait3A_207 : memref<1x128x64xi32, #tpu.memory_space<vmem>> -> memref<128x64xi32, #tpu.memory_space<vmem>>
      %dma_wait3A_209 = arith.constant 0 : i32
      %dma_wait3A_210 = tpu.memref_slice %arg7[%add3A_118, %dma_wait3A_209] : memref<24x128xi32, #tpu.memory_space<vmem>> -> memref<1x128xi32, #tpu.memory_space<vmem>>
      %dma_wait3A_211 = tpu.memref_squeeze %dma_wait3A_210 : memref<1x128xi32, #tpu.memory_space<vmem>> -> memref<128xi32, #tpu.memory_space<vmem>>
      %dma_wait3A_212 = arith.constant 0 : i32
      %dma_wait3A_213 = arith.constant 0 : i32
      %dma_wait3A_214 = tpu.memref_slice %arg2[%dma_wait3A_212, %dma_wait3A_213] : memref<10240x64xi32, #tpu.memory_space<hbm>> -> memref<10240x64xi32, #tpu.memory_space<hbm>>
      tpu.wait_indirect_dma semaphore(%arg10 : memref<!tpu.dma_semaphore, #tpu.memory_space<semaphore_mem>>) src(%dma_wait3A_214 : memref<10240x64xi32, #tpu.memory_space<hbm>>) dst(%dma_wait3A_208 : memref<128x64xi32, #tpu.memory_space<vmem>>)
      %add3A_215 = arith.constant 1 : i32
      %add3A_216 = arith.addi %add3A_88, %add3A_215 : i32
      %add3A_217 = arith.addi %add3A, %add3A_216 : i32
      %mul3A_218 = arith.constant 128 : i32
      %mul3A_219 = arith.muli %add3A_217, %mul3A_218 : i32
      %dma_start3A_220 = arith.constant 2 : i32
      %dma_start3A_221 = arith.constant 0 : i32
      %dma_start3A_222 = arith.constant 0 : i32
      %dma_start3A_223 = tpu.memref_slice %arg9[%dma_start3A_220, %dma_start3A_221, %dma_start3A_222] : memref<4x128x64xi32, #tpu.memory_space<vmem>> -> memref<1x128x64xi32, #tpu.memory_space<vmem>>
      %dma_start3A_224 = tpu.memref_squeeze %dma_start3A_223 : memref<1x128x64xi32, #tpu.memory_space<vmem>> -> memref<128x64xi32, #tpu.memory_space<vmem>>
      %dma_start3A_225 = arith.constant 0 : i32
      %dma_start3A_226 = tpu.memref_slice %arg5[%mul3A_219, %dma_start3A_225] : memref<81920x64xi32, #tpu.memory_space<hbm>> -> memref<128x64xi32, #tpu.memory_space<hbm>>
      %dma_start3A_227 = arith.constant 0 : i32
      %dma_start3A_228 = tpu.memref_slice %arg5[%mul3A_219, %dma_start3A_227] : memref<81920x64xi32, #tpu.memory_space<hbm>> -> memref<128x64xi32, #tpu.memory_space<hbm>>
      %dma_start3A_229 = arith.constant 0 : i32
      %dma_start3A_230 = arith.constant 0 : i32
      %dma_start3A_231 = tpu.memref_slice %arg9[%dma_start3A_220, %dma_start3A_229, %dma_start3A_230] : memref<4x128x64xi32, #tpu.memory_space<vmem>> -> memref<1x128x64xi32, #tpu.memory_space<vmem>>
      %dma_start3A_232 = tpu.memref_squeeze %dma_start3A_231 : memref<1x128x64xi32, #tpu.memory_space<vmem>> -> memref<128x64xi32, #tpu.memory_space<vmem>>
      tpu.enqueue_dma source(%dma_start3A_232 : memref<128x64xi32, #tpu.memory_space<vmem>>) target(%dma_start3A_228 : memref<128x64xi32, #tpu.memory_space<hbm>>) target_semaphore(%arg11 : memref<!tpu.dma_semaphore, #tpu.memory_space<semaphore_mem>>)
      %dma_wait3A_233 = arith.constant 3 : i32
      %dma_wait3A_234 = arith.constant 0 : i32
      %dma_wait3A_235 = arith.constant 0 : i32
      %dma_wait3A_236 = tpu.memref_slice %arg9[%dma_wait3A_233, %dma_wait3A_234, %dma_wait3A_235] : memref<4x128x64xi32, #tpu.memory_space<vmem>> -> memref<1x128x64xi32, #tpu.memory_space<vmem>>
      %dma_wait3A_237 = tpu.memref_squeeze %dma_wait3A_236 : memref<1x128x64xi32, #tpu.memory_space<vmem>> -> memref<128x64xi32, #tpu.memory_space<vmem>>
      %dma_wait3A_238 = arith.constant 0 : i32
      %dma_wait3A_239 = tpu.memref_slice %arg8[%add3A_132, %dma_wait3A_238] : memref<24x128xi32, #tpu.memory_space<vmem>> -> memref<1x128xi32, #tpu.memory_space<vmem>>
      %dma_wait3A_240 = tpu.memref_squeeze %dma_wait3A_239 : memref<1x128xi32, #tpu.memory_space<vmem>> -> memref<128xi32, #tpu.memory_space<vmem>>
      %dma_wait3A_241 = arith.constant 0 : i32
      %dma_wait3A_242 = arith.constant 0 : i32
      %dma_wait3A_243 = tpu.memref_slice %arg2[%dma_wait3A_241, %dma_wait3A_242] : memref<10240x64xi32, #tpu.memory_space<hbm>> -> memref<10240x64xi32, #tpu.memory_space<hbm>>
      tpu.wait_indirect_dma semaphore(%arg10 : memref<!tpu.dma_semaphore, #tpu.memory_space<semaphore_mem>>) src(%dma_wait3A_243 : memref<10240x64xi32, #tpu.memory_space<hbm>>) dst(%dma_wait3A_237 : memref<128x64xi32, #tpu.memory_space<vmem>>)
      %add3A_244 = arith.constant 1 : i32
      %add3A_245 = arith.addi %add3A_88, %add3A_244 : i32
      %add3A_246 = arith.addi %add3A, %add3A_245 : i32
      %mul3A_247 = arith.constant 128 : i32
      %mul3A_248 = arith.muli %add3A_246, %mul3A_247 : i32
      %dma_start3A_249 = arith.constant 3 : i32
      %dma_start3A_250 = arith.constant 0 : i32
      %dma_start3A_251 = arith.constant 0 : i32
      %dma_start3A_252 = tpu.memref_slice %arg9[%dma_start3A_249, %dma_start3A_250, %dma_start3A_251] : memref<4x128x64xi32, #tpu.memory_space<vmem>> -> memref<1x128x64xi32, #tpu.memory_space<vmem>>
      %dma_start3A_253 = tpu.memref_squeeze %dma_start3A_252 : memref<1x128x64xi32, #tpu.memory_space<vmem>> -> memref<128x64xi32, #tpu.memory_space<vmem>>
      %dma_start3A_254 = arith.constant 0 : i32
      %dma_start3A_255 = tpu.memref_slice %arg6[%mul3A_248, %dma_start3A_254] : memref<81920x64xi32, #tpu.memory_space<hbm>> -> memref<128x64xi32, #tpu.memory_space<hbm>>
      %dma_start3A_256 = arith.constant 0 : i32
      %dma_start3A_257 = tpu.memref_slice %arg6[%mul3A_248, %dma_start3A_256] : memref<81920x64xi32, #tpu.memory_space<hbm>> -> memref<128x64xi32, #tpu.memory_space<hbm>>
      %dma_start3A_258 = arith.constant 0 : i32
      %dma_start3A_259 = arith.constant 0 : i32
      %dma_start3A_260 = tpu.memref_slice %arg9[%dma_start3A_249, %dma_start3A_258, %dma_start3A_259] : memref<4x128x64xi32, #tpu.memory_space<vmem>> -> memref<1x128x64xi32, #tpu.memory_space<vmem>>
      %dma_start3A_261 = tpu.memref_squeeze %dma_start3A_260 : memref<1x128x64xi32, #tpu.memory_space<vmem>> -> memref<128x64xi32, #tpu.memory_space<vmem>>
      tpu.enqueue_dma source(%dma_start3A_261 : memref<128x64xi32, #tpu.memory_space<vmem>>) target(%dma_start3A_257 : memref<128x64xi32, #tpu.memory_space<hbm>>) target_semaphore(%arg11 : memref<!tpu.dma_semaphore, #tpu.memory_space<semaphore_mem>>)
    }
    %dma_wait3A = arith.constant 0 : i32
    %dma_wait3A_27 = arith.constant 0 : i32
    %dma_wait3A_28 = arith.constant 0 : i32
    %dma_wait3A_29 = tpu.memref_slice %arg9[%dma_wait3A, %dma_wait3A_27, %dma_wait3A_28] : memref<4x128x64xi32, #tpu.memory_space<vmem>> -> memref<1x128x64xi32, #tpu.memory_space<vmem>>
    %dma_wait3A_30 = tpu.memref_squeeze %dma_wait3A_29 : memref<1x128x64xi32, #tpu.memory_space<vmem>> -> memref<128x64xi32, #tpu.memory_space<vmem>>
    %dma_wait3A_31 = arith.constant 0 : i32
    %dma_wait3A_32 = arith.constant 0 : i32
    %dma_wait3A_33 = tpu.memref_slice %arg5[%dma_wait3A_31, %dma_wait3A_32] : memref<81920x64xi32, #tpu.memory_space<hbm>> -> memref<128x64xi32, #tpu.memory_space<hbm>>
    %dma_wait3A_34 = arith.constant 0 : i32
    %dma_wait3A_35 = arith.constant 0 : i32
    %dma_wait3A_36 = tpu.memref_slice %arg9[%dma_wait3A, %dma_wait3A_34, %dma_wait3A_35] : memref<4x128x64xi32, #tpu.memory_space<vmem>> -> memref<1x128x64xi32, #tpu.memory_space<vmem>>
    %dma_wait3A_37 = tpu.memref_squeeze %dma_wait3A_36 : memref<1x128x64xi32, #tpu.memory_space<vmem>> -> memref<128x64xi32, #tpu.memory_space<vmem>>
    %dma_wait3A_38 = arith.constant 0 : i32
    %dma_wait3A_39 = arith.constant 0 : i32
    %dma_wait3A_40 = tpu.memref_slice %arg5[%dma_wait3A_38, %dma_wait3A_39] : memref<81920x64xi32, #tpu.memory_space<hbm>> -> memref<128x64xi32, #tpu.memory_space<hbm>>
    tpu.wait_dma2 semaphore(%arg11 : memref<!tpu.dma_semaphore, #tpu.memory_space<semaphore_mem>>) src(%dma_wait3A_40 : memref<128x64xi32, #tpu.memory_space<hbm>>) dst(%dma_wait3A_37 : memref<128x64xi32, #tpu.memory_space<vmem>>)
    %dma_wait3A_41 = arith.constant 1 : i32
    %dma_wait3A_42 = arith.constant 0 : i32
    %dma_wait3A_43 = arith.constant 0 : i32
    %dma_wait3A_44 = tpu.memref_slice %arg9[%dma_wait3A_41, %dma_wait3A_42, %dma_wait3A_43] : memref<4x128x64xi32, #tpu.memory_space<vmem>> -> memref<1x128x64xi32, #tpu.memory_space<vmem>>
    %dma_wait3A_45 = tpu.memref_squeeze %dma_wait3A_44 : memref<1x128x64xi32, #tpu.memory_space<vmem>> -> memref<128x64xi32, #tpu.memory_space<vmem>>
    %dma_wait3A_46 = arith.constant 0 : i32
    %dma_wait3A_47 = arith.constant 0 : i32
    %dma_wait3A_48 = tpu.memref_slice %arg5[%dma_wait3A_46, %dma_wait3A_47] : memref<81920x64xi32, #tpu.memory_space<hbm>> -> memref<128x64xi32, #tpu.memory_space<hbm>>
    %dma_wait3A_49 = arith.constant 0 : i32
    %dma_wait3A_50 = arith.constant 0 : i32
    %dma_wait3A_51 = tpu.memref_slice %arg9[%dma_wait3A_41, %dma_wait3A_49, %dma_wait3A_50] : memref<4x128x64xi32, #tpu.memory_space<vmem>> -> memref<1x128x64xi32, #tpu.memory_space<vmem>>
    %dma_wait3A_52 = tpu.memref_squeeze %dma_wait3A_51 : memref<1x128x64xi32, #tpu.memory_space<vmem>> -> memref<128x64xi32, #tpu.memory_space<vmem>>
    %dma_wait3A_53 = arith.constant 0 : i32
    %dma_wait3A_54 = arith.constant 0 : i32
    %dma_wait3A_55 = tpu.memref_slice %arg5[%dma_wait3A_53, %dma_wait3A_54] : memref<81920x64xi32, #tpu.memory_space<hbm>> -> memref<128x64xi32, #tpu.memory_space<hbm>>
    tpu.wait_dma2 semaphore(%arg11 : memref<!tpu.dma_semaphore, #tpu.memory_space<semaphore_mem>>) src(%dma_wait3A_55 : memref<128x64xi32, #tpu.memory_space<hbm>>) dst(%dma_wait3A_52 : memref<128x64xi32, #tpu.memory_space<vmem>>)
    %dma_wait3A_56 = arith.constant 2 : i32
    %dma_wait3A_57 = arith.constant 0 : i32
    %dma_wait3A_58 = arith.constant 0 : i32
    %dma_wait3A_59 = tpu.memref_slice %arg9[%dma_wait3A_56, %dma_wait3A_57, %dma_wait3A_58] : memref<4x128x64xi32, #tpu.memory_space<vmem>> -> memref<1x128x64xi32, #tpu.memory_space<vmem>>
    %dma_wait3A_60 = tpu.memref_squeeze %dma_wait3A_59 : memref<1x128x64xi32, #tpu.memory_space<vmem>> -> memref<128x64xi32, #tpu.memory_space<vmem>>
    %dma_wait3A_61 = arith.constant 0 : i32
    %dma_wait3A_62 = arith.constant 0 : i32
    %dma_wait3A_63 = tpu.memref_slice %arg5[%dma_wait3A_61, %dma_wait3A_62] : memref<81920x64xi32, #tpu.memory_space<hbm>> -> memref<128x64xi32, #tpu.memory_space<hbm>>
    %dma_wait3A_64 = arith.constant 0 : i32
    %dma_wait3A_65 = arith.constant 0 : i32
    %dma_wait3A_66 = tpu.memref_slice %arg9[%dma_wait3A_56, %dma_wait3A_64, %dma_wait3A_65] : memref<4x128x64xi32, #tpu.memory_space<vmem>> -> memref<1x128x64xi32, #tpu.memory_space<vmem>>
    %dma_wait3A_67 = tpu.memref_squeeze %dma_wait3A_66 : memref<1x128x64xi32, #tpu.memory_space<vmem>> -> memref<128x64xi32, #tpu.memory_space<vmem>>
    %dma_wait3A_68 = arith.constant 0 : i32
    %dma_wait3A_69 = arith.constant 0 : i32
    %dma_wait3A_70 = tpu.memref_slice %arg5[%dma_wait3A_68, %dma_wait3A_69] : memref<81920x64xi32, #tpu.memory_space<hbm>> -> memref<128x64xi32, #tpu.memory_space<hbm>>
    tpu.wait_dma2 semaphore(%arg11 : memref<!tpu.dma_semaphore, #tpu.memory_space<semaphore_mem>>) src(%dma_wait3A_70 : memref<128x64xi32, #tpu.memory_space<hbm>>) dst(%dma_wait3A_67 : memref<128x64xi32, #tpu.memory_space<vmem>>)
    %dma_wait3A_71 = arith.constant 3 : i32
    %dma_wait3A_72 = arith.constant 0 : i32
    %dma_wait3A_73 = arith.constant 0 : i32
    %dma_wait3A_74 = tpu.memref_slice %arg9[%dma_wait3A_71, %dma_wait3A_72, %dma_wait3A_73] : memref<4x128x64xi32, #tpu.memory_space<vmem>> -> memref<1x128x64xi32, #tpu.memory_space<vmem>>
    %dma_wait3A_75 = tpu.memref_squeeze %dma_wait3A_74 : memref<1x128x64xi32, #tpu.memory_space<vmem>> -> memref<128x64xi32, #tpu.memory_space<vmem>>
    %dma_wait3A_76 = arith.constant 0 : i32
    %dma_wait3A_77 = arith.constant 0 : i32
    %dma_wait3A_78 = tpu.memref_slice %arg5[%dma_wait3A_76, %dma_wait3A_77] : memref<81920x64xi32, #tpu.memory_space<hbm>> -> memref<128x64xi32, #tpu.memory_space<hbm>>
    %dma_wait3A_79 = arith.constant 0 : i32
    %dma_wait3A_80 = arith.constant 0 : i32
    %dma_wait3A_81 = tpu.memref_slice %arg9[%dma_wait3A_71, %dma_wait3A_79, %dma_wait3A_80] : memref<4x128x64xi32, #tpu.memory_space<vmem>> -> memref<1x128x64xi32, #tpu.memory_space<vmem>>
    %dma_wait3A_82 = tpu.memref_squeeze %dma_wait3A_81 : memref<1x128x64xi32, #tpu.memory_space<vmem>> -> memref<128x64xi32, #tpu.memory_space<vmem>>
    %dma_wait3A_83 = arith.constant 0 : i32
    %dma_wait3A_84 = arith.constant 0 : i32
    %dma_wait3A_85 = tpu.memref_slice %arg5[%dma_wait3A_83, %dma_wait3A_84] : memref<81920x64xi32, #tpu.memory_space<hbm>> -> memref<128x64xi32, #tpu.memory_space<hbm>>
    tpu.wait_dma2 semaphore(%arg11 : memref<!tpu.dma_semaphore, #tpu.memory_space<semaphore_mem>>) src(%dma_wait3A_85 : memref<128x64xi32, #tpu.memory_space<hbm>>) dst(%dma_wait3A_82 : memref<128x64xi32, #tpu.memory_space<vmem>>)
    return
  }
}

#map = affine_map<(d0, d1) -> (0, 0)>
module attributes {stable_mosaic.version = 14 : i64} {
  func.func @_gather_sc_body(%arg0: i32, %arg1: i32, %arg2: memref<10240x64xi32, #tpu.memory_space<hbm>>, %arg3: memref<640x128xi32, #tpu.memory_space<hbm>>, %arg4: memref<640x128xi32, #tpu.memory_space<hbm>>, %arg5: memref<81920x64xi32, #tpu.memory_space<hbm>>, %arg6: memref<81920x64xi32, #tpu.memory_space<hbm>>, %arg7: memref<24x128xi32, #tpu.memory_space<vmem>>, %arg8: memref<24x128xi32, #tpu.memory_space<vmem>>, %arg9: memref<4x128x64xi32, #tpu.memory_space<vmem>>, %arg10: memref<!tpu.dma_semaphore, #tpu.memory_space<semaphore_mem>>, %arg11: memref<!tpu.dma_semaphore, #tpu.memory_space<semaphore_mem>>) attributes {dimension_semantics = [#tpu.dimension_semantics<core_parallel>, #tpu.dimension_semantics<subcore_parallel>], iteration_bounds = array<i64: 2, 16>, scalar_prefetch = 0 : i64, scratch_operands = 5 : i64, tpu.core_type = #tpu.core_type<sc_vector_subcore>, window_params = [{transform_indices = #map}, {transform_indices = #map}, {transform_indices = #map}, {transform_indices = #map}, {transform_indices = #map}]} {
    %mul3A = arith.constant 2 : i32
    %mul3A_0 = arith.muli %arg1, %mul3A : i32
    %mul3A_1 = arith.constant 20 : i32
    %mul3A_2 = arith.muli %mul3A_0, %mul3A_1 : i32
    %mul3A_3 = arith.constant 24 : i32
    %mul3A_4 = arith.muli %arg0, %mul3A_3 : i32
    %add3A = arith.addi %mul3A_2, %mul3A_4 : i32
    %mul3A_5 = arith.constant 8 : i32
    %mul3A_6 = arith.muli %mul3A_5, %arg0 : i32
    %sub3A = arith.constant 24 : i32
    %sub3A_7 = arith.subi %sub3A, %mul3A_6 : i32
    %min3A = arith.constant 616 : i32
    %min3A_8 = arith.minsi %add3A, %min3A : i32
    %sub3A_9 = arith.subi %add3A, %min3A_8 : i32
    "tpu.region"() ({
      %run_scoped3A = tpu.sem_alloc : memref<!tpu.dma_semaphore, #tpu.memory_space<semaphore_mem>>
      %dma_start3A = arith.constant 0 : i32
      %dma_start3A_86 = tpu.memref_slice %arg3[%min3A_8, %dma_start3A] : memref<640x128xi32, #tpu.memory_space<hbm>> -> memref<24x128xi32, #tpu.memory_space<hbm>>
      %dma_start3A_87 = arith.constant 0 : i32
      %dma_start3A_88 = tpu.memref_slice %arg3[%min3A_8, %dma_start3A_87] : memref<640x128xi32, #tpu.memory_space<hbm>> -> memref<24x128xi32, #tpu.memory_space<hbm>>
      tpu.enqueue_dma source(%dma_start3A_88 : memref<24x128xi32, #tpu.memory_space<hbm>>) target(%arg7 : memref<24x128xi32, #tpu.memory_space<vmem>>) target_semaphore(%run_scoped3A : memref<!tpu.dma_semaphore, #tpu.memory_space<semaphore_mem>>)
      %dma_wait3A_89 = arith.constant 0 : i32
      %dma_wait3A_90 = tpu.memref_slice %arg3[%min3A_8, %dma_wait3A_89] : memref<640x128xi32, #tpu.memory_space<hbm>> -> memref<24x128xi32, #tpu.memory_space<hbm>>
      %dma_wait3A_91 = arith.constant 0 : i32
      %dma_wait3A_92 = tpu.memref_slice %arg3[%min3A_8, %dma_wait3A_91] : memref<640x128xi32, #tpu.memory_space<hbm>> -> memref<24x128xi32, #tpu.memory_space<hbm>>
      tpu.wait_dma2 semaphore(%run_scoped3A : memref<!tpu.dma_semaphore, #tpu.memory_space<semaphore_mem>>) src(%dma_wait3A_92 : memref<24x128xi32, #tpu.memory_space<hbm>>) dst(%arg7 : memref<24x128xi32, #tpu.memory_space<vmem>>)
      tpu.yield
    }) : () -> ()
    "tpu.region"() ({
      %run_scoped3A = tpu.sem_alloc : memref<!tpu.dma_semaphore, #tpu.memory_space<semaphore_mem>>
      %dma_start3A = arith.constant 0 : i32
      %dma_start3A_86 = tpu.memref_slice %arg4[%min3A_8, %dma_start3A] : memref<640x128xi32, #tpu.memory_space<hbm>> -> memref<24x128xi32, #tpu.memory_space<hbm>>
      %dma_start3A_87 = arith.constant 0 : i32
      %dma_start3A_88 = tpu.memref_slice %arg4[%min3A_8, %dma_start3A_87] : memref<640x128xi32, #tpu.memory_space<hbm>> -> memref<24x128xi32, #tpu.memory_space<hbm>>
      tpu.enqueue_dma source(%dma_start3A_88 : memref<24x128xi32, #tpu.memory_space<hbm>>) target(%arg8 : memref<24x128xi32, #tpu.memory_space<vmem>>) target_semaphore(%run_scoped3A : memref<!tpu.dma_semaphore, #tpu.memory_space<semaphore_mem>>)
      %dma_wait3A_89 = arith.constant 0 : i32
      %dma_wait3A_90 = tpu.memref_slice %arg4[%min3A_8, %dma_wait3A_89] : memref<640x128xi32, #tpu.memory_space<hbm>> -> memref<24x128xi32, #tpu.memory_space<hbm>>
      %dma_wait3A_91 = arith.constant 0 : i32
      %dma_wait3A_92 = tpu.memref_slice %arg4[%min3A_8, %dma_wait3A_91] : memref<640x128xi32, #tpu.memory_space<hbm>> -> memref<24x128xi32, #tpu.memory_space<hbm>>
      tpu.wait_dma2 semaphore(%run_scoped3A : memref<!tpu.dma_semaphore, #tpu.memory_space<semaphore_mem>>) src(%dma_wait3A_92 : memref<24x128xi32, #tpu.memory_space<hbm>>) dst(%arg8 : memref<24x128xi32, #tpu.memory_space<vmem>>)
      tpu.yield
    }) : () -> ()
    %sub3A_10 = arith.constant 0 : i32
    %sub3A_11 = arith.subi %sub3A_7, %sub3A_10 : i32
    %sub3A_12 = arith.constant 2 : i32
    %sub3A_13 = arith.constant 1 : i32
    %sub3A_14 = arith.subi %sub3A_12, %sub3A_13 : i32
    %add3A_15 = arith.addi %sub3A_11, %sub3A_14 : i32
    %div3A = arith.constant 2 : i32
    %div3A_16 = arith.divsi %add3A_15, %div3A : i32
    %while3A = arith.constant 2 : i32
    %while3A_17 = arith.constant 0 : i32
    %while3A_18 = arith.constant 0 : i32
    %while3A_19 = arith.subi %div3A_16, %while3A_18 : i32
    %while3A_20 = arith.addi %while3A_18, %while3A_19 : i32
    %while3A_21 = arith.constant 1 : i32
    %while3A_22 = arith.divsi %while3A_19, %while3A_21 : i32
    %while3A_23 = arith.muli %while3A_22, %while3A_21 : i32
    %while3A_24 = arith.addi %while3A_18, %while3A_23 : i32
    %while3A_25 = arith.constant 1 : i32
    scf.for %while3A_86 = %while3A_18 to %while3A_24 step %while3A_25  : i32 {
      %mul3A_87 = arith.muli %while3A_86, %while3A : i32
      %add3A_88 = arith.addi %while3A_17, %mul3A_87 : i32
      %add3A_89 = arith.constant 0 : i32
      %add3A_90 = arith.addi %add3A_88, %add3A_89 : i32
      %add3A_91 = arith.addi %sub3A_9, %add3A_90 : i32
      %dma_start3A = arith.constant 0 : i32
      %dma_start3A_92 = arith.constant 0 : i32
      %dma_start3A_93 = arith.constant 0 : i32
      %dma_start3A_94 = tpu.memref_slice %arg9[%dma_start3A, %dma_start3A_92, %dma_start3A_93] : memref<4x128x64xi32, #tpu.memory_space<vmem>> -> memref<1x128x64xi32, #tpu.memory_space<vmem>>
      %dma_start3A_95 = tpu.memref_squeeze %dma_start3A_94 : memref<1x128x64xi32, #tpu.memory_space<vmem>> -> memref<128x64xi32, #tpu.memory_space<vmem>>
      %dma_start3A_96 = arith.constant 0 : i32
      %dma_start3A_97 = tpu.memref_slice %arg7[%add3A_91, %dma_start3A_96] : memref<24x128xi32, #tpu.memory_space<vmem>> -> memref<1x128xi32, #tpu.memory_space<vmem>>
      %dma_start3A_98 = tpu.memref_squeeze %dma_start3A_97 : memref<1x128xi32, #tpu.memory_space<vmem>> -> memref<128xi32, #tpu.memory_space<vmem>>
      %dma_start3A_99 = arith.constant 0 : i32
      %dma_start3A_100 = arith.constant 0 : i32
      %dma_start3A_101 = tpu.memref_slice %arg2[%dma_start3A_99, %dma_start3A_100] : memref<10240x64xi32, #tpu.memory_space<hbm>> -> memref<10240x64xi32, #tpu.memory_space<hbm>>
      tpu.enqueue_indirect_dma source(%dma_start3A_101 : memref<10240x64xi32, #tpu.memory_space<hbm>>) target(%dma_start3A_95 : memref<128x64xi32, #tpu.memory_space<vmem>>) offsets(%dma_start3A_98 : memref<128xi32, #tpu.memory_space<vmem>>) semaphore(%arg10 : memref<!tpu.dma_semaphore, #tpu.memory_space<semaphore_mem>>)
      %add3A_102 = arith.constant 0 : i32
      %add3A_103 = arith.addi %add3A_88, %add3A_102 : i32
      %add3A_104 = arith.addi %sub3A_9, %add3A_103 : i32
      %dma_start3A_105 = arith.constant 1 : i32
      %dma_start3A_106 = arith.constant 0 : i32
      %dma_start3A_107 = arith.constant 0 : i32
      %dma_start3A_108 = tpu.memref_slice %arg9[%dma_start3A_105, %dma_start3A_106, %dma_start3A_107] : memref<4x128x64xi32, #tpu.memory_space<vmem>> -> memref<1x128x64xi32, #tpu.memory_space<vmem>>
      %dma_start3A_109 = tpu.memref_squeeze %dma_start3A_108 : memref<1x128x64xi32, #tpu.memory_space<vmem>> -> memref<128x64xi32, #tpu.memory_space<vmem>>
      %dma_start3A_110 = arith.constant 0 : i32
      %dma_start3A_111 = tpu.memref_slice %arg8[%add3A_104, %dma_start3A_110] : memref<24x128xi32, #tpu.memory_space<vmem>> -> memref<1x128xi32, #tpu.memory_space<vmem>>
      %dma_start3A_112 = tpu.memref_squeeze %dma_start3A_111 : memref<1x128xi32, #tpu.memory_space<vmem>> -> memref<128xi32, #tpu.memory_space<vmem>>
      %dma_start3A_113 = arith.constant 0 : i32
      %dma_start3A_114 = arith.constant 0 : i32
      %dma_start3A_115 = tpu.memref_slice %arg2[%dma_start3A_113, %dma_start3A_114] : memref<10240x64xi32, #tpu.memory_space<hbm>> -> memref<10240x64xi32, #tpu.memory_space<hbm>>
      tpu.enqueue_indirect_dma source(%dma_start3A_115 : memref<10240x64xi32, #tpu.memory_space<hbm>>) target(%dma_start3A_109 : memref<128x64xi32, #tpu.memory_space<vmem>>) offsets(%dma_start3A_112 : memref<128xi32, #tpu.memory_space<vmem>>) semaphore(%arg10 : memref<!tpu.dma_semaphore, #tpu.memory_space<semaphore_mem>>)
      %add3A_116 = arith.constant 1 : i32
      %add3A_117 = arith.addi %add3A_88, %add3A_116 : i32
      %add3A_118 = arith.addi %sub3A_9, %add3A_117 : i32
      %dma_start3A_119 = arith.constant 2 : i32
      %dma_start3A_120 = arith.constant 0 : i32
      %dma_start3A_121 = arith.constant 0 : i32
      %dma_start3A_122 = tpu.memref_slice %arg9[%dma_start3A_119, %dma_start3A_120, %dma_start3A_121] : memref<4x128x64xi32, #tpu.memory_space<vmem>> -> memref<1x128x64xi32, #tpu.memory_space<vmem>>
      %dma_start3A_123 = tpu.memref_squeeze %dma_start3A_122 : memref<1x128x64xi32, #tpu.memory_space<vmem>> -> memref<128x64xi32, #tpu.memory_space<vmem>>
      %dma_start3A_124 = arith.constant 0 : i32
      %dma_start3A_125 = tpu.memref_slice %arg7[%add3A_118, %dma_start3A_124] : memref<24x128xi32, #tpu.memory_space<vmem>> -> memref<1x128xi32, #tpu.memory_space<vmem>>
      %dma_start3A_126 = tpu.memref_squeeze %dma_start3A_125 : memref<1x128xi32, #tpu.memory_space<vmem>> -> memref<128xi32, #tpu.memory_space<vmem>>
      %dma_start3A_127 = arith.constant 0 : i32
      %dma_start3A_128 = arith.constant 0 : i32
      %dma_start3A_129 = tpu.memref_slice %arg2[%dma_start3A_127, %dma_start3A_128] : memref<10240x64xi32, #tpu.memory_space<hbm>> -> memref<10240x64xi32, #tpu.memory_space<hbm>>
      tpu.enqueue_indirect_dma source(%dma_start3A_129 : memref<10240x64xi32, #tpu.memory_space<hbm>>) target(%dma_start3A_123 : memref<128x64xi32, #tpu.memory_space<vmem>>) offsets(%dma_start3A_126 : memref<128xi32, #tpu.memory_space<vmem>>) semaphore(%arg10 : memref<!tpu.dma_semaphore, #tpu.memory_space<semaphore_mem>>)
      %add3A_130 = arith.constant 1 : i32
      %add3A_131 = arith.addi %add3A_88, %add3A_130 : i32
      %add3A_132 = arith.addi %sub3A_9, %add3A_131 : i32
      %dma_start3A_133 = arith.constant 3 : i32
      %dma_start3A_134 = arith.constant 0 : i32
      %dma_start3A_135 = arith.constant 0 : i32
      %dma_start3A_136 = tpu.memref_slice %arg9[%dma_start3A_133, %dma_start3A_134, %dma_start3A_135] : memref<4x128x64xi32, #tpu.memory_space<vmem>> -> memref<1x128x64xi32, #tpu.memory_space<vmem>>
      %dma_start3A_137 = tpu.memref_squeeze %dma_start3A_136 : memref<1x128x64xi32, #tpu.memory_space<vmem>> -> memref<128x64xi32, #tpu.memory_space<vmem>>
      %dma_start3A_138 = arith.constant 0 : i32
      %dma_start3A_139 = tpu.memref_slice %arg8[%add3A_132, %dma_start3A_138] : memref<24x128xi32, #tpu.memory_space<vmem>> -> memref<1x128xi32, #tpu.memory_space<vmem>>
      %dma_start3A_140 = tpu.memref_squeeze %dma_start3A_139 : memref<1x128xi32, #tpu.memory_space<vmem>> -> memref<128xi32, #tpu.memory_space<vmem>>
      %dma_start3A_141 = arith.constant 0 : i32
      %dma_start3A_142 = arith.constant 0 : i32
      %dma_start3A_143 = tpu.memref_slice %arg2[%dma_start3A_141, %dma_start3A_142] : memref<10240x64xi32, #tpu.memory_space<hbm>> -> memref<10240x64xi32, #tpu.memory_space<hbm>>
      tpu.enqueue_indirect_dma source(%dma_start3A_143 : memref<10240x64xi32, #tpu.memory_space<hbm>>) target(%dma_start3A_137 : memref<128x64xi32, #tpu.memory_space<vmem>>) offsets(%dma_start3A_140 : memref<128xi32, #tpu.memory_space<vmem>>) semaphore(%arg10 : memref<!tpu.dma_semaphore, #tpu.memory_space<semaphore_mem>>)
      %gt3A = arith.constant 0 : i32
      %gt3A_144 = arith.cmpi sgt, %add3A_88, %gt3A : i32
      %convert_element_type3A = arith.extui %gt3A_144 : i1 to i32
      %cond3A = arith.constant 0 : i32
      %cond3A_145 = arith.cmpi ne, %convert_element_type3A, %cond3A : i32
      scf.if %cond3A_145 {
        %dma_wait3A_262 = arith.constant 0 : i32
        %dma_wait3A_263 = arith.constant 0 : i32
        %dma_wait3A_264 = arith.constant 0 : i32
        %dma_wait3A_265 = tpu.memref_slice %arg9[%dma_wait3A_262, %dma_wait3A_263, %dma_wait3A_264] : memref<4x128x64xi32, #tpu.memory_space<vmem>> -> memref<1x128x64xi32, #tpu.memory_space<vmem>>
        %dma_wait3A_266 = tpu.memref_squeeze %dma_wait3A_265 : memref<1x128x64xi32, #tpu.memory_space<vmem>> -> memref<128x64xi32, #tpu.memory_space<vmem>>
        %dma_wait3A_267 = arith.constant 0 : i32
        %dma_wait3A_268 = arith.constant 0 : i32
        %dma_wait3A_269 = tpu.memref_slice %arg5[%dma_wait3A_267, %dma_wait3A_268] : memref<81920x64xi32, #tpu.memory_space<hbm>> -> memref<128x64xi32, #tpu.memory_space<hbm>>
        %dma_wait3A_270 = arith.constant 0 : i32
        %dma_wait3A_271 = arith.constant 0 : i32
        %dma_wait3A_272 = tpu.memref_slice %arg9[%dma_wait3A_262, %dma_wait3A_270, %dma_wait3A_271] : memref<4x128x64xi32, #tpu.memory_space<vmem>> -> memref<1x128x64xi32, #tpu.memory_space<vmem>>
        %dma_wait3A_273 = tpu.memref_squeeze %dma_wait3A_272 : memref<1x128x64xi32, #tpu.memory_space<vmem>> -> memref<128x64xi32, #tpu.memory_space<vmem>>
        %dma_wait3A_274 = arith.constant 0 : i32
        %dma_wait3A_275 = arith.constant 0 : i32
        %dma_wait3A_276 = tpu.memref_slice %arg5[%dma_wait3A_274, %dma_wait3A_275] : memref<81920x64xi32, #tpu.memory_space<hbm>> -> memref<128x64xi32, #tpu.memory_space<hbm>>
        tpu.wait_dma2 semaphore(%arg11 : memref<!tpu.dma_semaphore, #tpu.memory_space<semaphore_mem>>) src(%dma_wait3A_276 : memref<128x64xi32, #tpu.memory_space<hbm>>) dst(%dma_wait3A_273 : memref<128x64xi32, #tpu.memory_space<vmem>>)
        %dma_wait3A_277 = arith.constant 1 : i32
        %dma_wait3A_278 = arith.constant 0 : i32
        %dma_wait3A_279 = arith.constant 0 : i32
        %dma_wait3A_280 = tpu.memref_slice %arg9[%dma_wait3A_277, %dma_wait3A_278, %dma_wait3A_279] : memref<4x128x64xi32, #tpu.memory_space<vmem>> -> memref<1x128x64xi32, #tpu.memory_space<vmem>>
        %dma_wait3A_281 = tpu.memref_squeeze %dma_wait3A_280 : memref<1x128x64xi32, #tpu.memory_space<vmem>> -> memref<128x64xi32, #tpu.memory_space<vmem>>
        %dma_wait3A_282 = arith.constant 0 : i32
        %dma_wait3A_283 = arith.constant 0 : i32
        %dma_wait3A_284 = tpu.memref_slice %arg5[%dma_wait3A_282, %dma_wait3A_283] : memref<81920x64xi32, #tpu.memory_space<hbm>> -> memref<128x64xi32, #tpu.memory_space<hbm>>
        %dma_wait3A_285 = arith.constant 0 : i32
        %dma_wait3A_286 = arith.constant 0 : i32
        %dma_wait3A_287 = tpu.memref_slice %arg9[%dma_wait3A_277, %dma_wait3A_285, %dma_wait3A_286] : memref<4x128x64xi32, #tpu.memory_space<vmem>> -> memref<1x128x64xi32, #tpu.memory_space<vmem>>
        %dma_wait3A_288 = tpu.memref_squeeze %dma_wait3A_287 : memref<1x128x64xi32, #tpu.memory_space<vmem>> -> memref<128x64xi32, #tpu.memory_space<vmem>>
        %dma_wait3A_289 = arith.constant 0 : i32
        %dma_wait3A_290 = arith.constant 0 : i32
        %dma_wait3A_291 = tpu.memref_slice %arg5[%dma_wait3A_289, %dma_wait3A_290] : memref<81920x64xi32, #tpu.memory_space<hbm>> -> memref<128x64xi32, #tpu.memory_space<hbm>>
        tpu.wait_dma2 semaphore(%arg11 : memref<!tpu.dma_semaphore, #tpu.memory_space<semaphore_mem>>) src(%dma_wait3A_291 : memref<128x64xi32, #tpu.memory_space<hbm>>) dst(%dma_wait3A_288 : memref<128x64xi32, #tpu.memory_space<vmem>>)
        %dma_wait3A_292 = arith.constant 2 : i32
        %dma_wait3A_293 = arith.constant 0 : i32
        %dma_wait3A_294 = arith.constant 0 : i32
        %dma_wait3A_295 = tpu.memref_slice %arg9[%dma_wait3A_292, %dma_wait3A_293, %dma_wait3A_294] : memref<4x128x64xi32, #tpu.memory_space<vmem>> -> memref<1x128x64xi32, #tpu.memory_space<vmem>>
        %dma_wait3A_296 = tpu.memref_squeeze %dma_wait3A_295 : memref<1x128x64xi32, #tpu.memory_space<vmem>> -> memref<128x64xi32, #tpu.memory_space<vmem>>
        %dma_wait3A_297 = arith.constant 0 : i32
        %dma_wait3A_298 = arith.constant 0 : i32
        %dma_wait3A_299 = tpu.memref_slice %arg5[%dma_wait3A_297, %dma_wait3A_298] : memref<81920x64xi32, #tpu.memory_space<hbm>> -> memref<128x64xi32, #tpu.memory_space<hbm>>
        %dma_wait3A_300 = arith.constant 0 : i32
        %dma_wait3A_301 = arith.constant 0 : i32
        %dma_wait3A_302 = tpu.memref_slice %arg9[%dma_wait3A_292, %dma_wait3A_300, %dma_wait3A_301] : memref<4x128x64xi32, #tpu.memory_space<vmem>> -> memref<1x128x64xi32, #tpu.memory_space<vmem>>
        %dma_wait3A_303 = tpu.memref_squeeze %dma_wait3A_302 : memref<1x128x64xi32, #tpu.memory_space<vmem>> -> memref<128x64xi32, #tpu.memory_space<vmem>>
        %dma_wait3A_304 = arith.constant 0 : i32
        %dma_wait3A_305 = arith.constant 0 : i32
        %dma_wait3A_306 = tpu.memref_slice %arg5[%dma_wait3A_304, %dma_wait3A_305] : memref<81920x64xi32, #tpu.memory_space<hbm>> -> memref<128x64xi32, #tpu.memory_space<hbm>>
        tpu.wait_dma2 semaphore(%arg11 : memref<!tpu.dma_semaphore, #tpu.memory_space<semaphore_mem>>) src(%dma_wait3A_306 : memref<128x64xi32, #tpu.memory_space<hbm>>) dst(%dma_wait3A_303 : memref<128x64xi32, #tpu.memory_space<vmem>>)
        %dma_wait3A_307 = arith.constant 3 : i32
        %dma_wait3A_308 = arith.constant 0 : i32
        %dma_wait3A_309 = arith.constant 0 : i32
        %dma_wait3A_310 = tpu.memref_slice %arg9[%dma_wait3A_307, %dma_wait3A_308, %dma_wait3A_309] : memref<4x128x64xi32, #tpu.memory_space<vmem>> -> memref<1x128x64xi32, #tpu.memory_space<vmem>>
        %dma_wait3A_311 = tpu.memref_squeeze %dma_wait3A_310 : memref<1x128x64xi32, #tpu.memory_space<vmem>> -> memref<128x64xi32, #tpu.memory_space<vmem>>
        %dma_wait3A_312 = arith.constant 0 : i32
        %dma_wait3A_313 = arith.constant 0 : i32
        %dma_wait3A_314 = tpu.memref_slice %arg5[%dma_wait3A_312, %dma_wait3A_313] : memref<81920x64xi32, #tpu.memory_space<hbm>> -> memref<128x64xi32, #tpu.memory_space<hbm>>
        %dma_wait3A_315 = arith.constant 0 : i32
        %dma_wait3A_316 = arith.constant 0 : i32
        %dma_wait3A_317 = tpu.memref_slice %arg9[%dma_wait3A_307, %dma_wait3A_315, %dma_wait3A_316] : memref<4x128x64xi32, #tpu.memory_space<vmem>> -> memref<1x128x64xi32, #tpu.memory_space<vmem>>
        %dma_wait3A_318 = tpu.memref_squeeze %dma_wait3A_317 : memref<1x128x64xi32, #tpu.memory_space<vmem>> -> memref<128x64xi32, #tpu.memory_space<vmem>>
        %dma_wait3A_319 = arith.constant 0 : i32
        %dma_wait3A_320 = arith.constant 0 : i32
        %dma_wait3A_321 = tpu.memref_slice %arg5[%dma_wait3A_319, %dma_wait3A_320] : memref<81920x64xi32, #tpu.memory_space<hbm>> -> memref<128x64xi32, #tpu.memory_space<hbm>>
        tpu.wait_dma2 semaphore(%arg11 : memref<!tpu.dma_semaphore, #tpu.memory_space<semaphore_mem>>) src(%dma_wait3A_321 : memref<128x64xi32, #tpu.memory_space<hbm>>) dst(%dma_wait3A_318 : memref<128x64xi32, #tpu.memory_space<vmem>>)
      } else {
      }
      %dma_wait3A_146 = arith.constant 0 : i32
      %dma_wait3A_147 = arith.constant 0 : i32
      %dma_wait3A_148 = arith.constant 0 : i32
      %dma_wait3A_149 = tpu.memref_slice %arg9[%dma_wait3A_146, %dma_wait3A_147, %dma_wait3A_148] : memref<4x128x64xi32, #tpu.memory_space<vmem>> -> memref<1x128x64xi32, #tpu.memory_space<vmem>>
      %dma_wait3A_150 = tpu.memref_squeeze %dma_wait3A_149 : memref<1x128x64xi32, #tpu.memory_space<vmem>> -> memref<128x64xi32, #tpu.memory_space<vmem>>
      %dma_wait3A_151 = arith.constant 0 : i32
      %dma_wait3A_152 = tpu.memref_slice %arg7[%add3A_91, %dma_wait3A_151] : memref<24x128xi32, #tpu.memory_space<vmem>> -> memref<1x128xi32, #tpu.memory_space<vmem>>
      %dma_wait3A_153 = tpu.memref_squeeze %dma_wait3A_152 : memref<1x128xi32, #tpu.memory_space<vmem>> -> memref<128xi32, #tpu.memory_space<vmem>>
      %dma_wait3A_154 = arith.constant 0 : i32
      %dma_wait3A_155 = arith.constant 0 : i32
      %dma_wait3A_156 = tpu.memref_slice %arg2[%dma_wait3A_154, %dma_wait3A_155] : memref<10240x64xi32, #tpu.memory_space<hbm>> -> memref<10240x64xi32, #tpu.memory_space<hbm>>
      tpu.wait_indirect_dma semaphore(%arg10 : memref<!tpu.dma_semaphore, #tpu.memory_space<semaphore_mem>>) src(%dma_wait3A_156 : memref<10240x64xi32, #tpu.memory_space<hbm>>) dst(%dma_wait3A_150 : memref<128x64xi32, #tpu.memory_space<vmem>>)
      %add3A_157 = arith.constant 0 : i32
      %add3A_158 = arith.addi %add3A_88, %add3A_157 : i32
      %add3A_159 = arith.addi %add3A, %add3A_158 : i32
      %mul3A_160 = arith.constant 128 : i32
      %mul3A_161 = arith.muli %add3A_159, %mul3A_160 : i32
      %dma_start3A_162 = arith.constant 0 : i32
      %dma_start3A_163 = arith.constant 0 : i32
      %dma_start3A_164 = arith.constant 0 : i32
      %dma_start3A_165 = tpu.memref_slice %arg9[%dma_start3A_162, %dma_start3A_163, %dma_start3A_164] : memref<4x128x64xi32, #tpu.memory_space<vmem>> -> memref<1x128x64xi32, #tpu.memory_space<vmem>>
      %dma_start3A_166 = tpu.memref_squeeze %dma_start3A_165 : memref<1x128x64xi32, #tpu.memory_space<vmem>> -> memref<128x64xi32, #tpu.memory_space<vmem>>
      %dma_start3A_167 = arith.constant 0 : i32
      %dma_start3A_168 = tpu.memref_slice %arg5[%mul3A_161, %dma_start3A_167] : memref<81920x64xi32, #tpu.memory_space<hbm>> -> memref<128x64xi32, #tpu.memory_space<hbm>>
      %dma_start3A_169 = arith.constant 0 : i32
      %dma_start3A_170 = tpu.memref_slice %arg5[%mul3A_161, %dma_start3A_169] : memref<81920x64xi32, #tpu.memory_space<hbm>> -> memref<128x64xi32, #tpu.memory_space<hbm>>
      %dma_start3A_171 = arith.constant 0 : i32
      %dma_start3A_172 = arith.constant 0 : i32
      %dma_start3A_173 = tpu.memref_slice %arg9[%dma_start3A_162, %dma_start3A_171, %dma_start3A_172] : memref<4x128x64xi32, #tpu.memory_space<vmem>> -> memref<1x128x64xi32, #tpu.memory_space<vmem>>
      %dma_start3A_174 = tpu.memref_squeeze %dma_start3A_173 : memref<1x128x64xi32, #tpu.memory_space<vmem>> -> memref<128x64xi32, #tpu.memory_space<vmem>>
      tpu.enqueue_dma source(%dma_start3A_174 : memref<128x64xi32, #tpu.memory_space<vmem>>) target(%dma_start3A_170 : memref<128x64xi32, #tpu.memory_space<hbm>>) target_semaphore(%arg11 : memref<!tpu.dma_semaphore, #tpu.memory_space<semaphore_mem>>)
      %dma_wait3A_175 = arith.constant 1 : i32
      %dma_wait3A_176 = arith.constant 0 : i32
      %dma_wait3A_177 = arith.constant 0 : i32
      %dma_wait3A_178 = tpu.memref_slice %arg9[%dma_wait3A_175, %dma_wait3A_176, %dma_wait3A_177] : memref<4x128x64xi32, #tpu.memory_space<vmem>> -> memref<1x128x64xi32, #tpu.memory_space<vmem>>
      %dma_wait3A_179 = tpu.memref_squeeze %dma_wait3A_178 : memref<1x128x64xi32, #tpu.memory_space<vmem>> -> memref<128x64xi32, #tpu.memory_space<vmem>>
      %dma_wait3A_180 = arith.constant 0 : i32
      %dma_wait3A_181 = tpu.memref_slice %arg8[%add3A_104, %dma_wait3A_180] : memref<24x128xi32, #tpu.memory_space<vmem>> -> memref<1x128xi32, #tpu.memory_space<vmem>>
      %dma_wait3A_182 = tpu.memref_squeeze %dma_wait3A_181 : memref<1x128xi32, #tpu.memory_space<vmem>> -> memref<128xi32, #tpu.memory_space<vmem>>
      %dma_wait3A_183 = arith.constant 0 : i32
      %dma_wait3A_184 = arith.constant 0 : i32
      %dma_wait3A_185 = tpu.memref_slice %arg2[%dma_wait3A_183, %dma_wait3A_184] : memref<10240x64xi32, #tpu.memory_space<hbm>> -> memref<10240x64xi32, #tpu.memory_space<hbm>>
      tpu.wait_indirect_dma semaphore(%arg10 : memref<!tpu.dma_semaphore, #tpu.memory_space<semaphore_mem>>) src(%dma_wait3A_185 : memref<10240x64xi32, #tpu.memory_space<hbm>>) dst(%dma_wait3A_179 : memref<128x64xi32, #tpu.memory_space<vmem>>)
      %add3A_186 = arith.constant 0 : i32
      %add3A_187 = arith.addi %add3A_88, %add3A_186 : i32
      %add3A_188 = arith.addi %add3A, %add3A_187 : i32
      %mul3A_189 = arith.constant 128 : i32
      %mul3A_190 = arith.muli %add3A_188, %mul3A_189 : i32
      %dma_start3A_191 = arith.constant 1 : i32
      %dma_start3A_192 = arith.constant 0 : i32
      %dma_start3A_193 = arith.constant 0 : i32
      %dma_start3A_194 = tpu.memref_slice %arg9[%dma_start3A_191, %dma_start3A_192, %dma_start3A_193] : memref<4x128x64xi32, #tpu.memory_space<vmem>> -> memref<1x128x64xi32, #tpu.memory_space<vmem>>
      %dma_start3A_195 = tpu.memref_squeeze %dma_start3A_194 : memref<1x128x64xi32, #tpu.memory_space<vmem>> -> memref<128x64xi32, #tpu.memory_space<vmem>>
      %dma_start3A_196 = arith.constant 0 : i32
      %dma_start3A_197 = tpu.memref_slice %arg6[%mul3A_190, %dma_start3A_196] : memref<81920x64xi32, #tpu.memory_space<hbm>> -> memref<128x64xi32, #tpu.memory_space<hbm>>
      %dma_start3A_198 = arith.constant 0 : i32
      %dma_start3A_199 = tpu.memref_slice %arg6[%mul3A_190, %dma_start3A_198] : memref<81920x64xi32, #tpu.memory_space<hbm>> -> memref<128x64xi32, #tpu.memory_space<hbm>>
      %dma_start3A_200 = arith.constant 0 : i32
      %dma_start3A_201 = arith.constant 0 : i32
      %dma_start3A_202 = tpu.memref_slice %arg9[%dma_start3A_191, %dma_start3A_200, %dma_start3A_201] : memref<4x128x64xi32, #tpu.memory_space<vmem>> -> memref<1x128x64xi32, #tpu.memory_space<vmem>>
      %dma_start3A_203 = tpu.memref_squeeze %dma_start3A_202 : memref<1x128x64xi32, #tpu.memory_space<vmem>> -> memref<128x64xi32, #tpu.memory_space<vmem>>
      tpu.enqueue_dma source(%dma_start3A_203 : memref<128x64xi32, #tpu.memory_space<vmem>>) target(%dma_start3A_199 : memref<128x64xi32, #tpu.memory_space<hbm>>) target_semaphore(%arg11 : memref<!tpu.dma_semaphore, #tpu.memory_space<semaphore_mem>>)
      %dma_wait3A_204 = arith.constant 2 : i32
      %dma_wait3A_205 = arith.constant 0 : i32
      %dma_wait3A_206 = arith.constant 0 : i32
      %dma_wait3A_207 = tpu.memref_slice %arg9[%dma_wait3A_204, %dma_wait3A_205, %dma_wait3A_206] : memref<4x128x64xi32, #tpu.memory_space<vmem>> -> memref<1x128x64xi32, #tpu.memory_space<vmem>>
      %dma_wait3A_208 = tpu.memref_squeeze %dma_wait3A_207 : memref<1x128x64xi32, #tpu.memory_space<vmem>> -> memref<128x64xi32, #tpu.memory_space<vmem>>
      %dma_wait3A_209 = arith.constant 0 : i32
      %dma_wait3A_210 = tpu.memref_slice %arg7[%add3A_118, %dma_wait3A_209] : memref<24x128xi32, #tpu.memory_space<vmem>> -> memref<1x128xi32, #tpu.memory_space<vmem>>
      %dma_wait3A_211 = tpu.memref_squeeze %dma_wait3A_210 : memref<1x128xi32, #tpu.memory_space<vmem>> -> memref<128xi32, #tpu.memory_space<vmem>>
      %dma_wait3A_212 = arith.constant 0 : i32
      %dma_wait3A_213 = arith.constant 0 : i32
      %dma_wait3A_214 = tpu.memref_slice %arg2[%dma_wait3A_212, %dma_wait3A_213] : memref<10240x64xi32, #tpu.memory_space<hbm>> -> memref<10240x64xi32, #tpu.memory_space<hbm>>
      tpu.wait_indirect_dma semaphore(%arg10 : memref<!tpu.dma_semaphore, #tpu.memory_space<semaphore_mem>>) src(%dma_wait3A_214 : memref<10240x64xi32, #tpu.memory_space<hbm>>) dst(%dma_wait3A_208 : memref<128x64xi32, #tpu.memory_space<vmem>>)
      %add3A_215 = arith.constant 1 : i32
      %add3A_216 = arith.addi %add3A_88, %add3A_215 : i32
      %add3A_217 = arith.addi %add3A, %add3A_216 : i32
      %mul3A_218 = arith.constant 128 : i32
      %mul3A_219 = arith.muli %add3A_217, %mul3A_218 : i32
      %dma_start3A_220 = arith.constant 2 : i32
      %dma_start3A_221 = arith.constant 0 : i32
      %dma_start3A_222 = arith.constant 0 : i32
      %dma_start3A_223 = tpu.memref_slice %arg9[%dma_start3A_220, %dma_start3A_221, %dma_start3A_222] : memref<4x128x64xi32, #tpu.memory_space<vmem>> -> memref<1x128x64xi32, #tpu.memory_space<vmem>>
      %dma_start3A_224 = tpu.memref_squeeze %dma_start3A_223 : memref<1x128x64xi32, #tpu.memory_space<vmem>> -> memref<128x64xi32, #tpu.memory_space<vmem>>
      %dma_start3A_225 = arith.constant 0 : i32
      %dma_start3A_226 = tpu.memref_slice %arg5[%mul3A_219, %dma_start3A_225] : memref<81920x64xi32, #tpu.memory_space<hbm>> -> memref<128x64xi32, #tpu.memory_space<hbm>>
      %dma_start3A_227 = arith.constant 0 : i32
      %dma_start3A_228 = tpu.memref_slice %arg5[%mul3A_219, %dma_start3A_227] : memref<81920x64xi32, #tpu.memory_space<hbm>> -> memref<128x64xi32, #tpu.memory_space<hbm>>
      %dma_start3A_229 = arith.constant 0 : i32
      %dma_start3A_230 = arith.constant 0 : i32
      %dma_start3A_231 = tpu.memref_slice %arg9[%dma_start3A_220, %dma_start3A_229, %dma_start3A_230] : memref<4x128x64xi32, #tpu.memory_space<vmem>> -> memref<1x128x64xi32, #tpu.memory_space<vmem>>
      %dma_start3A_232 = tpu.memref_squeeze %dma_start3A_231 : memref<1x128x64xi32, #tpu.memory_space<vmem>> -> memref<128x64xi32, #tpu.memory_space<vmem>>
      tpu.enqueue_dma source(%dma_start3A_232 : memref<128x64xi32, #tpu.memory_space<vmem>>) target(%dma_start3A_228 : memref<128x64xi32, #tpu.memory_space<hbm>>) target_semaphore(%arg11 : memref<!tpu.dma_semaphore, #tpu.memory_space<semaphore_mem>>)
      %dma_wait3A_233 = arith.constant 3 : i32
      %dma_wait3A_234 = arith.constant 0 : i32
      %dma_wait3A_235 = arith.constant 0 : i32
      %dma_wait3A_236 = tpu.memref_slice %arg9[%dma_wait3A_233, %dma_wait3A_234, %dma_wait3A_235] : memref<4x128x64xi32, #tpu.memory_space<vmem>> -> memref<1x128x64xi32, #tpu.memory_space<vmem>>
      %dma_wait3A_237 = tpu.memref_squeeze %dma_wait3A_236 : memref<1x128x64xi32, #tpu.memory_space<vmem>> -> memref<128x64xi32, #tpu.memory_space<vmem>>
      %dma_wait3A_238 = arith.constant 0 : i32
      %dma_wait3A_239 = tpu.memref_slice %arg8[%add3A_132, %dma_wait3A_238] : memref<24x128xi32, #tpu.memory_space<vmem>> -> memref<1x128xi32, #tpu.memory_space<vmem>>
      %dma_wait3A_240 = tpu.memref_squeeze %dma_wait3A_239 : memref<1x128xi32, #tpu.memory_space<vmem>> -> memref<128xi32, #tpu.memory_space<vmem>>
      %dma_wait3A_241 = arith.constant 0 : i32
      %dma_wait3A_242 = arith.constant 0 : i32
      %dma_wait3A_243 = tpu.memref_slice %arg2[%dma_wait3A_241, %dma_wait3A_242] : memref<10240x64xi32, #tpu.memory_space<hbm>> -> memref<10240x64xi32, #tpu.memory_space<hbm>>
      tpu.wait_indirect_dma semaphore(%arg10 : memref<!tpu.dma_semaphore, #tpu.memory_space<semaphore_mem>>) src(%dma_wait3A_243 : memref<10240x64xi32, #tpu.memory_space<hbm>>) dst(%dma_wait3A_237 : memref<128x64xi32, #tpu.memory_space<vmem>>)
      %add3A_244 = arith.constant 1 : i32
      %add3A_245 = arith.addi %add3A_88, %add3A_244 : i32
      %add3A_246 = arith.addi %add3A, %add3A_245 : i32
      %mul3A_247 = arith.constant 128 : i32
      %mul3A_248 = arith.muli %add3A_246, %mul3A_247 : i32
      %dma_start3A_249 = arith.constant 3 : i32
      %dma_start3A_250 = arith.constant 0 : i32
      %dma_start3A_251 = arith.constant 0 : i32
      %dma_start3A_252 = tpu.memref_slice %arg9[%dma_start3A_249, %dma_start3A_250, %dma_start3A_251] : memref<4x128x64xi32, #tpu.memory_space<vmem>> -> memref<1x128x64xi32, #tpu.memory_space<vmem>>
      %dma_start3A_253 = tpu.memref_squeeze %dma_start3A_252 : memref<1x128x64xi32, #tpu.memory_space<vmem>> -> memref<128x64xi32, #tpu.memory_space<vmem>>
      %dma_start3A_254 = arith.constant 0 : i32
      %dma_start3A_255 = tpu.memref_slice %arg6[%mul3A_248, %dma_start3A_254] : memref<81920x64xi32, #tpu.memory_space<hbm>> -> memref<128x64xi32, #tpu.memory_space<hbm>>
      %dma_start3A_256 = arith.constant 0 : i32
      %dma_start3A_257 = tpu.memref_slice %arg6[%mul3A_248, %dma_start3A_256] : memref<81920x64xi32, #tpu.memory_space<hbm>> -> memref<128x64xi32, #tpu.memory_space<hbm>>
      %dma_start3A_258 = arith.constant 0 : i32
      %dma_start3A_259 = arith.constant 0 : i32
      %dma_start3A_260 = tpu.memref_slice %arg9[%dma_start3A_249, %dma_start3A_258, %dma_start3A_259] : memref<4x128x64xi32, #tpu.memory_space<vmem>> -> memref<1x128x64xi32, #tpu.memory_space<vmem>>
      %dma_start3A_261 = tpu.memref_squeeze %dma_start3A_260 : memref<1x128x64xi32, #tpu.memory_space<vmem>> -> memref<128x64xi32, #tpu.memory_space<vmem>>
      tpu.enqueue_dma source(%dma_start3A_261 : memref<128x64xi32, #tpu.memory_space<vmem>>) target(%dma_start3A_257 : memref<128x64xi32, #tpu.memory_space<hbm>>) target_semaphore(%arg11 : memref<!tpu.dma_semaphore, #tpu.memory_space<semaphore_mem>>)
    }
    %while3A_26 = arith.constant 1 : i32
    scf.for %while3A_86 = %while3A_24 to %while3A_20 step %while3A_26  : i32 {
      %mul3A_87 = arith.muli %while3A_86, %while3A : i32
      %add3A_88 = arith.addi %while3A_17, %mul3A_87 : i32
      %add3A_89 = arith.constant 0 : i32
      %add3A_90 = arith.addi %add3A_88, %add3A_89 : i32
      %add3A_91 = arith.addi %sub3A_9, %add3A_90 : i32
      %dma_start3A = arith.constant 0 : i32
      %dma_start3A_92 = arith.constant 0 : i32
      %dma_start3A_93 = arith.constant 0 : i32
      %dma_start3A_94 = tpu.memref_slice %arg9[%dma_start3A, %dma_start3A_92, %dma_start3A_93] : memref<4x128x64xi32, #tpu.memory_space<vmem>> -> memref<1x128x64xi32, #tpu.memory_space<vmem>>
      %dma_start3A_95 = tpu.memref_squeeze %dma_start3A_94 : memref<1x128x64xi32, #tpu.memory_space<vmem>> -> memref<128x64xi32, #tpu.memory_space<vmem>>
      %dma_start3A_96 = arith.constant 0 : i32
      %dma_start3A_97 = tpu.memref_slice %arg7[%add3A_91, %dma_start3A_96] : memref<24x128xi32, #tpu.memory_space<vmem>> -> memref<1x128xi32, #tpu.memory_space<vmem>>
      %dma_start3A_98 = tpu.memref_squeeze %dma_start3A_97 : memref<1x128xi32, #tpu.memory_space<vmem>> -> memref<128xi32, #tpu.memory_space<vmem>>
      %dma_start3A_99 = arith.constant 0 : i32
      %dma_start3A_100 = arith.constant 0 : i32
      %dma_start3A_101 = tpu.memref_slice %arg2[%dma_start3A_99, %dma_start3A_100] : memref<10240x64xi32, #tpu.memory_space<hbm>> -> memref<10240x64xi32, #tpu.memory_space<hbm>>
      tpu.enqueue_indirect_dma source(%dma_start3A_101 : memref<10240x64xi32, #tpu.memory_space<hbm>>) target(%dma_start3A_95 : memref<128x64xi32, #tpu.memory_space<vmem>>) offsets(%dma_start3A_98 : memref<128xi32, #tpu.memory_space<vmem>>) semaphore(%arg10 : memref<!tpu.dma_semaphore, #tpu.memory_space<semaphore_mem>>)
      %add3A_102 = arith.constant 0 : i32
      %add3A_103 = arith.addi %add3A_88, %add3A_102 : i32
      %add3A_104 = arith.addi %sub3A_9, %add3A_103 : i32
      %dma_start3A_105 = arith.constant 1 : i32
      %dma_start3A_106 = arith.constant 0 : i32
      %dma_start3A_107 = arith.constant 0 : i32
      %dma_start3A_108 = tpu.memref_slice %arg9[%dma_start3A_105, %dma_start3A_106, %dma_start3A_107] : memref<4x128x64xi32, #tpu.memory_space<vmem>> -> memref<1x128x64xi32, #tpu.memory_space<vmem>>
      %dma_start3A_109 = tpu.memref_squeeze %dma_start3A_108 : memref<1x128x64xi32, #tpu.memory_space<vmem>> -> memref<128x64xi32, #tpu.memory_space<vmem>>
      %dma_start3A_110 = arith.constant 0 : i32
      %dma_start3A_111 = tpu.memref_slice %arg8[%add3A_104, %dma_start3A_110] : memref<24x128xi32, #tpu.memory_space<vmem>> -> memref<1x128xi32, #tpu.memory_space<vmem>>
      %dma_start3A_112 = tpu.memref_squeeze %dma_start3A_111 : memref<1x128xi32, #tpu.memory_space<vmem>> -> memref<128xi32, #tpu.memory_space<vmem>>
      %dma_start3A_113 = arith.constant 0 : i32
      %dma_start3A_114 = arith.constant 0 : i32
      %dma_start3A_115 = tpu.memref_slice %arg2[%dma_start3A_113, %dma_start3A_114] : memref<10240x64xi32, #tpu.memory_space<hbm>> -> memref<10240x64xi32, #tpu.memory_space<hbm>>
      tpu.enqueue_indirect_dma source(%dma_start3A_115 : memref<10240x64xi32, #tpu.memory_space<hbm>>) target(%dma_start3A_109 : memref<128x64xi32, #tpu.memory_space<vmem>>) offsets(%dma_start3A_112 : memref<128xi32, #tpu.memory_space<vmem>>) semaphore(%arg10 : memref<!tpu.dma_semaphore, #tpu.memory_space<semaphore_mem>>)
      %add3A_116 = arith.constant 1 : i32
      %add3A_117 = arith.addi %add3A_88, %add3A_116 : i32
      %add3A_118 = arith.addi %sub3A_9, %add3A_117 : i32
      %dma_start3A_119 = arith.constant 2 : i32
      %dma_start3A_120 = arith.constant 0 : i32
      %dma_start3A_121 = arith.constant 0 : i32
      %dma_start3A_122 = tpu.memref_slice %arg9[%dma_start3A_119, %dma_start3A_120, %dma_start3A_121] : memref<4x128x64xi32, #tpu.memory_space<vmem>> -> memref<1x128x64xi32, #tpu.memory_space<vmem>>
      %dma_start3A_123 = tpu.memref_squeeze %dma_start3A_122 : memref<1x128x64xi32, #tpu.memory_space<vmem>> -> memref<128x64xi32, #tpu.memory_space<vmem>>
      %dma_start3A_124 = arith.constant 0 : i32
      %dma_start3A_125 = tpu.memref_slice %arg7[%add3A_118, %dma_start3A_124] : memref<24x128xi32, #tpu.memory_space<vmem>> -> memref<1x128xi32, #tpu.memory_space<vmem>>
      %dma_start3A_126 = tpu.memref_squeeze %dma_start3A_125 : memref<1x128xi32, #tpu.memory_space<vmem>> -> memref<128xi32, #tpu.memory_space<vmem>>
      %dma_start3A_127 = arith.constant 0 : i32
      %dma_start3A_128 = arith.constant 0 : i32
      %dma_start3A_129 = tpu.memref_slice %arg2[%dma_start3A_127, %dma_start3A_128] : memref<10240x64xi32, #tpu.memory_space<hbm>> -> memref<10240x64xi32, #tpu.memory_space<hbm>>
      tpu.enqueue_indirect_dma source(%dma_start3A_129 : memref<10240x64xi32, #tpu.memory_space<hbm>>) target(%dma_start3A_123 : memref<128x64xi32, #tpu.memory_space<vmem>>) offsets(%dma_start3A_126 : memref<128xi32, #tpu.memory_space<vmem>>) semaphore(%arg10 : memref<!tpu.dma_semaphore, #tpu.memory_space<semaphore_mem>>)
      %add3A_130 = arith.constant 1 : i32
      %add3A_131 = arith.addi %add3A_88, %add3A_130 : i32
      %add3A_132 = arith.addi %sub3A_9, %add3A_131 : i32
      %dma_start3A_133 = arith.constant 3 : i32
      %dma_start3A_134 = arith.constant 0 : i32
      %dma_start3A_135 = arith.constant 0 : i32
      %dma_start3A_136 = tpu.memref_slice %arg9[%dma_start3A_133, %dma_start3A_134, %dma_start3A_135] : memref<4x128x64xi32, #tpu.memory_space<vmem>> -> memref<1x128x64xi32, #tpu.memory_space<vmem>>
      %dma_start3A_137 = tpu.memref_squeeze %dma_start3A_136 : memref<1x128x64xi32, #tpu.memory_space<vmem>> -> memref<128x64xi32, #tpu.memory_space<vmem>>
      %dma_start3A_138 = arith.constant 0 : i32
      %dma_start3A_139 = tpu.memref_slice %arg8[%add3A_132, %dma_start3A_138] : memref<24x128xi32, #tpu.memory_space<vmem>> -> memref<1x128xi32, #tpu.memory_space<vmem>>
      %dma_start3A_140 = tpu.memref_squeeze %dma_start3A_139 : memref<1x128xi32, #tpu.memory_space<vmem>> -> memref<128xi32, #tpu.memory_space<vmem>>
      %dma_start3A_141 = arith.constant 0 : i32
      %dma_start3A_142 = arith.constant 0 : i32
      %dma_start3A_143 = tpu.memref_slice %arg2[%dma_start3A_141, %dma_start3A_142] : memref<10240x64xi32, #tpu.memory_space<hbm>> -> memref<10240x64xi32, #tpu.memory_space<hbm>>
      tpu.enqueue_indirect_dma source(%dma_start3A_143 : memref<10240x64xi32, #tpu.memory_space<hbm>>) target(%dma_start3A_137 : memref<128x64xi32, #tpu.memory_space<vmem>>) offsets(%dma_start3A_140 : memref<128xi32, #tpu.memory_space<vmem>>) semaphore(%arg10 : memref<!tpu.dma_semaphore, #tpu.memory_space<semaphore_mem>>)
      %gt3A = arith.constant 0 : i32
      %gt3A_144 = arith.cmpi sgt, %add3A_88, %gt3A : i32
      %convert_element_type3A = arith.extui %gt3A_144 : i1 to i32
      %cond3A = arith.constant 0 : i32
      %cond3A_145 = arith.cmpi ne, %convert_element_type3A, %cond3A : i32
      scf.if %cond3A_145 {
        %dma_wait3A_262 = arith.constant 0 : i32
        %dma_wait3A_263 = arith.constant 0 : i32
        %dma_wait3A_264 = arith.constant 0 : i32
        %dma_wait3A_265 = tpu.memref_slice %arg9[%dma_wait3A_262, %dma_wait3A_263, %dma_wait3A_264] : memref<4x128x64xi32, #tpu.memory_space<vmem>> -> memref<1x128x64xi32, #tpu.memory_space<vmem>>
        %dma_wait3A_266 = tpu.memref_squeeze %dma_wait3A_265 : memref<1x128x64xi32, #tpu.memory_space<vmem>> -> memref<128x64xi32, #tpu.memory_space<vmem>>
        %dma_wait3A_267 = arith.constant 0 : i32
        %dma_wait3A_268 = arith.constant 0 : i32
        %dma_wait3A_269 = tpu.memref_slice %arg5[%dma_wait3A_267, %dma_wait3A_268] : memref<81920x64xi32, #tpu.memory_space<hbm>> -> memref<128x64xi32, #tpu.memory_space<hbm>>
        %dma_wait3A_270 = arith.constant 0 : i32
        %dma_wait3A_271 = arith.constant 0 : i32
        %dma_wait3A_272 = tpu.memref_slice %arg9[%dma_wait3A_262, %dma_wait3A_270, %dma_wait3A_271] : memref<4x128x64xi32, #tpu.memory_space<vmem>> -> memref<1x128x64xi32, #tpu.memory_space<vmem>>
        %dma_wait3A_273 = tpu.memref_squeeze %dma_wait3A_272 : memref<1x128x64xi32, #tpu.memory_space<vmem>> -> memref<128x64xi32, #tpu.memory_space<vmem>>
        %dma_wait3A_274 = arith.constant 0 : i32
        %dma_wait3A_275 = arith.constant 0 : i32
        %dma_wait3A_276 = tpu.memref_slice %arg5[%dma_wait3A_274, %dma_wait3A_275] : memref<81920x64xi32, #tpu.memory_space<hbm>> -> memref<128x64xi32, #tpu.memory_space<hbm>>
        tpu.wait_dma2 semaphore(%arg11 : memref<!tpu.dma_semaphore, #tpu.memory_space<semaphore_mem>>) src(%dma_wait3A_276 : memref<128x64xi32, #tpu.memory_space<hbm>>) dst(%dma_wait3A_273 : memref<128x64xi32, #tpu.memory_space<vmem>>)
        %dma_wait3A_277 = arith.constant 1 : i32
        %dma_wait3A_278 = arith.constant 0 : i32
        %dma_wait3A_279 = arith.constant 0 : i32
        %dma_wait3A_280 = tpu.memref_slice %arg9[%dma_wait3A_277, %dma_wait3A_278, %dma_wait3A_279] : memref<4x128x64xi32, #tpu.memory_space<vmem>> -> memref<1x128x64xi32, #tpu.memory_space<vmem>>
        %dma_wait3A_281 = tpu.memref_squeeze %dma_wait3A_280 : memref<1x128x64xi32, #tpu.memory_space<vmem>> -> memref<128x64xi32, #tpu.memory_space<vmem>>
        %dma_wait3A_282 = arith.constant 0 : i32
        %dma_wait3A_283 = arith.constant 0 : i32
        %dma_wait3A_284 = tpu.memref_slice %arg5[%dma_wait3A_282, %dma_wait3A_283] : memref<81920x64xi32, #tpu.memory_space<hbm>> -> memref<128x64xi32, #tpu.memory_space<hbm>>
        %dma_wait3A_285 = arith.constant 0 : i32
        %dma_wait3A_286 = arith.constant 0 : i32
        %dma_wait3A_287 = tpu.memref_slice %arg9[%dma_wait3A_277, %dma_wait3A_285, %dma_wait3A_286] : memref<4x128x64xi32, #tpu.memory_space<vmem>> -> memref<1x128x64xi32, #tpu.memory_space<vmem>>
        %dma_wait3A_288 = tpu.memref_squeeze %dma_wait3A_287 : memref<1x128x64xi32, #tpu.memory_space<vmem>> -> memref<128x64xi32, #tpu.memory_space<vmem>>
        %dma_wait3A_289 = arith.constant 0 : i32
        %dma_wait3A_290 = arith.constant 0 : i32
        %dma_wait3A_291 = tpu.memref_slice %arg5[%dma_wait3A_289, %dma_wait3A_290] : memref<81920x64xi32, #tpu.memory_space<hbm>> -> memref<128x64xi32, #tpu.memory_space<hbm>>
        tpu.wait_dma2 semaphore(%arg11 : memref<!tpu.dma_semaphore, #tpu.memory_space<semaphore_mem>>) src(%dma_wait3A_291 : memref<128x64xi32, #tpu.memory_space<hbm>>) dst(%dma_wait3A_288 : memref<128x64xi32, #tpu.memory_space<vmem>>)
        %dma_wait3A_292 = arith.constant 2 : i32
        %dma_wait3A_293 = arith.constant 0 : i32
        %dma_wait3A_294 = arith.constant 0 : i32
        %dma_wait3A_295 = tpu.memref_slice %arg9[%dma_wait3A_292, %dma_wait3A_293, %dma_wait3A_294] : memref<4x128x64xi32, #tpu.memory_space<vmem>> -> memref<1x128x64xi32, #tpu.memory_space<vmem>>
        %dma_wait3A_296 = tpu.memref_squeeze %dma_wait3A_295 : memref<1x128x64xi32, #tpu.memory_space<vmem>> -> memref<128x64xi32, #tpu.memory_space<vmem>>
        %dma_wait3A_297 = arith.constant 0 : i32
        %dma_wait3A_298 = arith.constant 0 : i32
        %dma_wait3A_299 = tpu.memref_slice %arg5[%dma_wait3A_297, %dma_wait3A_298] : memref<81920x64xi32, #tpu.memory_space<hbm>> -> memref<128x64xi32, #tpu.memory_space<hbm>>
        %dma_wait3A_300 = arith.constant 0 : i32
        %dma_wait3A_301 = arith.constant 0 : i32
        %dma_wait3A_302 = tpu.memref_slice %arg9[%dma_wait3A_292, %dma_wait3A_300, %dma_wait3A_301] : memref<4x128x64xi32, #tpu.memory_space<vmem>> -> memref<1x128x64xi32, #tpu.memory_space<vmem>>
        %dma_wait3A_303 = tpu.memref_squeeze %dma_wait3A_302 : memref<1x128x64xi32, #tpu.memory_space<vmem>> -> memref<128x64xi32, #tpu.memory_space<vmem>>
        %dma_wait3A_304 = arith.constant 0 : i32
        %dma_wait3A_305 = arith.constant 0 : i32
        %dma_wait3A_306 = tpu.memref_slice %arg5[%dma_wait3A_304, %dma_wait3A_305] : memref<81920x64xi32, #tpu.memory_space<hbm>> -> memref<128x64xi32, #tpu.memory_space<hbm>>
        tpu.wait_dma2 semaphore(%arg11 : memref<!tpu.dma_semaphore, #tpu.memory_space<semaphore_mem>>) src(%dma_wait3A_306 : memref<128x64xi32, #tpu.memory_space<hbm>>) dst(%dma_wait3A_303 : memref<128x64xi32, #tpu.memory_space<vmem>>)
        %dma_wait3A_307 = arith.constant 3 : i32
        %dma_wait3A_308 = arith.constant 0 : i32
        %dma_wait3A_309 = arith.constant 0 : i32
        %dma_wait3A_310 = tpu.memref_slice %arg9[%dma_wait3A_307, %dma_wait3A_308, %dma_wait3A_309] : memref<4x128x64xi32, #tpu.memory_space<vmem>> -> memref<1x128x64xi32, #tpu.memory_space<vmem>>
        %dma_wait3A_311 = tpu.memref_squeeze %dma_wait3A_310 : memref<1x128x64xi32, #tpu.memory_space<vmem>> -> memref<128x64xi32, #tpu.memory_space<vmem>>
        %dma_wait3A_312 = arith.constant 0 : i32
        %dma_wait3A_313 = arith.constant 0 : i32
        %dma_wait3A_314 = tpu.memref_slice %arg5[%dma_wait3A_312, %dma_wait3A_313] : memref<81920x64xi32, #tpu.memory_space<hbm>> -> memref<128x64xi32, #tpu.memory_space<hbm>>
        %dma_wait3A_315 = arith.constant 0 : i32
        %dma_wait3A_316 = arith.constant 0 : i32
        %dma_wait3A_317 = tpu.memref_slice %arg9[%dma_wait3A_307, %dma_wait3A_315, %dma_wait3A_316] : memref<4x128x64xi32, #tpu.memory_space<vmem>> -> memref<1x128x64xi32, #tpu.memory_space<vmem>>
        %dma_wait3A_318 = tpu.memref_squeeze %dma_wait3A_317 : memref<1x128x64xi32, #tpu.memory_space<vmem>> -> memref<128x64xi32, #tpu.memory_space<vmem>>
        %dma_wait3A_319 = arith.constant 0 : i32
        %dma_wait3A_320 = arith.constant 0 : i32
        %dma_wait3A_321 = tpu.memref_slice %arg5[%dma_wait3A_319, %dma_wait3A_320] : memref<81920x64xi32, #tpu.memory_space<hbm>> -> memref<128x64xi32, #tpu.memory_space<hbm>>
        tpu.wait_dma2 semaphore(%arg11 : memref<!tpu.dma_semaphore, #tpu.memory_space<semaphore_mem>>) src(%dma_wait3A_321 : memref<128x64xi32, #tpu.memory_space<hbm>>) dst(%dma_wait3A_318 : memref<128x64xi32, #tpu.memory_space<vmem>>)
      } else {
      }
      %dma_wait3A_146 = arith.constant 0 : i32
      %dma_wait3A_147 = arith.constant 0 : i32
      %dma_wait3A_148 = arith.constant 0 : i32
      %dma_wait3A_149 = tpu.memref_slice %arg9[%dma_wait3A_146, %dma_wait3A_147, %dma_wait3A_148] : memref<4x128x64xi32, #tpu.memory_space<vmem>> -> memref<1x128x64xi32, #tpu.memory_space<vmem>>
      %dma_wait3A_150 = tpu.memref_squeeze %dma_wait3A_149 : memref<1x128x64xi32, #tpu.memory_space<vmem>> -> memref<128x64xi32, #tpu.memory_space<vmem>>
      %dma_wait3A_151 = arith.constant 0 : i32
      %dma_wait3A_152 = tpu.memref_slice %arg7[%add3A_91, %dma_wait3A_151] : memref<24x128xi32, #tpu.memory_space<vmem>> -> memref<1x128xi32, #tpu.memory_space<vmem>>
      %dma_wait3A_153 = tpu.memref_squeeze %dma_wait3A_152 : memref<1x128xi32, #tpu.memory_space<vmem>> -> memref<128xi32, #tpu.memory_space<vmem>>
      %dma_wait3A_154 = arith.constant 0 : i32
      %dma_wait3A_155 = arith.constant 0 : i32
      %dma_wait3A_156 = tpu.memref_slice %arg2[%dma_wait3A_154, %dma_wait3A_155] : memref<10240x64xi32, #tpu.memory_space<hbm>> -> memref<10240x64xi32, #tpu.memory_space<hbm>>
      tpu.wait_indirect_dma semaphore(%arg10 : memref<!tpu.dma_semaphore, #tpu.memory_space<semaphore_mem>>) src(%dma_wait3A_156 : memref<10240x64xi32, #tpu.memory_space<hbm>>) dst(%dma_wait3A_150 : memref<128x64xi32, #tpu.memory_space<vmem>>)
      %add3A_157 = arith.constant 0 : i32
      %add3A_158 = arith.addi %add3A_88, %add3A_157 : i32
      %add3A_159 = arith.addi %add3A, %add3A_158 : i32
      %mul3A_160 = arith.constant 128 : i32
      %mul3A_161 = arith.muli %add3A_159, %mul3A_160 : i32
      %dma_start3A_162 = arith.constant 0 : i32
      %dma_start3A_163 = arith.constant 0 : i32
      %dma_start3A_164 = arith.constant 0 : i32
      %dma_start3A_165 = tpu.memref_slice %arg9[%dma_start3A_162, %dma_start3A_163, %dma_start3A_164] : memref<4x128x64xi32, #tpu.memory_space<vmem>> -> memref<1x128x64xi32, #tpu.memory_space<vmem>>
      %dma_start3A_166 = tpu.memref_squeeze %dma_start3A_165 : memref<1x128x64xi32, #tpu.memory_space<vmem>> -> memref<128x64xi32, #tpu.memory_space<vmem>>
      %dma_start3A_167 = arith.constant 0 : i32
      %dma_start3A_168 = tpu.memref_slice %arg5[%mul3A_161, %dma_start3A_167] : memref<81920x64xi32, #tpu.memory_space<hbm>> -> memref<128x64xi32, #tpu.memory_space<hbm>>
      %dma_start3A_169 = arith.constant 0 : i32
      %dma_start3A_170 = tpu.memref_slice %arg5[%mul3A_161, %dma_start3A_169] : memref<81920x64xi32, #tpu.memory_space<hbm>> -> memref<128x64xi32, #tpu.memory_space<hbm>>
      %dma_start3A_171 = arith.constant 0 : i32
      %dma_start3A_172 = arith.constant 0 : i32
      %dma_start3A_173 = tpu.memref_slice %arg9[%dma_start3A_162, %dma_start3A_171, %dma_start3A_172] : memref<4x128x64xi32, #tpu.memory_space<vmem>> -> memref<1x128x64xi32, #tpu.memory_space<vmem>>
      %dma_start3A_174 = tpu.memref_squeeze %dma_start3A_173 : memref<1x128x64xi32, #tpu.memory_space<vmem>> -> memref<128x64xi32, #tpu.memory_space<vmem>>
      tpu.enqueue_dma source(%dma_start3A_174 : memref<128x64xi32, #tpu.memory_space<vmem>>) target(%dma_start3A_170 : memref<128x64xi32, #tpu.memory_space<hbm>>) target_semaphore(%arg11 : memref<!tpu.dma_semaphore, #tpu.memory_space<semaphore_mem>>)
      %dma_wait3A_175 = arith.constant 1 : i32
      %dma_wait3A_176 = arith.constant 0 : i32
      %dma_wait3A_177 = arith.constant 0 : i32
      %dma_wait3A_178 = tpu.memref_slice %arg9[%dma_wait3A_175, %dma_wait3A_176, %dma_wait3A_177] : memref<4x128x64xi32, #tpu.memory_space<vmem>> -> memref<1x128x64xi32, #tpu.memory_space<vmem>>
      %dma_wait3A_179 = tpu.memref_squeeze %dma_wait3A_178 : memref<1x128x64xi32, #tpu.memory_space<vmem>> -> memref<128x64xi32, #tpu.memory_space<vmem>>
      %dma_wait3A_180 = arith.constant 0 : i32
      %dma_wait3A_181 = tpu.memref_slice %arg8[%add3A_104, %dma_wait3A_180] : memref<24x128xi32, #tpu.memory_space<vmem>> -> memref<1x128xi32, #tpu.memory_space<vmem>>
      %dma_wait3A_182 = tpu.memref_squeeze %dma_wait3A_181 : memref<1x128xi32, #tpu.memory_space<vmem>> -> memref<128xi32, #tpu.memory_space<vmem>>
      %dma_wait3A_183 = arith.constant 0 : i32
      %dma_wait3A_184 = arith.constant 0 : i32
      %dma_wait3A_185 = tpu.memref_slice %arg2[%dma_wait3A_183, %dma_wait3A_184] : memref<10240x64xi32, #tpu.memory_space<hbm>> -> memref<10240x64xi32, #tpu.memory_space<hbm>>
      tpu.wait_indirect_dma semaphore(%arg10 : memref<!tpu.dma_semaphore, #tpu.memory_space<semaphore_mem>>) src(%dma_wait3A_185 : memref<10240x64xi32, #tpu.memory_space<hbm>>) dst(%dma_wait3A_179 : memref<128x64xi32, #tpu.memory_space<vmem>>)
      %add3A_186 = arith.constant 0 : i32
      %add3A_187 = arith.addi %add3A_88, %add3A_186 : i32
      %add3A_188 = arith.addi %add3A, %add3A_187 : i32
      %mul3A_189 = arith.constant 128 : i32
      %mul3A_190 = arith.muli %add3A_188, %mul3A_189 : i32
      %dma_start3A_191 = arith.constant 1 : i32
      %dma_start3A_192 = arith.constant 0 : i32
      %dma_start3A_193 = arith.constant 0 : i32
      %dma_start3A_194 = tpu.memref_slice %arg9[%dma_start3A_191, %dma_start3A_192, %dma_start3A_193] : memref<4x128x64xi32, #tpu.memory_space<vmem>> -> memref<1x128x64xi32, #tpu.memory_space<vmem>>
      %dma_start3A_195 = tpu.memref_squeeze %dma_start3A_194 : memref<1x128x64xi32, #tpu.memory_space<vmem>> -> memref<128x64xi32, #tpu.memory_space<vmem>>
      %dma_start3A_196 = arith.constant 0 : i32
      %dma_start3A_197 = tpu.memref_slice %arg6[%mul3A_190, %dma_start3A_196] : memref<81920x64xi32, #tpu.memory_space<hbm>> -> memref<128x64xi32, #tpu.memory_space<hbm>>
      %dma_start3A_198 = arith.constant 0 : i32
      %dma_start3A_199 = tpu.memref_slice %arg6[%mul3A_190, %dma_start3A_198] : memref<81920x64xi32, #tpu.memory_space<hbm>> -> memref<128x64xi32, #tpu.memory_space<hbm>>
      %dma_start3A_200 = arith.constant 0 : i32
      %dma_start3A_201 = arith.constant 0 : i32
      %dma_start3A_202 = tpu.memref_slice %arg9[%dma_start3A_191, %dma_start3A_200, %dma_start3A_201] : memref<4x128x64xi32, #tpu.memory_space<vmem>> -> memref<1x128x64xi32, #tpu.memory_space<vmem>>
      %dma_start3A_203 = tpu.memref_squeeze %dma_start3A_202 : memref<1x128x64xi32, #tpu.memory_space<vmem>> -> memref<128x64xi32, #tpu.memory_space<vmem>>
      tpu.enqueue_dma source(%dma_start3A_203 : memref<128x64xi32, #tpu.memory_space<vmem>>) target(%dma_start3A_199 : memref<128x64xi32, #tpu.memory_space<hbm>>) target_semaphore(%arg11 : memref<!tpu.dma_semaphore, #tpu.memory_space<semaphore_mem>>)
      %dma_wait3A_204 = arith.constant 2 : i32
      %dma_wait3A_205 = arith.constant 0 : i32
      %dma_wait3A_206 = arith.constant 0 : i32
      %dma_wait3A_207 = tpu.memref_slice %arg9[%dma_wait3A_204, %dma_wait3A_205, %dma_wait3A_206] : memref<4x128x64xi32, #tpu.memory_space<vmem>> -> memref<1x128x64xi32, #tpu.memory_space<vmem>>
      %dma_wait3A_208 = tpu.memref_squeeze %dma_wait3A_207 : memref<1x128x64xi32, #tpu.memory_space<vmem>> -> memref<128x64xi32, #tpu.memory_space<vmem>>
      %dma_wait3A_209 = arith.constant 0 : i32
      %dma_wait3A_210 = tpu.memref_slice %arg7[%add3A_118, %dma_wait3A_209] : memref<24x128xi32, #tpu.memory_space<vmem>> -> memref<1x128xi32, #tpu.memory_space<vmem>>
      %dma_wait3A_211 = tpu.memref_squeeze %dma_wait3A_210 : memref<1x128xi32, #tpu.memory_space<vmem>> -> memref<128xi32, #tpu.memory_space<vmem>>
      %dma_wait3A_212 = arith.constant 0 : i32
      %dma_wait3A_213 = arith.constant 0 : i32
      %dma_wait3A_214 = tpu.memref_slice %arg2[%dma_wait3A_212, %dma_wait3A_213] : memref<10240x64xi32, #tpu.memory_space<hbm>> -> memref<10240x64xi32, #tpu.memory_space<hbm>>
      tpu.wait_indirect_dma semaphore(%arg10 : memref<!tpu.dma_semaphore, #tpu.memory_space<semaphore_mem>>) src(%dma_wait3A_214 : memref<10240x64xi32, #tpu.memory_space<hbm>>) dst(%dma_wait3A_208 : memref<128x64xi32, #tpu.memory_space<vmem>>)
      %add3A_215 = arith.constant 1 : i32
      %add3A_216 = arith.addi %add3A_88, %add3A_215 : i32
      %add3A_217 = arith.addi %add3A, %add3A_216 : i32
      %mul3A_218 = arith.constant 128 : i32
      %mul3A_219 = arith.muli %add3A_217, %mul3A_218 : i32
      %dma_start3A_220 = arith.constant 2 : i32
      %dma_start3A_221 = arith.constant 0 : i32
      %dma_start3A_222 = arith.constant 0 : i32
      %dma_start3A_223 = tpu.memref_slice %arg9[%dma_start3A_220, %dma_start3A_221, %dma_start3A_222] : memref<4x128x64xi32, #tpu.memory_space<vmem>> -> memref<1x128x64xi32, #tpu.memory_space<vmem>>
      %dma_start3A_224 = tpu.memref_squeeze %dma_start3A_223 : memref<1x128x64xi32, #tpu.memory_space<vmem>> -> memref<128x64xi32, #tpu.memory_space<vmem>>
      %dma_start3A_225 = arith.constant 0 : i32
      %dma_start3A_226 = tpu.memref_slice %arg5[%mul3A_219, %dma_start3A_225] : memref<81920x64xi32, #tpu.memory_space<hbm>> -> memref<128x64xi32, #tpu.memory_space<hbm>>
      %dma_start3A_227 = arith.constant 0 : i32
      %dma_start3A_228 = tpu.memref_slice %arg5[%mul3A_219, %dma_start3A_227] : memref<81920x64xi32, #tpu.memory_space<hbm>> -> memref<128x64xi32, #tpu.memory_space<hbm>>
      %dma_start3A_229 = arith.constant 0 : i32
      %dma_start3A_230 = arith.constant 0 : i32
      %dma_start3A_231 = tpu.memref_slice %arg9[%dma_start3A_220, %dma_start3A_229, %dma_start3A_230] : memref<4x128x64xi32, #tpu.memory_space<vmem>> -> memref<1x128x64xi32, #tpu.memory_space<vmem>>
      %dma_start3A_232 = tpu.memref_squeeze %dma_start3A_231 : memref<1x128x64xi32, #tpu.memory_space<vmem>> -> memref<128x64xi32, #tpu.memory_space<vmem>>
      tpu.enqueue_dma source(%dma_start3A_232 : memref<128x64xi32, #tpu.memory_space<vmem>>) target(%dma_start3A_228 : memref<128x64xi32, #tpu.memory_space<hbm>>) target_semaphore(%arg11 : memref<!tpu.dma_semaphore, #tpu.memory_space<semaphore_mem>>)
      %dma_wait3A_233 = arith.constant 3 : i32
      %dma_wait3A_234 = arith.constant 0 : i32
      %dma_wait3A_235 = arith.constant 0 : i32
      %dma_wait3A_236 = tpu.memref_slice %arg9[%dma_wait3A_233, %dma_wait3A_234, %dma_wait3A_235] : memref<4x128x64xi32, #tpu.memory_space<vmem>> -> memref<1x128x64xi32, #tpu.memory_space<vmem>>
      %dma_wait3A_237 = tpu.memref_squeeze %dma_wait3A_236 : memref<1x128x64xi32, #tpu.memory_space<vmem>> -> memref<128x64xi32, #tpu.memory_space<vmem>>
      %dma_wait3A_238 = arith.constant 0 : i32
      %dma_wait3A_239 = tpu.memref_slice %arg8[%add3A_132, %dma_wait3A_238] : memref<24x128xi32, #tpu.memory_space<vmem>> -> memref<1x128xi32, #tpu.memory_space<vmem>>
      %dma_wait3A_240 = tpu.memref_squeeze %dma_wait3A_239 : memref<1x128xi32, #tpu.memory_space<vmem>> -> memref<128xi32, #tpu.memory_space<vmem>>
      %dma_wait3A_241 = arith.constant 0 : i32
      %dma_wait3A_242 = arith.constant 0 : i32
      %dma_wait3A_243 = tpu.memref_slice %arg2[%dma_wait3A_241, %dma_wait3A_242] : memref<10240x64xi32, #tpu.memory_space<hbm>> -> memref<10240x64xi32, #tpu.memory_space<hbm>>
      tpu.wait_indirect_dma semaphore(%arg10 : memref<!tpu.dma_semaphore, #tpu.memory_space<semaphore_mem>>) src(%dma_wait3A_243 : memref<10240x64xi32, #tpu.memory_space<hbm>>) dst(%dma_wait3A_237 : memref<128x64xi32, #tpu.memory_space<vmem>>)
      %add3A_244 = arith.constant 1 : i32
      %add3A_245 = arith.addi %add3A_88, %add3A_244 : i32
      %add3A_246 = arith.addi %add3A, %add3A_245 : i32
      %mul3A_247 = arith.constant 128 : i32
      %mul3A_248 = arith.muli %add3A_246, %mul3A_247 : i32
      %dma_start3A_249 = arith.constant 3 : i32
      %dma_start3A_250 = arith.constant 0 : i32
      %dma_start3A_251 = arith.constant 0 : i32
      %dma_start3A_252 = tpu.memref_slice %arg9[%dma_start3A_249, %dma_start3A_250, %dma_start3A_251] : memref<4x128x64xi32, #tpu.memory_space<vmem>> -> memref<1x128x64xi32, #tpu.memory_space<vmem>>
      %dma_start3A_253 = tpu.memref_squeeze %dma_start3A_252 : memref<1x128x64xi32, #tpu.memory_space<vmem>> -> memref<128x64xi32, #tpu.memory_space<vmem>>
      %dma_start3A_254 = arith.constant 0 : i32
      %dma_start3A_255 = tpu.memref_slice %arg6[%mul3A_248, %dma_start3A_254] : memref<81920x64xi32, #tpu.memory_space<hbm>> -> memref<128x64xi32, #tpu.memory_space<hbm>>
      %dma_start3A_256 = arith.constant 0 : i32
      %dma_start3A_257 = tpu.memref_slice %arg6[%mul3A_248, %dma_start3A_256] : memref<81920x64xi32, #tpu.memory_space<hbm>> -> memref<128x64xi32, #tpu.memory_space<hbm>>
      %dma_start3A_258 = arith.constant 0 : i32
      %dma_start3A_259 = arith.constant 0 : i32
      %dma_start3A_260 = tpu.memref_slice %arg9[%dma_start3A_249, %dma_start3A_258, %dma_start3A_259] : memref<4x128x64xi32, #tpu.memory_space<vmem>> -> memref<1x128x64xi32, #tpu.memory_space<vmem>>
      %dma_start3A_261 = tpu.memref_squeeze %dma_start3A_260 : memref<1x128x64xi32, #tpu.memory_space<vmem>> -> memref<128x64xi32, #tpu.memory_space<vmem>>
      tpu.enqueue_dma source(%dma_start3A_261 : memref<128x64xi32, #tpu.memory_space<vmem>>) target(%dma_start3A_257 : memref<128x64xi32, #tpu.memory_space<hbm>>) target_semaphore(%arg11 : memref<!tpu.dma_semaphore, #tpu.memory_space<semaphore_mem>>)
    }
    %dma_wait3A = arith.constant 0 : i32
    %dma_wait3A_27 = arith.constant 0 : i32
    %dma_wait3A_28 = arith.constant 0 : i32
    %dma_wait3A_29 = tpu.memref_slice %arg9[%dma_wait3A, %dma_wait3A_27, %dma_wait3A_28] : memref<4x128x64xi32, #tpu.memory_space<vmem>> -> memref<1x128x64xi32, #tpu.memory_space<vmem>>
    %dma_wait3A_30 = tpu.memref_squeeze %dma_wait3A_29 : memref<1x128x64xi32, #tpu.memory_space<vmem>> -> memref<128x64xi32, #tpu.memory_space<vmem>>
    %dma_wait3A_31 = arith.constant 0 : i32
    %dma_wait3A_32 = arith.constant 0 : i32
    %dma_wait3A_33 = tpu.memref_slice %arg5[%dma_wait3A_31, %dma_wait3A_32] : memref<81920x64xi32, #tpu.memory_space<hbm>> -> memref<128x64xi32, #tpu.memory_space<hbm>>
    %dma_wait3A_34 = arith.constant 0 : i32
    %dma_wait3A_35 = arith.constant 0 : i32
    %dma_wait3A_36 = tpu.memref_slice %arg9[%dma_wait3A, %dma_wait3A_34, %dma_wait3A_35] : memref<4x128x64xi32, #tpu.memory_space<vmem>> -> memref<1x128x64xi32, #tpu.memory_space<vmem>>
    %dma_wait3A_37 = tpu.memref_squeeze %dma_wait3A_36 : memref<1x128x64xi32, #tpu.memory_space<vmem>> -> memref<128x64xi32, #tpu.memory_space<vmem>>
    %dma_wait3A_38 = arith.constant 0 : i32
    %dma_wait3A_39 = arith.constant 0 : i32
    %dma_wait3A_40 = tpu.memref_slice %arg5[%dma_wait3A_38, %dma_wait3A_39] : memref<81920x64xi32, #tpu.memory_space<hbm>> -> memref<128x64xi32, #tpu.memory_space<hbm>>
    tpu.wait_dma2 semaphore(%arg11 : memref<!tpu.dma_semaphore, #tpu.memory_space<semaphore_mem>>) src(%dma_wait3A_40 : memref<128x64xi32, #tpu.memory_space<hbm>>) dst(%dma_wait3A_37 : memref<128x64xi32, #tpu.memory_space<vmem>>)
    %dma_wait3A_41 = arith.constant 1 : i32
    %dma_wait3A_42 = arith.constant 0 : i32
    %dma_wait3A_43 = arith.constant 0 : i32
    %dma_wait3A_44 = tpu.memref_slice %arg9[%dma_wait3A_41, %dma_wait3A_42, %dma_wait3A_43] : memref<4x128x64xi32, #tpu.memory_space<vmem>> -> memref<1x128x64xi32, #tpu.memory_space<vmem>>
    %dma_wait3A_45 = tpu.memref_squeeze %dma_wait3A_44 : memref<1x128x64xi32, #tpu.memory_space<vmem>> -> memref<128x64xi32, #tpu.memory_space<vmem>>
    %dma_wait3A_46 = arith.constant 0 : i32
    %dma_wait3A_47 = arith.constant 0 : i32
    %dma_wait3A_48 = tpu.memref_slice %arg5[%dma_wait3A_46, %dma_wait3A_47] : memref<81920x64xi32, #tpu.memory_space<hbm>> -> memref<128x64xi32, #tpu.memory_space<hbm>>
    %dma_wait3A_49 = arith.constant 0 : i32
    %dma_wait3A_50 = arith.constant 0 : i32
    %dma_wait3A_51 = tpu.memref_slice %arg9[%dma_wait3A_41, %dma_wait3A_49, %dma_wait3A_50] : memref<4x128x64xi32, #tpu.memory_space<vmem>> -> memref<1x128x64xi32, #tpu.memory_space<vmem>>
    %dma_wait3A_52 = tpu.memref_squeeze %dma_wait3A_51 : memref<1x128x64xi32, #tpu.memory_space<vmem>> -> memref<128x64xi32, #tpu.memory_space<vmem>>
    %dma_wait3A_53 = arith.constant 0 : i32
    %dma_wait3A_54 = arith.constant 0 : i32
    %dma_wait3A_55 = tpu.memref_slice %arg5[%dma_wait3A_53, %dma_wait3A_54] : memref<81920x64xi32, #tpu.memory_space<hbm>> -> memref<128x64xi32, #tpu.memory_space<hbm>>
    tpu.wait_dma2 semaphore(%arg11 : memref<!tpu.dma_semaphore, #tpu.memory_space<semaphore_mem>>) src(%dma_wait3A_55 : memref<128x64xi32, #tpu.memory_space<hbm>>) dst(%dma_wait3A_52 : memref<128x64xi32, #tpu.memory_space<vmem>>)
    %dma_wait3A_56 = arith.constant 2 : i32
    %dma_wait3A_57 = arith.constant 0 : i32
    %dma_wait3A_58 = arith.constant 0 : i32
    %dma_wait3A_59 = tpu.memref_slice %arg9[%dma_wait3A_56, %dma_wait3A_57, %dma_wait3A_58] : memref<4x128x64xi32, #tpu.memory_space<vmem>> -> memref<1x128x64xi32, #tpu.memory_space<vmem>>
    %dma_wait3A_60 = tpu.memref_squeeze %dma_wait3A_59 : memref<1x128x64xi32, #tpu.memory_space<vmem>> -> memref<128x64xi32, #tpu.memory_space<vmem>>
    %dma_wait3A_61 = arith.constant 0 : i32
    %dma_wait3A_62 = arith.constant 0 : i32
    %dma_wait3A_63 = tpu.memref_slice %arg5[%dma_wait3A_61, %dma_wait3A_62] : memref<81920x64xi32, #tpu.memory_space<hbm>> -> memref<128x64xi32, #tpu.memory_space<hbm>>
    %dma_wait3A_64 = arith.constant 0 : i32
    %dma_wait3A_65 = arith.constant 0 : i32
    %dma_wait3A_66 = tpu.memref_slice %arg9[%dma_wait3A_56, %dma_wait3A_64, %dma_wait3A_65] : memref<4x128x64xi32, #tpu.memory_space<vmem>> -> memref<1x128x64xi32, #tpu.memory_space<vmem>>
    %dma_wait3A_67 = tpu.memref_squeeze %dma_wait3A_66 : memref<1x128x64xi32, #tpu.memory_space<vmem>> -> memref<128x64xi32, #tpu.memory_space<vmem>>
    %dma_wait3A_68 = arith.constant 0 : i32
    %dma_wait3A_69 = arith.constant 0 : i32
    %dma_wait3A_70 = tpu.memref_slice %arg5[%dma_wait3A_68, %dma_wait3A_69] : memref<81920x64xi32, #tpu.memory_space<hbm>> -> memref<128x64xi32, #tpu.memory_space<hbm>>
    tpu.wait_dma2 semaphore(%arg11 : memref<!tpu.dma_semaphore, #tpu.memory_space<semaphore_mem>>) src(%dma_wait3A_70 : memref<128x64xi32, #tpu.memory_space<hbm>>) dst(%dma_wait3A_67 : memref<128x64xi32, #tpu.memory_space<vmem>>)
    %dma_wait3A_71 = arith.constant 3 : i32
    %dma_wait3A_72 = arith.constant 0 : i32
    %dma_wait3A_73 = arith.constant 0 : i32
    %dma_wait3A_74 = tpu.memref_slice %arg9[%dma_wait3A_71, %dma_wait3A_72, %dma_wait3A_73] : memref<4x128x64xi32, #tpu.memory_space<vmem>> -> memref<1x128x64xi32, #tpu.memory_space<vmem>>
    %dma_wait3A_75 = tpu.memref_squeeze %dma_wait3A_74 : memref<1x128x64xi32, #tpu.memory_space<vmem>> -> memref<128x64xi32, #tpu.memory_space<vmem>>
    %dma_wait3A_76 = arith.constant 0 : i32
    %dma_wait3A_77 = arith.constant 0 : i32
    %dma_wait3A_78 = tpu.memref_slice %arg5[%dma_wait3A_76, %dma_wait3A_77] : memref<81920x64xi32, #tpu.memory_space<hbm>> -> memref<128x64xi32, #tpu.memory_space<hbm>>
    %dma_wait3A_79 = arith.constant 0 : i32
    %dma_wait3A_80 = arith.constant 0 : i32
    %dma_wait3A_81 = tpu.memref_slice %arg9[%dma_wait3A_71, %dma_wait3A_79, %dma_wait3A_80] : memref<4x128x64xi32, #tpu.memory_space<vmem>> -> memref<1x128x64xi32, #tpu.memory_space<vmem>>
    %dma_wait3A_82 = tpu.memref_squeeze %dma_wait3A_81 : memref<1x128x64xi32, #tpu.memory_space<vmem>> -> memref<128x64xi32, #tpu.memory_space<vmem>>
    %dma_wait3A_83 = arith.constant 0 : i32
    %dma_wait3A_84 = arith.constant 0 : i32
    %dma_wait3A_85 = tpu.memref_slice %arg5[%dma_wait3A_83, %dma_wait3A_84] : memref<81920x64xi32, #tpu.memory_space<hbm>> -> memref<128x64xi32, #tpu.memory_space<hbm>>
    tpu.wait_dma2 semaphore(%arg11 : memref<!tpu.dma_semaphore, #tpu.memory_space<semaphore_mem>>) src(%dma_wait3A_85 : memref<128x64xi32, #tpu.memory_space<hbm>>) dst(%dma_wait3A_82 : memref<128x64xi32, #tpu.memory_space<vmem>>)
    return
  }
}

#map = affine_map<(d0, d1) -> (0, 0)>
#map1 = affine_map<(d0, d1) -> (0, 0, 0)>
module attributes {stable_mosaic.version = 14 : i64} {
  func.func @_scatter_sc_body(%arg0: i32, %arg1: i32, %arg2: memref<81920x128xf32, #tpu.memory_space<hbm>>, %arg3: memref<81920x128xf32, #tpu.memory_space<hbm>>, %arg4: memref<1280x128xi32, #tpu.memory_space<hbm>>, %arg5: memref<10240x128xf32, #tpu.memory_space<hbm>>, %arg6: memref<2x10240x128xf32, #tpu.memory_space<hbm>>, %arg7: memref<10240x128xf32, #tpu.memory_space<vmem_shared>>, %arg8: memref<40x128xi32, #tpu.memory_space<vmem>>, %arg9: memref<128x128xf32, #tpu.memory_space<vmem>>) attributes {dimension_semantics = [#tpu.dimension_semantics<core_parallel>, #tpu.dimension_semantics<subcore_parallel>], iteration_bounds = array<i64: 2, 16>, scalar_prefetch = 0 : i64, scratch_operands = 3 : i64, tpu.core_type = #tpu.core_type<sc_vector_subcore>, window_params = [{transform_indices = #map}, {transform_indices = #map}, {transform_indices = #map}, {transform_indices = #map}, {transform_indices = #map1}]} {
    %mul3A = arith.constant 640 : i32
    %mul3A_0 = arith.muli %arg1, %mul3A : i32
    %mul3A_1 = arith.constant 640 : i32
    %mul3A_2 = arith.muli %arg1, %mul3A_1 : i32
    "tpu.region"() ({
      %run_scoped3A = tpu.sem_alloc : memref<!tpu.dma_semaphore, #tpu.memory_space<semaphore_mem>>
      %dma_start3A = arith.constant 0 : i32
      %dma_start3A_16 = tpu.memref_slice %arg7[%mul3A_2, %dma_start3A] : memref<10240x128xf32, #tpu.memory_space<vmem_shared>> -> memref<640x128xf32, #tpu.memory_space<vmem_shared>>
      %dma_start3A_17 = arith.constant 0 : i32
      %dma_start3A_18 = tpu.memref_slice %arg5[%mul3A_0, %dma_start3A_17] : memref<10240x128xf32, #tpu.memory_space<hbm>> -> memref<640x128xf32, #tpu.memory_space<hbm>>
      tpu.enqueue_dma source(%dma_start3A_18 : memref<640x128xf32, #tpu.memory_space<hbm>>) target(%dma_start3A_16 : memref<640x128xf32, #tpu.memory_space<vmem_shared>>) target_semaphore(%run_scoped3A : memref<!tpu.dma_semaphore, #tpu.memory_space<semaphore_mem>>)
      %dma_wait3A = arith.constant 0 : i32
      %dma_wait3A_19 = tpu.memref_slice %arg7[%mul3A_2, %dma_wait3A] : memref<10240x128xf32, #tpu.memory_space<vmem_shared>> -> memref<640x128xf32, #tpu.memory_space<vmem_shared>>
      %dma_wait3A_20 = arith.constant 0 : i32
      %dma_wait3A_21 = tpu.memref_slice %arg5[%mul3A_0, %dma_wait3A_20] : memref<10240x128xf32, #tpu.memory_space<hbm>> -> memref<640x128xf32, #tpu.memory_space<hbm>>
      tpu.wait_dma2 semaphore(%run_scoped3A : memref<!tpu.dma_semaphore, #tpu.memory_space<semaphore_mem>>) src(%dma_wait3A_21 : memref<640x128xf32, #tpu.memory_space<hbm>>) dst(%dma_wait3A_19 : memref<640x128xf32, #tpu.memory_space<vmem_shared>>)
      tpu.yield
    }) : () -> ()
    %mul3A_3 = arith.constant 40 : i32
    %mul3A_4 = arith.muli %arg1, %mul3A_3 : i32
    %mul3A_5 = arith.constant 640 : i32
    %mul3A_6 = arith.muli %arg0, %mul3A_5 : i32
    %add3A = arith.addi %mul3A_6, %mul3A_4 : i32
    "tpu.region"() ({
      %run_scoped3A = tpu.sem_alloc : memref<!tpu.dma_semaphore, #tpu.memory_space<semaphore_mem>>
      %dma_start3A = arith.constant 0 : i32
      %dma_start3A_16 = tpu.memref_slice %arg4[%add3A, %dma_start3A] : memref<1280x128xi32, #tpu.memory_space<hbm>> -> memref<40x128xi32, #tpu.memory_space<hbm>>
      %dma_start3A_17 = arith.constant 0 : i32
      %dma_start3A_18 = tpu.memref_slice %arg4[%add3A, %dma_start3A_17] : memref<1280x128xi32, #tpu.memory_space<hbm>> -> memref<40x128xi32, #tpu.memory_space<hbm>>
      tpu.enqueue_dma source(%dma_start3A_18 : memref<40x128xi32, #tpu.memory_space<hbm>>) target(%arg8 : memref<40x128xi32, #tpu.memory_space<vmem>>) target_semaphore(%run_scoped3A : memref<!tpu.dma_semaphore, #tpu.memory_space<semaphore_mem>>)
      %dma_wait3A = arith.constant 0 : i32
      %dma_wait3A_19 = tpu.memref_slice %arg4[%add3A, %dma_wait3A] : memref<1280x128xi32, #tpu.memory_space<hbm>> -> memref<40x128xi32, #tpu.memory_space<hbm>>
      %dma_wait3A_20 = arith.constant 0 : i32
      %dma_wait3A_21 = tpu.memref_slice %arg4[%add3A, %dma_wait3A_20] : memref<1280x128xi32, #tpu.memory_space<hbm>> -> memref<40x128xi32, #tpu.memory_space<hbm>>
      tpu.wait_dma2 semaphore(%run_scoped3A : memref<!tpu.dma_semaphore, #tpu.memory_space<semaphore_mem>>) src(%dma_wait3A_21 : memref<40x128xi32, #tpu.memory_space<hbm>>) dst(%arg8 : memref<40x128xi32, #tpu.memory_space<vmem>>)
      tpu.yield
    }) : () -> ()
    %barrier3A = arith.constant 0 : index
    tpu.barrier barrier_id(%barrier3A)
    %scan3A = arith.constant 0 : i32
    %scan3A_7 = arith.constant 40 : i32
    %scan3A_8 = arith.addi %scan3A, %scan3A_7 : i32
    %scan3A_9 = arith.constant 1 : i32
    scf.for %scan3A_16 = %scan3A to %scan3A_8 step %scan3A_9  : i32 {
      %mul3A_17 = arith.constant 1 : i32
      %mul3A_18 = arith.muli %scan3A_16, %mul3A_17 : i32
      %add3A_19 = arith.constant 0 : i32
      %add3A_20 = arith.addi %add3A_19, %mul3A_18 : i32
      %eq3A = arith.constant 0 : i32
      %eq3A_21 = arith.cmpi eq, %arg0, %eq3A : i32
      %convert_element_type3A = arith.extui %eq3A_21 : i1 to i32
      %cond3A = arith.constant 0 : i32
      %cond3A_22 = arith.cmpi ne, %convert_element_type3A, %cond3A : i32
      scf.if %cond3A_22 {
        %add3A_28 = arith.addi %mul3A_4, %add3A_20 : i32
        %mul3A_29 = arith.constant 128 : i32
        %mul3A_30 = arith.muli %add3A_28, %mul3A_29 : i32
        "tpu.region"() ({
          %run_scoped3A = tpu.sem_alloc : memref<!tpu.dma_semaphore, #tpu.memory_space<semaphore_mem>>
          %dma_start3A = arith.constant 0 : i32
          %dma_start3A_31 = tpu.memref_slice %arg2[%mul3A_30, %dma_start3A] : memref<81920x128xf32, #tpu.memory_space<hbm>> -> memref<128x128xf32, #tpu.memory_space<hbm>>
          %dma_start3A_32 = arith.constant 0 : i32
          %dma_start3A_33 = tpu.memref_slice %arg2[%mul3A_30, %dma_start3A_32] : memref<81920x128xf32, #tpu.memory_space<hbm>> -> memref<128x128xf32, #tpu.memory_space<hbm>>
          tpu.enqueue_dma source(%dma_start3A_33 : memref<128x128xf32, #tpu.memory_space<hbm>>) target(%arg9 : memref<128x128xf32, #tpu.memory_space<vmem>>) target_semaphore(%run_scoped3A : memref<!tpu.dma_semaphore, #tpu.memory_space<semaphore_mem>>)
          %dma_wait3A = arith.constant 0 : i32
          %dma_wait3A_34 = tpu.memref_slice %arg2[%mul3A_30, %dma_wait3A] : memref<81920x128xf32, #tpu.memory_space<hbm>> -> memref<128x128xf32, #tpu.memory_space<hbm>>
          %dma_wait3A_35 = arith.constant 0 : i32
          %dma_wait3A_36 = tpu.memref_slice %arg2[%mul3A_30, %dma_wait3A_35] : memref<81920x128xf32, #tpu.memory_space<hbm>> -> memref<128x128xf32, #tpu.memory_space<hbm>>
          tpu.wait_dma2 semaphore(%run_scoped3A : memref<!tpu.dma_semaphore, #tpu.memory_space<semaphore_mem>>) src(%dma_wait3A_36 : memref<128x128xf32, #tpu.memory_space<hbm>>) dst(%arg9 : memref<128x128xf32, #tpu.memory_space<vmem>>)
          tpu.yield
        }) : () -> ()
      } else {
      }
      %eq3A_23 = arith.constant 1 : i32
      %eq3A_24 = arith.cmpi eq, %arg0, %eq3A_23 : i32
      %convert_element_type3A_25 = arith.extui %eq3A_24 : i1 to i32
      %cond3A_26 = arith.constant 0 : i32
      %cond3A_27 = arith.cmpi ne, %convert_element_type3A_25, %cond3A_26 : i32
      scf.if %cond3A_27 {
        %add3A_28 = arith.addi %mul3A_4, %add3A_20 : i32
        %mul3A_29 = arith.constant 128 : i32
        %mul3A_30 = arith.muli %add3A_28, %mul3A_29 : i32
        "tpu.region"() ({
          %run_scoped3A = tpu.sem_alloc : memref<!tpu.dma_semaphore, #tpu.memory_space<semaphore_mem>>
          %dma_start3A = arith.constant 0 : i32
          %dma_start3A_31 = tpu.memref_slice %arg3[%mul3A_30, %dma_start3A] : memref<81920x128xf32, #tpu.memory_space<hbm>> -> memref<128x128xf32, #tpu.memory_space<hbm>>
          %dma_start3A_32 = arith.constant 0 : i32
          %dma_start3A_33 = tpu.memref_slice %arg3[%mul3A_30, %dma_start3A_32] : memref<81920x128xf32, #tpu.memory_space<hbm>> -> memref<128x128xf32, #tpu.memory_space<hbm>>
          tpu.enqueue_dma source(%dma_start3A_33 : memref<128x128xf32, #tpu.memory_space<hbm>>) target(%arg9 : memref<128x128xf32, #tpu.memory_space<vmem>>) target_semaphore(%run_scoped3A : memref<!tpu.dma_semaphore, #tpu.memory_space<semaphore_mem>>)
          %dma_wait3A = arith.constant 0 : i32
          %dma_wait3A_34 = tpu.memref_slice %arg3[%mul3A_30, %dma_wait3A] : memref<81920x128xf32, #tpu.memory_space<hbm>> -> memref<128x128xf32, #tpu.memory_space<hbm>>
          %dma_wait3A_35 = arith.constant 0 : i32
          %dma_wait3A_36 = tpu.memref_slice %arg3[%mul3A_30, %dma_wait3A_35] : memref<81920x128xf32, #tpu.memory_space<hbm>> -> memref<128x128xf32, #tpu.memory_space<hbm>>
          tpu.wait_dma2 semaphore(%run_scoped3A : memref<!tpu.dma_semaphore, #tpu.memory_space<semaphore_mem>>) src(%dma_wait3A_36 : memref<128x128xf32, #tpu.memory_space<hbm>>) dst(%arg9 : memref<128x128xf32, #tpu.memory_space<vmem>>)
          tpu.yield
        }) : () -> ()
      } else {
      }
      "tpu.region"() ({
        %run_scoped3A = tpu.sem_alloc : memref<!tpu.dma_semaphore, #tpu.memory_space<semaphore_mem>>
        %dma_start3A = arith.constant 0 : i32
        %dma_start3A_28 = tpu.memref_slice %arg8[%add3A_20, %dma_start3A] : memref<40x128xi32, #tpu.memory_space<vmem>> -> memref<1x128xi32, #tpu.memory_space<vmem>>
        %dma_start3A_29 = tpu.memref_squeeze %dma_start3A_28 : memref<1x128xi32, #tpu.memory_space<vmem>> -> memref<128xi32, #tpu.memory_space<vmem>>
        %dma_start3A_30 = arith.constant 0 : i32
        %dma_start3A_31 = arith.constant 0 : i32
        %dma_start3A_32 = tpu.memref_slice %arg7[%dma_start3A_30, %dma_start3A_31] : memref<10240x128xf32, #tpu.memory_space<vmem_shared>> -> memref<10240x128xf32, #tpu.memory_space<vmem_shared>>
        tpu.enqueue_indirect_dma source(%arg9 : memref<128x128xf32, #tpu.memory_space<vmem>>) target(%dma_start3A_32 : memref<10240x128xf32, #tpu.memory_space<vmem_shared>>) offsets(%dma_start3A_29 : memref<128xi32, #tpu.memory_space<vmem>>) semaphore(%run_scoped3A : memref<!tpu.dma_semaphore, #tpu.memory_space<semaphore_mem>>) {add = true}
        %dma_wait3A = arith.constant 0 : i32
        %dma_wait3A_33 = tpu.memref_slice %arg8[%add3A_20, %dma_wait3A] : memref<40x128xi32, #tpu.memory_space<vmem>> -> memref<1x128xi32, #tpu.memory_space<vmem>>
        %dma_wait3A_34 = tpu.memref_squeeze %dma_wait3A_33 : memref<1x128xi32, #tpu.memory_space<vmem>> -> memref<128xi32, #tpu.memory_space<vmem>>
        %dma_wait3A_35 = arith.constant 0 : i32
        %dma_wait3A_36 = arith.constant 0 : i32
        %dma_wait3A_37 = tpu.memref_slice %arg7[%dma_wait3A_35, %dma_wait3A_36] : memref<10240x128xf32, #tpu.memory_space<vmem_shared>> -> memref<10240x128xf32, #tpu.memory_space<vmem_shared>>
        tpu.wait_indirect_dma semaphore(%run_scoped3A : memref<!tpu.dma_semaphore, #tpu.memory_space<semaphore_mem>>) src(%arg9 : memref<128x128xf32, #tpu.memory_space<vmem>>) dst(%dma_wait3A_37 : memref<10240x128xf32, #tpu.memory_space<vmem_shared>>)
        tpu.yield
      }) : () -> ()
    }
    %scan3A_10 = arith.constant 40 : i32
    %barrier3A_11 = arith.constant 0 : index
    tpu.barrier barrier_id(%barrier3A_11)
    %mul3A_12 = arith.constant 640 : i32
    %mul3A_13 = arith.muli %arg1, %mul3A_12 : i32
    %mul3A_14 = arith.constant 640 : i32
    %mul3A_15 = arith.muli %arg1, %mul3A_14 : i32
    "tpu.region"() ({
      %run_scoped3A = tpu.sem_alloc : memref<!tpu.dma_semaphore, #tpu.memory_space<semaphore_mem>>
      %dma_start3A = arith.constant 0 : i32
      %dma_start3A_16 = tpu.memref_slice %arg6[%arg0, %mul3A_15, %dma_start3A] : memref<2x10240x128xf32, #tpu.memory_space<hbm>> -> memref<1x640x128xf32, #tpu.memory_space<hbm>>
      %dma_start3A_17 = tpu.memref_squeeze %dma_start3A_16 : memref<1x640x128xf32, #tpu.memory_space<hbm>> -> memref<640x128xf32, #tpu.memory_space<hbm>>
      %dma_start3A_18 = arith.constant 0 : i32
      %dma_start3A_19 = tpu.memref_slice %arg7[%mul3A_13, %dma_start3A_18] : memref<10240x128xf32, #tpu.memory_space<vmem_shared>> -> memref<640x128xf32, #tpu.memory_space<vmem_shared>>
      tpu.enqueue_dma source(%dma_start3A_19 : memref<640x128xf32, #tpu.memory_space<vmem_shared>>) target(%dma_start3A_17 : memref<640x128xf32, #tpu.memory_space<hbm>>) target_semaphore(%run_scoped3A : memref<!tpu.dma_semaphore, #tpu.memory_space<semaphore_mem>>)
      %dma_wait3A = arith.constant 0 : i32
      %dma_wait3A_20 = tpu.memref_slice %arg6[%arg0, %mul3A_15, %dma_wait3A] : memref<2x10240x128xf32, #tpu.memory_space<hbm>> -> memref<1x640x128xf32, #tpu.memory_space<hbm>>
      %dma_wait3A_21 = tpu.memref_squeeze %dma_wait3A_20 : memref<1x640x128xf32, #tpu.memory_space<hbm>> -> memref<640x128xf32, #tpu.memory_space<hbm>>
      %dma_wait3A_22 = arith.constant 0 : i32
      %dma_wait3A_23 = tpu.memref_slice %arg7[%mul3A_13, %dma_wait3A_22] : memref<10240x128xf32, #tpu.memory_space<vmem_shared>> -> memref<640x128xf32, #tpu.memory_space<vmem_shared>>
      tpu.wait_dma2 semaphore(%run_scoped3A : memref<!tpu.dma_semaphore, #tpu.memory_space<semaphore_mem>>) src(%dma_wait3A_23 : memref<640x128xf32, #tpu.memory_space<vmem_shared>>) dst(%dma_wait3A_21 : memref<640x128xf32, #tpu.memory_space<hbm>>)
      tpu.yield
    }) : () -> ()
    return
  }
}

module attributes {stable_mosaic.version = 14 : i64} {
  func.func @_msg_body(%arg0: i32, %arg1: memref<1024x64xi32, #tpu.memory_space<vmem>>, %arg2: memref<1024x64xi32, #tpu.memory_space<vmem>>, %arg3: memref<1024x16xbf16, #tpu.memory_space<vmem>>, %arg4: memref<1024x4xf32, #tpu.memory_space<vmem>>, %arg5: memref<256x512xbf16, #tpu.memory_space<vmem>>, %arg6: memref<16x512xbf16, #tpu.memory_space<vmem>>, %arg7: memref<128x512xbf16, #tpu.memory_space<vmem>>, %arg8: memref<1024x128xf32, #tpu.memory_space<vmem>>) attributes {dimension_semantics = [#tpu.dimension_semantics<arbitrary>], iteration_bounds = array<i64: 80>, scalar_prefetch = 0 : i64, scratch_operands = 0 : i64, tpu.core_type = #tpu.core_type<tc>, window_params = [{transform_indices = @transform_0, window_bounds = array<i64: 1024, 64>}, {transform_indices = @transform_1, window_bounds = array<i64: 1024, 64>}, {transform_indices = @transform_2, window_bounds = array<i64: 1024, 16>}, {transform_indices = @transform_3, window_bounds = array<i64: 1024, 4>}, {pipeline_mode = #tpu.pipeline_mode<synchronous>, transform_indices = @transform_4, window_bounds = array<i64: 256, 512>}, {pipeline_mode = #tpu.pipeline_mode<synchronous>, transform_indices = @transform_5, window_bounds = array<i64: 16, 512>}, {pipeline_mode = #tpu.pipeline_mode<synchronous>, transform_indices = @transform_6, window_bounds = array<i64: 128, 512>}, {transform_indices = @transform_7, window_bounds = array<i64: 1024, 128>}]} {
    %get3A = arith.constant 0 : index
    %get3A_0 = arith.constant 0 : index
    %get3A_1 = vector.load %arg1[%get3A, %get3A_0] : memref<1024x64xi32, #tpu.memory_space<vmem>>, vector<1024x64xi32>
    %shift_left3A = arith.constant 16 : i32
    %shift_left3A_2 = vector.broadcast %shift_left3A : i32 to vector<1024x64xi32>
    %shift_left3A_3 = arith.shli %get3A_1, %shift_left3A_2 : vector<1024x64xi32>
    %bitcast_convert_type3A = tpu.bitcast %shift_left3A_3 : vector<1024x64xi32> -> vector<1024x64xf32>
    %and3A = arith.constant -65536 : i32
    %and3A_4 = vector.broadcast %and3A : i32 to vector<1024x64xi32>
    %and3A_5 = arith.andi %get3A_1, %and3A_4 : vector<1024x64xi32>
    %bitcast_convert_type3A_6 = tpu.bitcast %and3A_5 : vector<1024x64xi32> -> vector<1024x64xf32>
    %convert_element_type3A = arith.truncf %bitcast_convert_type3A : vector<1024x64xf32> to vector<1024x64xbf16>
    %convert_element_type3A_7 = arith.truncf %bitcast_convert_type3A_6 : vector<1024x64xf32> to vector<1024x64xbf16>
    %concatenate3A = tpu.concatenate %convert_element_type3A, %convert_element_type3A_7 in 1 : vector<1024x64xbf16>, vector<1024x64xbf16> -> vector<1024x128xbf16>
    %get3A_8 = arith.constant 0 : index
    %get3A_9 = arith.constant 0 : index
    %get3A_10 = vector.load %arg2[%get3A_8, %get3A_9] : memref<1024x64xi32, #tpu.memory_space<vmem>>, vector<1024x64xi32>
    %shift_left3A_11 = arith.constant 16 : i32
    %shift_left3A_12 = vector.broadcast %shift_left3A_11 : i32 to vector<1024x64xi32>
    %shift_left3A_13 = arith.shli %get3A_10, %shift_left3A_12 : vector<1024x64xi32>
    %bitcast_convert_type3A_14 = tpu.bitcast %shift_left3A_13 : vector<1024x64xi32> -> vector<1024x64xf32>
    %and3A_15 = arith.constant -65536 : i32
    %and3A_16 = vector.broadcast %and3A_15 : i32 to vector<1024x64xi32>
    %and3A_17 = arith.andi %get3A_10, %and3A_16 : vector<1024x64xi32>
    %bitcast_convert_type3A_18 = tpu.bitcast %and3A_17 : vector<1024x64xi32> -> vector<1024x64xf32>
    %convert_element_type3A_19 = arith.truncf %bitcast_convert_type3A_14 : vector<1024x64xf32> to vector<1024x64xbf16>
    %convert_element_type3A_20 = arith.truncf %bitcast_convert_type3A_18 : vector<1024x64xf32> to vector<1024x64xbf16>
    %concatenate3A_21 = tpu.concatenate %convert_element_type3A_19, %convert_element_type3A_20 in 1 : vector<1024x64xbf16>, vector<1024x64xbf16> -> vector<1024x128xbf16>
    %get3A_22 = arith.constant 0 : index
    %get3A_23 = arith.constant 0 : index
    %get3A_24 = vector.load %arg3[%get3A_22, %get3A_23] : memref<1024x16xbf16, #tpu.memory_space<vmem>>, vector<1024x16xbf16>
    %get3A_25 = arith.constant 0 : index
    %get3A_26 = arith.constant 0 : index
    %get3A_27 = vector.load %arg4[%get3A_25, %get3A_26] : memref<1024x4xf32, #tpu.memory_space<vmem>>, vector<1024x4xf32>
    %concatenate3A_28 = tpu.concatenate %concatenate3A, %concatenate3A_21 in 1 : vector<1024x128xbf16>, vector<1024x128xbf16> -> vector<1024x256xbf16>
    %get3A_29 = arith.constant 0 : index
    %get3A_30 = arith.constant 0 : index
    %get3A_31 = vector.load %arg5[%get3A_29, %get3A_30] : memref<256x512xbf16, #tpu.memory_space<vmem>>, vector<256x512xbf16>
    %dot_general3A = arith.constant dense<0.000000e+00> : vector<1024x512xf32>
    %dot_general3A_32 = tpu.matmul %concatenate3A_28, %get3A_31, %dot_general3A {dimension_numbers = #tpu.dot_dimension_numbers<[1], [0], [0], [1], [0, 0, 1, 1], [], []>, transpose_lhs_hint = false} : vector<1024x256xbf16>, vector<256x512xbf16>, vector<1024x512xf32> -> vector<1024x512xf32>
    %get3A_33 = arith.constant 0 : index
    %get3A_34 = arith.constant 0 : index
    %get3A_35 = vector.load %arg6[%get3A_33, %get3A_34] : memref<16x512xbf16, #tpu.memory_space<vmem>>, vector<16x512xbf16>
    %dot_general3A_36 = arith.constant dense<0.000000e+00> : vector<1024x512xf32>
    %dot_general3A_37 = tpu.matmul %get3A_24, %get3A_35, %dot_general3A_36 {dimension_numbers = #tpu.dot_dimension_numbers<[1], [0], [0], [1], [0, 0, 1, 1], [], []>, transpose_lhs_hint = false} : vector<1024x16xbf16>, vector<16x512xbf16>, vector<1024x512xf32> -> vector<1024x512xf32>
    %add3A = arith.addf %dot_general3A_32, %dot_general3A_37 : vector<1024x512xf32>
    %broadcast_in_dim3A = arith.constant 0.000000e+00 : f32
    %broadcast_in_dim3A_38 = vector.broadcast %broadcast_in_dim3A : f32 to vector<1024x128xf32>
    %slice3A = vector.extract_strided_slice %get3A_27 {offsets = [0, 0], sizes = [1024, 1], strides = [1, 1]} : vector<1024x4xf32> to vector<1024x1xf32>
    %slice3A_39 = vector.extract_strided_slice %add3A {offsets = [0, 0], sizes = [1024, 128], strides = [1, 1]} : vector<1024x512xf32> to vector<1024x128xf32>
    %mul3A = vector.broadcast %slice3A : vector<1024x1xf32> to vector<1024x128xf32>
    %mul3A_40 = arith.mulf %mul3A, %slice3A_39 : vector<1024x128xf32>
    %add3A_41 = arith.addf %broadcast_in_dim3A_38, %mul3A_40 : vector<1024x128xf32>
    %slice3A_42 = vector.extract_strided_slice %get3A_27 {offsets = [0, 1], sizes = [1024, 1], strides = [1, 1]} : vector<1024x4xf32> to vector<1024x1xf32>
    %slice3A_43 = vector.extract_strided_slice %add3A {offsets = [0, 128], sizes = [1024, 128], strides = [1, 1]} : vector<1024x512xf32> to vector<1024x128xf32>
    %mul3A_44 = vector.broadcast %slice3A_42 : vector<1024x1xf32> to vector<1024x128xf32>
    %mul3A_45 = arith.mulf %mul3A_44, %slice3A_43 : vector<1024x128xf32>
    %add3A_46 = arith.addf %add3A_41, %mul3A_45 : vector<1024x128xf32>
    %slice3A_47 = vector.extract_strided_slice %get3A_27 {offsets = [0, 2], sizes = [1024, 1], strides = [1, 1]} : vector<1024x4xf32> to vector<1024x1xf32>
    %slice3A_48 = vector.extract_strided_slice %add3A {offsets = [0, 256], sizes = [1024, 128], strides = [1, 1]} : vector<1024x512xf32> to vector<1024x128xf32>
    %mul3A_49 = vector.broadcast %slice3A_47 : vector<1024x1xf32> to vector<1024x128xf32>
    %mul3A_50 = arith.mulf %mul3A_49, %slice3A_48 : vector<1024x128xf32>
    %add3A_51 = arith.addf %add3A_46, %mul3A_50 : vector<1024x128xf32>
    %slice3A_52 = vector.extract_strided_slice %get3A_27 {offsets = [0, 3], sizes = [1024, 1], strides = [1, 1]} : vector<1024x4xf32> to vector<1024x1xf32>
    %slice3A_53 = vector.extract_strided_slice %add3A {offsets = [0, 384], sizes = [1024, 128], strides = [1, 1]} : vector<1024x512xf32> to vector<1024x128xf32>
    %mul3A_54 = vector.broadcast %slice3A_52 : vector<1024x1xf32> to vector<1024x128xf32>
    %mul3A_55 = arith.mulf %mul3A_54, %slice3A_53 : vector<1024x128xf32>
    %add3A_56 = arith.addf %add3A_51, %mul3A_55 : vector<1024x128xf32>
    %mul3A_57 = arith.constant 0.0303169526 : f32
    %mul3A_58 = vector.broadcast %mul3A_57 : f32 to vector<1024x128xf32>
    %mul3A_59 = arith.mulf %add3A_56, %mul3A_58 : vector<1024x128xf32>
    %logistic3A = arith.negf %mul3A_59 : vector<1024x128xf32>
    %logistic3A_60 = math.exp %logistic3A : vector<1024x128xf32>
    %logistic3A_61 = arith.constant 1.000000e+00 : f32
    %logistic3A_62 = vector.broadcast %logistic3A_61 : f32 to vector<1024x128xf32>
    %logistic3A_63 = arith.addf %logistic3A_62, %logistic3A_60 : vector<1024x128xf32>
    %logistic3A_64 = arith.divf %logistic3A_62, %logistic3A_63 : vector<1024x128xf32>
    %mul3A_65 = arith.mulf %mul3A_59, %logistic3A_64 : vector<1024x128xf32>
    %convert_element_type3A_66 = arith.truncf %mul3A_65 : vector<1024x128xf32> to vector<1024x128xbf16>
    %get3A_67 = arith.constant 0 : index
    %get3A_68 = arith.constant 0 : index
    %get3A_69 = vector.load %arg7[%get3A_67, %get3A_68] : memref<128x512xbf16, #tpu.memory_space<vmem>>, vector<128x512xbf16>
    %dot_general3A_70 = arith.constant dense<0.000000e+00> : vector<1024x512xf32>
    %dot_general3A_71 = tpu.matmul %convert_element_type3A_66, %get3A_69, %dot_general3A_70 {dimension_numbers = #tpu.dot_dimension_numbers<[1], [0], [0], [1], [0, 0, 1, 1], [], []>, transpose_lhs_hint = false} : vector<1024x128xbf16>, vector<128x512xbf16>, vector<1024x512xf32> -> vector<1024x512xf32>
    %broadcast_in_dim3A_72 = arith.constant 0.000000e+00 : f32
    %broadcast_in_dim3A_73 = vector.broadcast %broadcast_in_dim3A_72 : f32 to vector<1024x128xf32>
    %slice3A_74 = vector.extract_strided_slice %get3A_27 {offsets = [0, 0], sizes = [1024, 1], strides = [1, 1]} : vector<1024x4xf32> to vector<1024x1xf32>
    %slice3A_75 = vector.extract_strided_slice %dot_general3A_71 {offsets = [0, 0], sizes = [1024, 128], strides = [1, 1]} : vector<1024x512xf32> to vector<1024x128xf32>
    %mul3A_76 = vector.broadcast %slice3A_74 : vector<1024x1xf32> to vector<1024x128xf32>
    %mul3A_77 = arith.mulf %mul3A_76, %slice3A_75 : vector<1024x128xf32>
    %add3A_78 = arith.addf %broadcast_in_dim3A_73, %mul3A_77 : vector<1024x128xf32>
    %slice3A_79 = vector.extract_strided_slice %get3A_27 {offsets = [0, 1], sizes = [1024, 1], strides = [1, 1]} : vector<1024x4xf32> to vector<1024x1xf32>
    %slice3A_80 = vector.extract_strided_slice %dot_general3A_71 {offsets = [0, 128], sizes = [1024, 128], strides = [1, 1]} : vector<1024x512xf32> to vector<1024x128xf32>
    %mul3A_81 = vector.broadcast %slice3A_79 : vector<1024x1xf32> to vector<1024x128xf32>
    %mul3A_82 = arith.mulf %mul3A_81, %slice3A_80 : vector<1024x128xf32>
    %add3A_83 = arith.addf %add3A_78, %mul3A_82 : vector<1024x128xf32>
    %slice3A_84 = vector.extract_strided_slice %get3A_27 {offsets = [0, 2], sizes = [1024, 1], strides = [1, 1]} : vector<1024x4xf32> to vector<1024x1xf32>
    %slice3A_85 = vector.extract_strided_slice %dot_general3A_71 {offsets = [0, 256], sizes = [1024, 128], strides = [1, 1]} : vector<1024x512xf32> to vector<1024x128xf32>
    %mul3A_86 = vector.broadcast %slice3A_84 : vector<1024x1xf32> to vector<1024x128xf32>
    %mul3A_87 = arith.mulf %mul3A_86, %slice3A_85 : vector<1024x128xf32>
    %add3A_88 = arith.addf %add3A_83, %mul3A_87 : vector<1024x128xf32>
    %slice3A_89 = vector.extract_strided_slice %get3A_27 {offsets = [0, 3], sizes = [1024, 1], strides = [1, 1]} : vector<1024x4xf32> to vector<1024x1xf32>
    %slice3A_90 = vector.extract_strided_slice %dot_general3A_71 {offsets = [0, 384], sizes = [1024, 128], strides = [1, 1]} : vector<1024x512xf32> to vector<1024x128xf32>
    %mul3A_91 = vector.broadcast %slice3A_89 : vector<1024x1xf32> to vector<1024x128xf32>
    %mul3A_92 = arith.mulf %mul3A_91, %slice3A_90 : vector<1024x128xf32>
    %add3A_93 = arith.addf %add3A_88, %mul3A_92 : vector<1024x128xf32>
    %mul3A_94 = arith.constant 0.0441941731 : f32
    %mul3A_95 = vector.broadcast %mul3A_94 : f32 to vector<1024x128xf32>
    %mul3A_96 = arith.mulf %add3A_93, %mul3A_95 : vector<1024x128xf32>
    %logistic3A_97 = arith.negf %mul3A_96 : vector<1024x128xf32>
    %logistic3A_98 = math.exp %logistic3A_97 : vector<1024x128xf32>
    %logistic3A_99 = arith.constant 1.000000e+00 : f32
    %logistic3A_100 = vector.broadcast %logistic3A_99 : f32 to vector<1024x128xf32>
    %logistic3A_101 = arith.addf %logistic3A_100, %logistic3A_98 : vector<1024x128xf32>
    %logistic3A_102 = arith.divf %logistic3A_100, %logistic3A_101 : vector<1024x128xf32>
    %mul3A_103 = arith.mulf %mul3A_96, %logistic3A_102 : vector<1024x128xf32>
    %swap3A = arith.constant 0 : index
    %swap3A_104 = arith.constant 0 : index
    %swap3A_105 = vector.load %arg8[%swap3A, %swap3A_104] : memref<1024x128xf32, #tpu.memory_space<vmem>>, vector<1024x128xf32>
    tpu.vector_store %arg8[%swap3A, %swap3A_104], %mul3A_103 {strides = array<i32>} : memref<1024x128xf32, #tpu.memory_space<vmem>>, vector<1024x128xf32>,
    return
  }
  func.func @transform_0(%arg0: i32) -> (i32, i32) {
    %c0_i32 = arith.constant 0 : i32
    %c0_i32_0 = arith.constant 0 : i32
    return %arg0, %c0_i32 : i32, i32
  }
  func.func @transform_1(%arg0: i32) -> (i32, i32) {
    %c0_i32 = arith.constant 0 : i32
    %c0_i32_0 = arith.constant 0 : i32
    return %arg0, %c0_i32 : i32, i32
  }
  func.func @transform_2(%arg0: i32) -> (i32, i32) {
    %c0_i32 = arith.constant 0 : i32
    %c0_i32_0 = arith.constant 0 : i32
    return %arg0, %c0_i32 : i32, i32
  }
  func.func @transform_3(%arg0: i32) -> (i32, i32) {
    %c0_i32 = arith.constant 0 : i32
    %c0_i32_0 = arith.constant 0 : i32
    return %arg0, %c0_i32 : i32, i32
  }
  func.func @transform_4(%arg0: i32) -> (i32, i32) {
    %c0_i32 = arith.constant 0 : i32
    %c0_i32_0 = arith.constant 0 : i32
    %c0_i32_1 = arith.constant 0 : i32
    return %c0_i32, %c0_i32_0 : i32, i32
  }
  func.func @transform_5(%arg0: i32) -> (i32, i32) {
    %c0_i32 = arith.constant 0 : i32
    %c0_i32_0 = arith.constant 0 : i32
    %c0_i32_1 = arith.constant 0 : i32
    return %c0_i32, %c0_i32_0 : i32, i32
  }
  func.func @transform_6(%arg0: i32) -> (i32, i32) {
    %c0_i32 = arith.constant 0 : i32
    %c0_i32_0 = arith.constant 0 : i32
    %c0_i32_1 = arith.constant 0 : i32
    return %c0_i32, %c0_i32_0 : i32, i32
  }
  func.func @transform_7(%arg0: i32) -> (i32, i32) {
    %c0_i32 = arith.constant 0 : i32
    %c0_i32_0 = arith.constant 0 : i32
    return %arg0, %c0_i32 : i32, i32
  }
}

module attributes {stable_mosaic.version = 14 : i64} {
  func.func @_msg_body(%arg0: i32, %arg1: memref<1024x64xi32, #tpu.memory_space<vmem>>, %arg2: memref<1024x64xi32, #tpu.memory_space<vmem>>, %arg3: memref<1024x16xbf16, #tpu.memory_space<vmem>>, %arg4: memref<1024x4xf32, #tpu.memory_space<vmem>>, %arg5: memref<256x512xbf16, #tpu.memory_space<vmem>>, %arg6: memref<16x512xbf16, #tpu.memory_space<vmem>>, %arg7: memref<128x512xbf16, #tpu.memory_space<vmem>>, %arg8: memref<1024x128xf32, #tpu.memory_space<vmem>>) attributes {dimension_semantics = [#tpu.dimension_semantics<arbitrary>], iteration_bounds = array<i64: 77>, scalar_prefetch = 0 : i64, scratch_operands = 0 : i64, tpu.core_type = #tpu.core_type<tc>, window_params = [{transform_indices = @transform_0, window_bounds = array<i64: 1024, 64>}, {transform_indices = @transform_1, window_bounds = array<i64: 1024, 64>}, {transform_indices = @transform_2, window_bounds = array<i64: 1024, 16>}, {transform_indices = @transform_3, window_bounds = array<i64: 1024, 4>}, {pipeline_mode = #tpu.pipeline_mode<synchronous>, transform_indices = @transform_4, window_bounds = array<i64: 256, 512>}, {pipeline_mode = #tpu.pipeline_mode<synchronous>, transform_indices = @transform_5, window_bounds = array<i64: 16, 512>}, {pipeline_mode = #tpu.pipeline_mode<synchronous>, transform_indices = @transform_6, window_bounds = array<i64: 128, 512>}, {transform_indices = @transform_7, window_bounds = array<i64: 1024, 128>}]} {
    %get3A = arith.constant 0 : index
    %get3A_0 = arith.constant 0 : index
    %get3A_1 = vector.load %arg1[%get3A, %get3A_0] : memref<1024x64xi32, #tpu.memory_space<vmem>>, vector<1024x64xi32>
    %shift_left3A = arith.constant 16 : i32
    %shift_left3A_2 = vector.broadcast %shift_left3A : i32 to vector<1024x64xi32>
    %shift_left3A_3 = arith.shli %get3A_1, %shift_left3A_2 : vector<1024x64xi32>
    %bitcast_convert_type3A = tpu.bitcast %shift_left3A_3 : vector<1024x64xi32> -> vector<1024x64xf32>
    %and3A = arith.constant -65536 : i32
    %and3A_4 = vector.broadcast %and3A : i32 to vector<1024x64xi32>
    %and3A_5 = arith.andi %get3A_1, %and3A_4 : vector<1024x64xi32>
    %bitcast_convert_type3A_6 = tpu.bitcast %and3A_5 : vector<1024x64xi32> -> vector<1024x64xf32>
    %convert_element_type3A = arith.truncf %bitcast_convert_type3A : vector<1024x64xf32> to vector<1024x64xbf16>
    %convert_element_type3A_7 = arith.truncf %bitcast_convert_type3A_6 : vector<1024x64xf32> to vector<1024x64xbf16>
    %concatenate3A = tpu.concatenate %convert_element_type3A, %convert_element_type3A_7 in 1 : vector<1024x64xbf16>, vector<1024x64xbf16> -> vector<1024x128xbf16>
    %get3A_8 = arith.constant 0 : index
    %get3A_9 = arith.constant 0 : index
    %get3A_10 = vector.load %arg2[%get3A_8, %get3A_9] : memref<1024x64xi32, #tpu.memory_space<vmem>>, vector<1024x64xi32>
    %shift_left3A_11 = arith.constant 16 : i32
    %shift_left3A_12 = vector.broadcast %shift_left3A_11 : i32 to vector<1024x64xi32>
    %shift_left3A_13 = arith.shli %get3A_10, %shift_left3A_12 : vector<1024x64xi32>
    %bitcast_convert_type3A_14 = tpu.bitcast %shift_left3A_13 : vector<1024x64xi32> -> vector<1024x64xf32>
    %and3A_15 = arith.constant -65536 : i32
    %and3A_16 = vector.broadcast %and3A_15 : i32 to vector<1024x64xi32>
    %and3A_17 = arith.andi %get3A_10, %and3A_16 : vector<1024x64xi32>
    %bitcast_convert_type3A_18 = tpu.bitcast %and3A_17 : vector<1024x64xi32> -> vector<1024x64xf32>
    %convert_element_type3A_19 = arith.truncf %bitcast_convert_type3A_14 : vector<1024x64xf32> to vector<1024x64xbf16>
    %convert_element_type3A_20 = arith.truncf %bitcast_convert_type3A_18 : vector<1024x64xf32> to vector<1024x64xbf16>
    %concatenate3A_21 = tpu.concatenate %convert_element_type3A_19, %convert_element_type3A_20 in 1 : vector<1024x64xbf16>, vector<1024x64xbf16> -> vector<1024x128xbf16>
    %get3A_22 = arith.constant 0 : index
    %get3A_23 = arith.constant 0 : index
    %get3A_24 = vector.load %arg3[%get3A_22, %get3A_23] : memref<1024x16xbf16, #tpu.memory_space<vmem>>, vector<1024x16xbf16>
    %get3A_25 = arith.constant 0 : index
    %get3A_26 = arith.constant 0 : index
    %get3A_27 = vector.load %arg4[%get3A_25, %get3A_26] : memref<1024x4xf32, #tpu.memory_space<vmem>>, vector<1024x4xf32>
    %concatenate3A_28 = tpu.concatenate %concatenate3A, %concatenate3A_21 in 1 : vector<1024x128xbf16>, vector<1024x128xbf16> -> vector<1024x256xbf16>
    %get3A_29 = arith.constant 0 : index
    %get3A_30 = arith.constant 0 : index
    %get3A_31 = vector.load %arg5[%get3A_29, %get3A_30] : memref<256x512xbf16, #tpu.memory_space<vmem>>, vector<256x512xbf16>
    %dot_general3A = arith.constant dense<0.000000e+00> : vector<1024x512xf32>
    %dot_general3A_32 = tpu.matmul %concatenate3A_28, %get3A_31, %dot_general3A {dimension_numbers = #tpu.dot_dimension_numbers<[1], [0], [0], [1], [0, 0, 1, 1], [], []>, transpose_lhs_hint = false} : vector<1024x256xbf16>, vector<256x512xbf16>, vector<1024x512xf32> -> vector<1024x512xf32>
    %get3A_33 = arith.constant 0 : index
    %get3A_34 = arith.constant 0 : index
    %get3A_35 = vector.load %arg6[%get3A_33, %get3A_34] : memref<16x512xbf16, #tpu.memory_space<vmem>>, vector<16x512xbf16>
    %dot_general3A_36 = arith.constant dense<0.000000e+00> : vector<1024x512xf32>
    %dot_general3A_37 = tpu.matmul %get3A_24, %get3A_35, %dot_general3A_36 {dimension_numbers = #tpu.dot_dimension_numbers<[1], [0], [0], [1], [0, 0, 1, 1], [], []>, transpose_lhs_hint = false} : vector<1024x16xbf16>, vector<16x512xbf16>, vector<1024x512xf32> -> vector<1024x512xf32>
    %add3A = arith.addf %dot_general3A_32, %dot_general3A_37 : vector<1024x512xf32>
    %broadcast_in_dim3A = arith.constant 0.000000e+00 : f32
    %broadcast_in_dim3A_38 = vector.broadcast %broadcast_in_dim3A : f32 to vector<1024x128xf32>
    %slice3A = vector.extract_strided_slice %get3A_27 {offsets = [0, 0], sizes = [1024, 1], strides = [1, 1]} : vector<1024x4xf32> to vector<1024x1xf32>
    %slice3A_39 = vector.extract_strided_slice %add3A {offsets = [0, 0], sizes = [1024, 128], strides = [1, 1]} : vector<1024x512xf32> to vector<1024x128xf32>
    %mul3A = vector.broadcast %slice3A : vector<1024x1xf32> to vector<1024x128xf32>
    %mul3A_40 = arith.mulf %mul3A, %slice3A_39 : vector<1024x128xf32>
    %add3A_41 = arith.addf %broadcast_in_dim3A_38, %mul3A_40 : vector<1024x128xf32>
    %slice3A_42 = vector.extract_strided_slice %get3A_27 {offsets = [0, 1], sizes = [1024, 1], strides = [1, 1]} : vector<1024x4xf32> to vector<1024x1xf32>
    %slice3A_43 = vector.extract_strided_slice %add3A {offsets = [0, 128], sizes = [1024, 128], strides = [1, 1]} : vector<1024x512xf32> to vector<1024x128xf32>
    %mul3A_44 = vector.broadcast %slice3A_42 : vector<1024x1xf32> to vector<1024x128xf32>
    %mul3A_45 = arith.mulf %mul3A_44, %slice3A_43 : vector<1024x128xf32>
    %add3A_46 = arith.addf %add3A_41, %mul3A_45 : vector<1024x128xf32>
    %slice3A_47 = vector.extract_strided_slice %get3A_27 {offsets = [0, 2], sizes = [1024, 1], strides = [1, 1]} : vector<1024x4xf32> to vector<1024x1xf32>
    %slice3A_48 = vector.extract_strided_slice %add3A {offsets = [0, 256], sizes = [1024, 128], strides = [1, 1]} : vector<1024x512xf32> to vector<1024x128xf32>
    %mul3A_49 = vector.broadcast %slice3A_47 : vector<1024x1xf32> to vector<1024x128xf32>
    %mul3A_50 = arith.mulf %mul3A_49, %slice3A_48 : vector<1024x128xf32>
    %add3A_51 = arith.addf %add3A_46, %mul3A_50 : vector<1024x128xf32>
    %slice3A_52 = vector.extract_strided_slice %get3A_27 {offsets = [0, 3], sizes = [1024, 1], strides = [1, 1]} : vector<1024x4xf32> to vector<1024x1xf32>
    %slice3A_53 = vector.extract_strided_slice %add3A {offsets = [0, 384], sizes = [1024, 128], strides = [1, 1]} : vector<1024x512xf32> to vector<1024x128xf32>
    %mul3A_54 = vector.broadcast %slice3A_52 : vector<1024x1xf32> to vector<1024x128xf32>
    %mul3A_55 = arith.mulf %mul3A_54, %slice3A_53 : vector<1024x128xf32>
    %add3A_56 = arith.addf %add3A_51, %mul3A_55 : vector<1024x128xf32>
    %mul3A_57 = arith.constant 0.0303169526 : f32
    %mul3A_58 = vector.broadcast %mul3A_57 : f32 to vector<1024x128xf32>
    %mul3A_59 = arith.mulf %add3A_56, %mul3A_58 : vector<1024x128xf32>
    %logistic3A = arith.negf %mul3A_59 : vector<1024x128xf32>
    %logistic3A_60 = math.exp %logistic3A : vector<1024x128xf32>
    %logistic3A_61 = arith.constant 1.000000e+00 : f32
    %logistic3A_62 = vector.broadcast %logistic3A_61 : f32 to vector<1024x128xf32>
    %logistic3A_63 = arith.addf %logistic3A_62, %logistic3A_60 : vector<1024x128xf32>
    %logistic3A_64 = arith.divf %logistic3A_62, %logistic3A_63 : vector<1024x128xf32>
    %mul3A_65 = arith.mulf %mul3A_59, %logistic3A_64 : vector<1024x128xf32>
    %convert_element_type3A_66 = arith.truncf %mul3A_65 : vector<1024x128xf32> to vector<1024x128xbf16>
    %get3A_67 = arith.constant 0 : index
    %get3A_68 = arith.constant 0 : index
    %get3A_69 = vector.load %arg7[%get3A_67, %get3A_68] : memref<128x512xbf16, #tpu.memory_space<vmem>>, vector<128x512xbf16>
    %dot_general3A_70 = arith.constant dense<0.000000e+00> : vector<1024x512xf32>
    %dot_general3A_71 = tpu.matmul %convert_element_type3A_66, %get3A_69, %dot_general3A_70 {dimension_numbers = #tpu.dot_dimension_numbers<[1], [0], [0], [1], [0, 0, 1, 1], [], []>, transpose_lhs_hint = false} : vector<1024x128xbf16>, vector<128x512xbf16>, vector<1024x512xf32> -> vector<1024x512xf32>
    %broadcast_in_dim3A_72 = arith.constant 0.000000e+00 : f32
    %broadcast_in_dim3A_73 = vector.broadcast %broadcast_in_dim3A_72 : f32 to vector<1024x128xf32>
    %slice3A_74 = vector.extract_strided_slice %get3A_27 {offsets = [0, 0], sizes = [1024, 1], strides = [1, 1]} : vector<1024x4xf32> to vector<1024x1xf32>
    %slice3A_75 = vector.extract_strided_slice %dot_general3A_71 {offsets = [0, 0], sizes = [1024, 128], strides = [1, 1]} : vector<1024x512xf32> to vector<1024x128xf32>
    %mul3A_76 = vector.broadcast %slice3A_74 : vector<1024x1xf32> to vector<1024x128xf32>
    %mul3A_77 = arith.mulf %mul3A_76, %slice3A_75 : vector<1024x128xf32>
    %add3A_78 = arith.addf %broadcast_in_dim3A_73, %mul3A_77 : vector<1024x128xf32>
    %slice3A_79 = vector.extract_strided_slice %get3A_27 {offsets = [0, 1], sizes = [1024, 1], strides = [1, 1]} : vector<1024x4xf32> to vector<1024x1xf32>
    %slice3A_80 = vector.extract_strided_slice %dot_general3A_71 {offsets = [0, 128], sizes = [1024, 128], strides = [1, 1]} : vector<1024x512xf32> to vector<1024x128xf32>
    %mul3A_81 = vector.broadcast %slice3A_79 : vector<1024x1xf32> to vector<1024x128xf32>
    %mul3A_82 = arith.mulf %mul3A_81, %slice3A_80 : vector<1024x128xf32>
    %add3A_83 = arith.addf %add3A_78, %mul3A_82 : vector<1024x128xf32>
    %slice3A_84 = vector.extract_strided_slice %get3A_27 {offsets = [0, 2], sizes = [1024, 1], strides = [1, 1]} : vector<1024x4xf32> to vector<1024x1xf32>
    %slice3A_85 = vector.extract_strided_slice %dot_general3A_71 {offsets = [0, 256], sizes = [1024, 128], strides = [1, 1]} : vector<1024x512xf32> to vector<1024x128xf32>
    %mul3A_86 = vector.broadcast %slice3A_84 : vector<1024x1xf32> to vector<1024x128xf32>
    %mul3A_87 = arith.mulf %mul3A_86, %slice3A_85 : vector<1024x128xf32>
    %add3A_88 = arith.addf %add3A_83, %mul3A_87 : vector<1024x128xf32>
    %slice3A_89 = vector.extract_strided_slice %get3A_27 {offsets = [0, 3], sizes = [1024, 1], strides = [1, 1]} : vector<1024x4xf32> to vector<1024x1xf32>
    %slice3A_90 = vector.extract_strided_slice %dot_general3A_71 {offsets = [0, 384], sizes = [1024, 128], strides = [1, 1]} : vector<1024x512xf32> to vector<1024x128xf32>
    %mul3A_91 = vector.broadcast %slice3A_89 : vector<1024x1xf32> to vector<1024x128xf32>
    %mul3A_92 = arith.mulf %mul3A_91, %slice3A_90 : vector<1024x128xf32>
    %add3A_93 = arith.addf %add3A_88, %mul3A_92 : vector<1024x128xf32>
    %mul3A_94 = arith.constant 0.0441941731 : f32
    %mul3A_95 = vector.broadcast %mul3A_94 : f32 to vector<1024x128xf32>
    %mul3A_96 = arith.mulf %add3A_93, %mul3A_95 : vector<1024x128xf32>
    %logistic3A_97 = arith.negf %mul3A_96 : vector<1024x128xf32>
    %logistic3A_98 = math.exp %logistic3A_97 : vector<1024x128xf32>
    %logistic3A_99 = arith.constant 1.000000e+00 : f32
    %logistic3A_100 = vector.broadcast %logistic3A_99 : f32 to vector<1024x128xf32>
    %logistic3A_101 = arith.addf %logistic3A_100, %logistic3A_98 : vector<1024x128xf32>
    %logistic3A_102 = arith.divf %logistic3A_100, %logistic3A_101 : vector<1024x128xf32>
    %mul3A_103 = arith.mulf %mul3A_96, %logistic3A_102 : vector<1024x128xf32>
    %swap3A = arith.constant 0 : index
    %swap3A_104 = arith.constant 0 : index
    %swap3A_105 = vector.load %arg8[%swap3A, %swap3A_104] : memref<1024x128xf32, #tpu.memory_space<vmem>>, vector<1024x128xf32>
    tpu.vector_store %arg8[%swap3A, %swap3A_104], %mul3A_103 {strides = array<i32>} : memref<1024x128xf32, #tpu.memory_space<vmem>>, vector<1024x128xf32>,
    return
  }
  func.func @transform_0(%arg0: i32) -> (i32, i32) {
    %c0_i32 = arith.constant 0 : i32
    %c0_i32_0 = arith.constant 0 : i32
    return %arg0, %c0_i32 : i32, i32
  }
  func.func @transform_1(%arg0: i32) -> (i32, i32) {
    %c0_i32 = arith.constant 0 : i32
    %c0_i32_0 = arith.constant 0 : i32
    return %arg0, %c0_i32 : i32, i32
  }
  func.func @transform_2(%arg0: i32) -> (i32, i32) {
    %c0_i32 = arith.constant 0 : i32
    %c0_i32_0 = arith.constant 0 : i32
    return %arg0, %c0_i32 : i32, i32
  }
  func.func @transform_3(%arg0: i32) -> (i32, i32) {
    %c0_i32 = arith.constant 0 : i32
    %c0_i32_0 = arith.constant 0 : i32
    return %arg0, %c0_i32 : i32, i32
  }
  func.func @transform_4(%arg0: i32) -> (i32, i32) {
    %c0_i32 = arith.constant 0 : i32
    %c0_i32_0 = arith.constant 0 : i32
    %c0_i32_1 = arith.constant 0 : i32
    return %c0_i32, %c0_i32_0 : i32, i32
  }
  func.func @transform_5(%arg0: i32) -> (i32, i32) {
    %c0_i32 = arith.constant 0 : i32
    %c0_i32_0 = arith.constant 0 : i32
    %c0_i32_1 = arith.constant 0 : i32
    return %c0_i32, %c0_i32_0 : i32, i32
  }
  func.func @transform_6(%arg0: i32) -> (i32, i32) {
    %c0_i32 = arith.constant 0 : i32
    %c0_i32_0 = arith.constant 0 : i32
    %c0_i32_1 = arith.constant 0 : i32
    return %c0_i32, %c0_i32_0 : i32, i32
  }
  func.func @transform_7(%arg0: i32) -> (i32, i32) {
    %c0_i32 = arith.constant 0 : i32
    %c0_i32_0 = arith.constant 0 : i32
    return %arg0, %c0_i32 : i32, i32
  }
}

module attributes {stable_mosaic.version = 14 : i64} {
  func.func @_upd_body(%arg0: i32, %arg1: memref<2000x128xf32, #tpu.memory_space<vmem>>, %arg2: memref<2000x128xf32, #tpu.memory_space<vmem>>, %arg3: memref<2000x128xf32, #tpu.memory_space<vmem>>, %arg4: memref<2000x4xf32, #tpu.memory_space<vmem>>, %arg5: memref<4x128x128xf32, #tpu.memory_space<vmem>>, %arg6: memref<4x128x128xf32, #tpu.memory_space<vmem>>, %arg7: memref<4x128x128xf32, #tpu.memory_space<vmem>>, %arg8: memref<2000x128xf32, #tpu.memory_space<vmem>>) attributes {dimension_semantics = [#tpu.dimension_semantics<arbitrary>], iteration_bounds = array<i64: 5>, scalar_prefetch = 0 : i64, scratch_operands = 0 : i64, tpu.core_type = #tpu.core_type<tc>, window_params = [{transform_indices = @transform_0, window_bounds = array<i64: 2000, 128>}, {transform_indices = @transform_1, window_bounds = array<i64: 2000, 128>}, {transform_indices = @transform_2, window_bounds = array<i64: 2000, 128>}, {transform_indices = @transform_3, window_bounds = array<i64: 2000, 4>}, {pipeline_mode = #tpu.pipeline_mode<synchronous>, transform_indices = @transform_4, window_bounds = array<i64: 4, 128, 128>}, {pipeline_mode = #tpu.pipeline_mode<synchronous>, transform_indices = @transform_5, window_bounds = array<i64: 4, 128, 128>}, {pipeline_mode = #tpu.pipeline_mode<synchronous>, transform_indices = @transform_6, window_bounds = array<i64: 4, 128, 128>}, {transform_indices = @transform_7, window_bounds = array<i64: 2000, 128>}]} {
    %get3A = arith.constant 0 : index
    %get3A_0 = arith.constant 0 : index
    %get3A_1 = vector.load %arg1[%get3A, %get3A_0] : memref<2000x128xf32, #tpu.memory_space<vmem>>, vector<2000x128xf32>
    %get3A_2 = arith.constant 0 : index
    %get3A_3 = arith.constant 0 : index
    %get3A_4 = vector.load %arg2[%get3A_2, %get3A_3] : memref<2000x128xf32, #tpu.memory_space<vmem>>, vector<2000x128xf32>
    %get3A_5 = arith.constant 0 : index
    %get3A_6 = arith.constant 0 : index
    %get3A_7 = vector.load %arg3[%get3A_5, %get3A_6] : memref<2000x128xf32, #tpu.memory_space<vmem>>, vector<2000x128xf32>
    %add3A = arith.addf %get3A_4, %get3A_7 : vector<2000x128xf32>
    %get3A_8 = arith.constant 0 : index
    %get3A_9 = arith.constant 0 : index
    %get3A_10 = vector.load %arg4[%get3A_8, %get3A_9] : memref<2000x4xf32, #tpu.memory_space<vmem>>, vector<2000x4xf32>
    %broadcast_in_dim3A = arith.constant 0.000000e+00 : f32
    %broadcast_in_dim3A_11 = vector.broadcast %broadcast_in_dim3A : f32 to vector<2000x128xf32>
    %get3A_12 = arith.constant 0 : index
    %get3A_13 = arith.constant 0 : index
    %get3A_14 = arith.constant 0 : index
    %get3A_15 = vector.load %arg5[%get3A_12, %get3A_13, %get3A_14] : memref<4x128x128xf32, #tpu.memory_space<vmem>>, vector<1x128x128xf32>
    %get3A_16 = vector.shape_cast %get3A_15 : vector<1x128x128xf32> to vector<128x128xf32>
    %dot_general3A = arith.constant dense<0.000000e+00> : vector<2000x128xf32>
    %dot_general3A_17 = tpu.matmul %get3A_1, %get3A_16, %dot_general3A {dimension_numbers = #tpu.dot_dimension_numbers<[1], [0], [0], [1], [0, 0, 1, 1], [], []>, transpose_lhs_hint = false} : vector<2000x128xf32>, vector<128x128xf32>, vector<2000x128xf32> -> vector<2000x128xf32>
    %get3A_18 = arith.constant 0 : index
    %get3A_19 = arith.constant 0 : index
    %get3A_20 = arith.constant 0 : index
    %get3A_21 = vector.load %arg6[%get3A_18, %get3A_19, %get3A_20] : memref<4x128x128xf32, #tpu.memory_space<vmem>>, vector<1x128x128xf32>
    %get3A_22 = vector.shape_cast %get3A_21 : vector<1x128x128xf32> to vector<128x128xf32>
    %dot_general3A_23 = arith.constant dense<0.000000e+00> : vector<2000x128xf32>
    %dot_general3A_24 = tpu.matmul %add3A, %get3A_22, %dot_general3A_23 {dimension_numbers = #tpu.dot_dimension_numbers<[1], [0], [0], [1], [0, 0, 1, 1], [], []>, transpose_lhs_hint = false} : vector<2000x128xf32>, vector<128x128xf32>, vector<2000x128xf32> -> vector<2000x128xf32>
    %add3A_25 = arith.addf %dot_general3A_17, %dot_general3A_24 : vector<2000x128xf32>
    %slice3A = vector.extract_strided_slice %get3A_10 {offsets = [0, 0], sizes = [2000, 1], strides = [1, 1]} : vector<2000x4xf32> to vector<2000x1xf32>
    %mul3A = vector.broadcast %slice3A : vector<2000x1xf32> to vector<2000x128xf32>
    %mul3A_26 = arith.mulf %mul3A, %add3A_25 : vector<2000x128xf32>
    %add3A_27 = arith.addf %broadcast_in_dim3A_11, %mul3A_26 : vector<2000x128xf32>
    %get3A_28 = arith.constant 1 : index
    %get3A_29 = arith.constant 0 : index
    %get3A_30 = arith.constant 0 : index
    %get3A_31 = vector.load %arg5[%get3A_28, %get3A_29, %get3A_30] : memref<4x128x128xf32, #tpu.memory_space<vmem>>, vector<1x128x128xf32>
    %get3A_32 = vector.shape_cast %get3A_31 : vector<1x128x128xf32> to vector<128x128xf32>
    %dot_general3A_33 = arith.constant dense<0.000000e+00> : vector<2000x128xf32>
    %dot_general3A_34 = tpu.matmul %get3A_1, %get3A_32, %dot_general3A_33 {dimension_numbers = #tpu.dot_dimension_numbers<[1], [0], [0], [1], [0, 0, 1, 1], [], []>, transpose_lhs_hint = false} : vector<2000x128xf32>, vector<128x128xf32>, vector<2000x128xf32> -> vector<2000x128xf32>
    %get3A_35 = arith.constant 1 : index
    %get3A_36 = arith.constant 0 : index
    %get3A_37 = arith.constant 0 : index
    %get3A_38 = vector.load %arg6[%get3A_35, %get3A_36, %get3A_37] : memref<4x128x128xf32, #tpu.memory_space<vmem>>, vector<1x128x128xf32>
    %get3A_39 = vector.shape_cast %get3A_38 : vector<1x128x128xf32> to vector<128x128xf32>
    %dot_general3A_40 = arith.constant dense<0.000000e+00> : vector<2000x128xf32>
    %dot_general3A_41 = tpu.matmul %add3A, %get3A_39, %dot_general3A_40 {dimension_numbers = #tpu.dot_dimension_numbers<[1], [0], [0], [1], [0, 0, 1, 1], [], []>, transpose_lhs_hint = false} : vector<2000x128xf32>, vector<128x128xf32>, vector<2000x128xf32> -> vector<2000x128xf32>
    %add3A_42 = arith.addf %dot_general3A_34, %dot_general3A_41 : vector<2000x128xf32>
    %slice3A_43 = vector.extract_strided_slice %get3A_10 {offsets = [0, 1], sizes = [2000, 1], strides = [1, 1]} : vector<2000x4xf32> to vector<2000x1xf32>
    %mul3A_44 = vector.broadcast %slice3A_43 : vector<2000x1xf32> to vector<2000x128xf32>
    %mul3A_45 = arith.mulf %mul3A_44, %add3A_42 : vector<2000x128xf32>
    %add3A_46 = arith.addf %add3A_27, %mul3A_45 : vector<2000x128xf32>
    %get3A_47 = arith.constant 2 : index
    %get3A_48 = arith.constant 0 : index
    %get3A_49 = arith.constant 0 : index
    %get3A_50 = vector.load %arg5[%get3A_47, %get3A_48, %get3A_49] : memref<4x128x128xf32, #tpu.memory_space<vmem>>, vector<1x128x128xf32>
    %get3A_51 = vector.shape_cast %get3A_50 : vector<1x128x128xf32> to vector<128x128xf32>
    %dot_general3A_52 = arith.constant dense<0.000000e+00> : vector<2000x128xf32>
    %dot_general3A_53 = tpu.matmul %get3A_1, %get3A_51, %dot_general3A_52 {dimension_numbers = #tpu.dot_dimension_numbers<[1], [0], [0], [1], [0, 0, 1, 1], [], []>, transpose_lhs_hint = false} : vector<2000x128xf32>, vector<128x128xf32>, vector<2000x128xf32> -> vector<2000x128xf32>
    %get3A_54 = arith.constant 2 : index
    %get3A_55 = arith.constant 0 : index
    %get3A_56 = arith.constant 0 : index
    %get3A_57 = vector.load %arg6[%get3A_54, %get3A_55, %get3A_56] : memref<4x128x128xf32, #tpu.memory_space<vmem>>, vector<1x128x128xf32>
    %get3A_58 = vector.shape_cast %get3A_57 : vector<1x128x128xf32> to vector<128x128xf32>
    %dot_general3A_59 = arith.constant dense<0.000000e+00> : vector<2000x128xf32>
    %dot_general3A_60 = tpu.matmul %add3A, %get3A_58, %dot_general3A_59 {dimension_numbers = #tpu.dot_dimension_numbers<[1], [0], [0], [1], [0, 0, 1, 1], [], []>, transpose_lhs_hint = false} : vector<2000x128xf32>, vector<128x128xf32>, vector<2000x128xf32> -> vector<2000x128xf32>
    %add3A_61 = arith.addf %dot_general3A_53, %dot_general3A_60 : vector<2000x128xf32>
    %slice3A_62 = vector.extract_strided_slice %get3A_10 {offsets = [0, 2], sizes = [2000, 1], strides = [1, 1]} : vector<2000x4xf32> to vector<2000x1xf32>
    %mul3A_63 = vector.broadcast %slice3A_62 : vector<2000x1xf32> to vector<2000x128xf32>
    %mul3A_64 = arith.mulf %mul3A_63, %add3A_61 : vector<2000x128xf32>
    %add3A_65 = arith.addf %add3A_46, %mul3A_64 : vector<2000x128xf32>
    %get3A_66 = arith.constant 3 : index
    %get3A_67 = arith.constant 0 : index
    %get3A_68 = arith.constant 0 : index
    %get3A_69 = vector.load %arg5[%get3A_66, %get3A_67, %get3A_68] : memref<4x128x128xf32, #tpu.memory_space<vmem>>, vector<1x128x128xf32>
    %get3A_70 = vector.shape_cast %get3A_69 : vector<1x128x128xf32> to vector<128x128xf32>
    %dot_general3A_71 = arith.constant dense<0.000000e+00> : vector<2000x128xf32>
    %dot_general3A_72 = tpu.matmul %get3A_1, %get3A_70, %dot_general3A_71 {dimension_numbers = #tpu.dot_dimension_numbers<[1], [0], [0], [1], [0, 0, 1, 1], [], []>, transpose_lhs_hint = false} : vector<2000x128xf32>, vector<128x128xf32>, vector<2000x128xf32> -> vector<2000x128xf32>
    %get3A_73 = arith.constant 3 : index
    %get3A_74 = arith.constant 0 : index
    %get3A_75 = arith.constant 0 : index
    %get3A_76 = vector.load %arg6[%get3A_73, %get3A_74, %get3A_75] : memref<4x128x128xf32, #tpu.memory_space<vmem>>, vector<1x128x128xf32>
    %get3A_77 = vector.shape_cast %get3A_76 : vector<1x128x128xf32> to vector<128x128xf32>
    %dot_general3A_78 = arith.constant dense<0.000000e+00> : vector<2000x128xf32>
    %dot_general3A_79 = tpu.matmul %add3A, %get3A_77, %dot_general3A_78 {dimension_numbers = #tpu.dot_dimension_numbers<[1], [0], [0], [1], [0, 0, 1, 1], [], []>, transpose_lhs_hint = false} : vector<2000x128xf32>, vector<128x128xf32>, vector<2000x128xf32> -> vector<2000x128xf32>
    %add3A_80 = arith.addf %dot_general3A_72, %dot_general3A_79 : vector<2000x128xf32>
    %slice3A_81 = vector.extract_strided_slice %get3A_10 {offsets = [0, 3], sizes = [2000, 1], strides = [1, 1]} : vector<2000x4xf32> to vector<2000x1xf32>
    %mul3A_82 = vector.broadcast %slice3A_81 : vector<2000x1xf32> to vector<2000x128xf32>
    %mul3A_83 = arith.mulf %mul3A_82, %add3A_80 : vector<2000x128xf32>
    %add3A_84 = arith.addf %add3A_65, %mul3A_83 : vector<2000x128xf32>
    %mul3A_85 = arith.constant 3.125000e-02 : f32
    %mul3A_86 = vector.broadcast %mul3A_85 : f32 to vector<2000x128xf32>
    %mul3A_87 = arith.mulf %add3A_84, %mul3A_86 : vector<2000x128xf32>
    %logistic3A = arith.negf %mul3A_87 : vector<2000x128xf32>
    %logistic3A_88 = math.exp %logistic3A : vector<2000x128xf32>
    %logistic3A_89 = arith.constant 1.000000e+00 : f32
    %logistic3A_90 = vector.broadcast %logistic3A_89 : f32 to vector<2000x128xf32>
    %logistic3A_91 = arith.addf %logistic3A_90, %logistic3A_88 : vector<2000x128xf32>
    %logistic3A_92 = arith.divf %logistic3A_90, %logistic3A_91 : vector<2000x128xf32>
    %mul3A_93 = arith.mulf %mul3A_87, %logistic3A_92 : vector<2000x128xf32>
    %broadcast_in_dim3A_94 = arith.constant 0.000000e+00 : f32
    %broadcast_in_dim3A_95 = vector.broadcast %broadcast_in_dim3A_94 : f32 to vector<2000x128xf32>
    %slice3A_96 = vector.extract_strided_slice %get3A_10 {offsets = [0, 0], sizes = [2000, 1], strides = [1, 1]} : vector<2000x4xf32> to vector<2000x1xf32>
    %get3A_97 = arith.constant 0 : index
    %get3A_98 = arith.constant 0 : index
    %get3A_99 = arith.constant 0 : index
    %get3A_100 = vector.load %arg7[%get3A_97, %get3A_98, %get3A_99] : memref<4x128x128xf32, #tpu.memory_space<vmem>>, vector<1x128x128xf32>
    %get3A_101 = vector.shape_cast %get3A_100 : vector<1x128x128xf32> to vector<128x128xf32>
    %dot_general3A_102 = arith.constant dense<0.000000e+00> : vector<2000x128xf32>
    %dot_general3A_103 = tpu.matmul %mul3A_93, %get3A_101, %dot_general3A_102 {dimension_numbers = #tpu.dot_dimension_numbers<[1], [0], [0], [1], [0, 0, 1, 1], [], []>, transpose_lhs_hint = false} : vector<2000x128xf32>, vector<128x128xf32>, vector<2000x128xf32> -> vector<2000x128xf32>
    %mul3A_104 = vector.broadcast %slice3A_96 : vector<2000x1xf32> to vector<2000x128xf32>
    %mul3A_105 = arith.mulf %mul3A_104, %dot_general3A_103 : vector<2000x128xf32>
    %add3A_106 = arith.addf %broadcast_in_dim3A_95, %mul3A_105 : vector<2000x128xf32>
    %slice3A_107 = vector.extract_strided_slice %get3A_10 {offsets = [0, 1], sizes = [2000, 1], strides = [1, 1]} : vector<2000x4xf32> to vector<2000x1xf32>
    %get3A_108 = arith.constant 1 : index
    %get3A_109 = arith.constant 0 : index
    %get3A_110 = arith.constant 0 : index
    %get3A_111 = vector.load %arg7[%get3A_108, %get3A_109, %get3A_110] : memref<4x128x128xf32, #tpu.memory_space<vmem>>, vector<1x128x128xf32>
    %get3A_112 = vector.shape_cast %get3A_111 : vector<1x128x128xf32> to vector<128x128xf32>
    %dot_general3A_113 = arith.constant dense<0.000000e+00> : vector<2000x128xf32>
    %dot_general3A_114 = tpu.matmul %mul3A_93, %get3A_112, %dot_general3A_113 {dimension_numbers = #tpu.dot_dimension_numbers<[1], [0], [0], [1], [0, 0, 1, 1], [], []>, transpose_lhs_hint = false} : vector<2000x128xf32>, vector<128x128xf32>, vector<2000x128xf32> -> vector<2000x128xf32>
    %mul3A_115 = vector.broadcast %slice3A_107 : vector<2000x1xf32> to vector<2000x128xf32>
    %mul3A_116 = arith.mulf %mul3A_115, %dot_general3A_114 : vector<2000x128xf32>
    %add3A_117 = arith.addf %add3A_106, %mul3A_116 : vector<2000x128xf32>
    %slice3A_118 = vector.extract_strided_slice %get3A_10 {offsets = [0, 2], sizes = [2000, 1], strides = [1, 1]} : vector<2000x4xf32> to vector<2000x1xf32>
    %get3A_119 = arith.constant 2 : index
    %get3A_120 = arith.constant 0 : index
    %get3A_121 = arith.constant 0 : index
    %get3A_122 = vector.load %arg7[%get3A_119, %get3A_120, %get3A_121] : memref<4x128x128xf32, #tpu.memory_space<vmem>>, vector<1x128x128xf32>
    %get3A_123 = vector.shape_cast %get3A_122 : vector<1x128x128xf32> to vector<128x128xf32>
    %dot_general3A_124 = arith.constant dense<0.000000e+00> : vector<2000x128xf32>
    %dot_general3A_125 = tpu.matmul %mul3A_93, %get3A_123, %dot_general3A_124 {dimension_numbers = #tpu.dot_dimension_numbers<[1], [0], [0], [1], [0, 0, 1, 1], [], []>, transpose_lhs_hint = false} : vector<2000x128xf32>, vector<128x128xf32>, vector<2000x128xf32> -> vector<2000x128xf32>
    %mul3A_126 = vector.broadcast %slice3A_118 : vector<2000x1xf32> to vector<2000x128xf32>
    %mul3A_127 = arith.mulf %mul3A_126, %dot_general3A_125 : vector<2000x128xf32>
    %add3A_128 = arith.addf %add3A_117, %mul3A_127 : vector<2000x128xf32>
    %slice3A_129 = vector.extract_strided_slice %get3A_10 {offsets = [0, 3], sizes = [2000, 1], strides = [1, 1]} : vector<2000x4xf32> to vector<2000x1xf32>
    %get3A_130 = arith.constant 3 : index
    %get3A_131 = arith.constant 0 : index
    %get3A_132 = arith.constant 0 : index
    %get3A_133 = vector.load %arg7[%get3A_130, %get3A_131, %get3A_132] : memref<4x128x128xf32, #tpu.memory_space<vmem>>, vector<1x128x128xf32>
    %get3A_134 = vector.shape_cast %get3A_133 : vector<1x128x128xf32> to vector<128x128xf32>
    %dot_general3A_135 = arith.constant dense<0.000000e+00> : vector<2000x128xf32>
    %dot_general3A_136 = tpu.matmul %mul3A_93, %get3A_134, %dot_general3A_135 {dimension_numbers = #tpu.dot_dimension_numbers<[1], [0], [0], [1], [0, 0, 1, 1], [], []>, transpose_lhs_hint = false} : vector<2000x128xf32>, vector<128x128xf32>, vector<2000x128xf32> -> vector<2000x128xf32>
    %mul3A_137 = vector.broadcast %slice3A_129 : vector<2000x1xf32> to vector<2000x128xf32>
    %mul3A_138 = arith.mulf %mul3A_137, %dot_general3A_136 : vector<2000x128xf32>
    %add3A_139 = arith.addf %add3A_128, %mul3A_138 : vector<2000x128xf32>
    %mul3A_140 = arith.constant 0.0441941731 : f32
    %mul3A_141 = vector.broadcast %mul3A_140 : f32 to vector<2000x128xf32>
    %mul3A_142 = arith.mulf %add3A_139, %mul3A_141 : vector<2000x128xf32>
    %add3A_143 = arith.addf %mul3A_142, %get3A_1 : vector<2000x128xf32>
    %swap3A = arith.constant 0 : index
    %swap3A_144 = arith.constant 0 : index
    %swap3A_145 = vector.load %arg8[%swap3A, %swap3A_144] : memref<2000x128xf32, #tpu.memory_space<vmem>>, vector<2000x128xf32>
    tpu.vector_store %arg8[%swap3A, %swap3A_144], %add3A_143 {strides = array<i32>} : memref<2000x128xf32, #tpu.memory_space<vmem>>, vector<2000x128xf32>,
    return
  }
  func.func @transform_0(%arg0: i32) -> (i32, i32) {
    %c0_i32 = arith.constant 0 : i32
    %c0_i32_0 = arith.constant 0 : i32
    return %arg0, %c0_i32 : i32, i32
  }
  func.func @transform_1(%arg0: i32) -> (i32, i32) {
    %c0_i32 = arith.constant 0 : i32
    %c0_i32_0 = arith.constant 0 : i32
    return %arg0, %c0_i32 : i32, i32
  }
  func.func @transform_2(%arg0: i32) -> (i32, i32) {
    %c0_i32 = arith.constant 0 : i32
    %c0_i32_0 = arith.constant 0 : i32
    return %arg0, %c0_i32 : i32, i32
  }
  func.func @transform_3(%arg0: i32) -> (i32, i32) {
    %c0_i32 = arith.constant 0 : i32
    %c0_i32_0 = arith.constant 0 : i32
    return %arg0, %c0_i32 : i32, i32
  }
  func.func @transform_4(%arg0: i32) -> (i32, i32, i32) {
    %c0_i32 = arith.constant 0 : i32
    %c0_i32_0 = arith.constant 0 : i32
    %c0_i32_1 = arith.constant 0 : i32
    %c0_i32_2 = arith.constant 0 : i32
    return %c0_i32, %c0_i32_0, %c0_i32_1 : i32, i32, i32
  }
  func.func @transform_5(%arg0: i32) -> (i32, i32, i32) {
    %c0_i32 = arith.constant 0 : i32
    %c0_i32_0 = arith.constant 0 : i32
    %c0_i32_1 = arith.constant 0 : i32
    %c0_i32_2 = arith.constant 0 : i32
    return %c0_i32, %c0_i32_0, %c0_i32_1 : i32, i32, i32
  }
  func.func @transform_6(%arg0: i32) -> (i32, i32, i32) {
    %c0_i32 = arith.constant 0 : i32
    %c0_i32_0 = arith.constant 0 : i32
    %c0_i32_1 = arith.constant 0 : i32
    %c0_i32_2 = arith.constant 0 : i32
    return %c0_i32, %c0_i32_0, %c0_i32_1 : i32, i32, i32
  }
  func.func @transform_7(%arg0: i32) -> (i32, i32) {
    %c0_i32 = arith.constant 0 : i32
    %c0_i32_0 = arith.constant 0 : i32
    return %arg0, %c0_i32 : i32, i32
  }
}

</mosaic_0001>

<sc_bundles>
// kernel: kernel.11.cloned.1.call-start
scs
__scs_entry_jumppad:
0x0: {  	(pc) =	sbr.rel $0x88, $3  }
0x1: {  	(tag) =	ssettag $0x0;
	lr =	simm.s32 $0x1  }
0x2: {  	[smem:$0x3F98] =	sst lr;
	_ =	strace $0xD0000000  }
0x3: {  	_ = 	snop  }
0x4: {  	_ = 	snop  }
0x5: {  	_ = 	snop  }
0x6: {  	_ = 	snop  }
0x7: {  	_ = 	snop  }
__scs_overlays_trampoline_lowered:
0x8: {  	[smem:$0x3FA7] =	sst s0  }
0x9: {  	[smem:$0x3FA8] =	sst s1  }
0xa: {  	[smem:$0x3FA9] =	sst s2  }
0xb: {  	[smem:$0x3FAA] =	sst s3  }
0xc: {  	[smem:$0x3FAB] =	sst s4  }
0xd: {  	[smem:$0x3FAC] =	sst s5  }
0xe: {  	[smem:$0x3FAD] =	sst s6  }
0xf: {  	[smem:$0x3FAE] =	sst s7  }
0x10: {  	[smem:$0x3FAF] =	sst s8  }
0x11: {  	[smem:$0x3FB0] =	sst s9;
	s0 =	simm.s32 @!p0 $0x0  }
0x12: {  	s1 =	sld [smem:$0x3F96];
	s0 =	simm.s32 @p0 $0x1  }
0x13: {  	[smem:$0x3FB1] =	sst s0;
	s0 =	simm.s32 @!p1 $0x0  }
0x14: {  	s2 =	sld [smem:$0x3F95];
	s0 =	simm.s32 @p1 $0x1  }
0x15: {  	[smem:$0x3FB2] =	sst s0;
	s0 =	simm.s32 @!p2 $0x0  }
0x16: {  	s3 =	sld [smem:$0x3FDB];
	s0 =	simm.s32 @p2 $0x1  }
0x17: {  	s4 =	simm.s32 $0x1BF5;
	[smem:$0x3FB4] =	sst s0  }
0x18: {  	s0 =	sld [smem:$0x3F97];
	_ =	swait.ge [sflag:s4], $0x0  }
0x19: {  	s7 =	sld [smem:$0x3F98]  }
0x1a: {  	s8 =	sadd.s32 $0xFFFFE003, lr  }
0x1b: {  	s9 =	sadd.s32 $0xFFFFFEF7, lr;
	s5 =	simm.s32 $0xFFFFFFFF;
	p2 =	slt.u32 s8, $0xFFFFF086  }
0x1c: {  	p1 =	slt.u32 s9, $0xF7A;
	s5 =	simm.s32 @!p2 $0x0  }
0x1d: {  	s5 =	simm.s32 @p1 $0x1;
	p0 =	seq.s32 s7, s2  }
0x1e: {  	s7 =	smul.u32 @!p0 $0xF7A, s2;
	p2 =	seq.s32 @!p0 s5, $0x0  }
0x1f: {  	s9 =	smul.u32 $0xF7A, s1;
	s8 =	simm.s32 @!p0 $0x1BF5;
	p2 =	por !p2, p0  }
0x20: {  	[sflag:s8] =	ssyncset.s32 @!p0 $0xFFFFF086;
	s6 =	sadd.s32 @!p0 s3, s7;
	s7 =	simm.s32 @!p0 $0x108  }
0x21: {  	s3 =	sadd.s32 s3, s9;
	s6 =	sadd.s32 @!p0 $0x88, s6;
	s7 =	simm.s32 @p2 $0x1082  }
0x22: {  	[simem:s7], [sflag:s8] =	dma.local @!p0 [hbm:s6], $0xF7A  }
0x23: {  	s9 =	sor.u32 $0xD0000000, s2;
	s6 =	simm.s32 $0x108;
	_ =	swait.ge @!p0 [sflag:s8], $0x0  }
0x24: {  	s3 =	sadd.s32 $0x88, s3;
	s6 =	simm.s32 @!p1 $0x1082;
	[sflag:s4] =	ssyncset.s32 $0xFFFFF086  }
0x25: {  	[simem:s6], [sflag:s4] =	dma.local [hbm:s3], $0xF7A  }
0x26: {  	[smem:$0x3F98] =	sst s1;
	(tag) =	ssettag s2;
	_ =	strace s9  }
0x27: {  	s1 =	sld [smem:$0x3FA8]  }
0x28: {  	s2 =	sld [smem:$0x3FA9]  }
0x29: {  	s4 =	sld [smem:$0x3FAB]  }
0x2a: {  	p0 =	seq.s32 s5, $0x0;
	s5 =	sld [smem:$0x3FAC]  }
0x2b: {  	s6 =	sld [smem:$0x3FAD]  }
0x2c: {  	s7 =	sld [smem:$0x3FAE]  }
0x2d: {  	s3 =	simm.s32 $0x108;
	s8 =	sld [smem:$0x3FAF]  }
0x2e: {  	s3 =	simm.s32 @!p0 $0x1082;
	s9 =	sld [smem:$0x3FB0]  }
0x2f: {  	lr =	sadd.s32 s0, s3;
	s0 =	sld [smem:$0x3FA7]  }
0x30: {  	s3 =	sld [smem:$0x3FAA]  }
0x31: {  	[smem:$0x3FB3] =	sst s10  }
0x32: {  	s10 =	sld [smem:$0x3FB1];
	_ =	sdelay $0x3  }
0x33: {  	p0 =	seq.s32 s10, $0x1;
	s10 =	sld [smem:$0x3FB3];
	_ =	sdelay $0x3  }
0x34: {  	[smem:$0x3FB3] =	sst s10  }
0x35: {  	s10 =	sld [smem:$0x3FB2];
	_ =	sdelay $0x3  }
0x36: {  	p1 =	seq.s32 s10, $0x1;
	s10 =	sld [smem:$0x3FB3];
	_ =	sdelay $0x3  }
0x37: {  	[smem:$0x3FB3] =	sst s10  }
0x38: {  	s10 =	sld [smem:$0x3FB4]  }
0x39: {  	_ = 	snop;
	(pc) =	sbr.ind lr, $3  }
0x3a: {  	_ = 	snop  }
0x3b: {  	_ = 	snop  }
0x3c: {  	p2 =	seq.s32 s10, $0x1;
	s10 =	sld [smem:$0x3FB3]  }
0x3d: {  	_ =	shalt  }
0x3e: {  	_ =	shalt  }
0x3f: {  	_ =	shalt  }
0x40: {  	_ =	shalt  }
0x41: {  	_ =	shalt  }
0x42: {  	_ =	shalt  }
0x43: {  	_ =	shalt  }
0x44: {  	_ =	shalt  }
0x45: {  	_ =	shalt  }
0x46: {  	_ =	shalt  }
0x47: {  	_ =	shalt  }
0x48: {  	_ =	shalt  }
0x49: {  	_ =	shalt  }
0x4a: {  	_ =	shalt  }
0x4b: {  	_ =	shalt  }
0x4c: {  	_ =	shalt  }
0x4d: {  	_ =	shalt  }
0x4e: {  	_ =	shalt  }
0x4f: {  	_ =	shalt  }
0x50: {  	_ =	shalt  }
0x51: {  	_ =	shalt  }
0x52: {  	_ =	shalt  }
0x53: {  	_ =	shalt  }
0x54: {  	_ =	shalt  }
0x55: {  	_ =	shalt  }
0x56: {  	_ =	shalt  }
0x57: {  	_ =	shalt  }
0x58: {  	_ =	shalt  }
0x59: {  	_ =	shalt  }
0x5a: {  	_ =	shalt  }
0x5b: {  	_ =	shalt  }
0x5c: {  	_ =	shalt  }
0x5d: {  	_ =	shalt  }
0x5e: {  	_ =	shalt  }
0x5f: {  	_ =	shalt  }
0x60: {  	_ =	shalt  }
0x61: {  	_ =	shalt  }
0x62: {  	_ =	shalt  }
0x63: {  	_ =	shalt  }
0x64: {  	_ =	shalt  }
0x65: {  	_ =	shalt  }
0x66: {  	_ =	shalt  }
0x67: {  	_ =	shalt  }
0x68: {  	_ =	shalt  }
0x69: {  	_ =	shalt  }
0x6a: {  	_ =	shalt  }
0x6b: {  	_ =	shalt  }
0x6c: {  	_ =	shalt  }
0x6d: {  	_ =	shalt  }
0x6e: {  	_ =	shalt  }
0x6f: {  	_ =	shalt  }
0x70: {  	_ =	shalt  }
0x71: {  	_ =	shalt  }
0x72: {  	_ =	shalt  }
0x73: {  	_ =	shalt  }
0x74: {  	_ =	shalt  }
0x75: {  	_ =	shalt  }
0x76: {  	_ =	shalt  }
0x77: {  	_ =	shalt  }
0x78: {  	_ =	shalt  }
0x79: {  	_ =	shalt  }
0x7a: {  	_ =	shalt  }
0x7b: {  	_ =	shalt  }
0x7c: {  	_ =	shalt  }
0x7d: {  	_ =	shalt  }
0x7e: {  	_ =	shalt  }
0x7f: {  	_ =	shalt  }
0x80: {  	_ =	shalt  }
0x81: {  	_ =	shalt  }
0x82: {  	_ =	shalt  }
0x83: {  	_ =	shalt  }
0x84: {  	_ =	shalt  }
0x85: {  	_ =	shalt  }
0x86: {  	_ =	shalt  }
0x87: {  	_ =	shalt  }
.Lfunc_end0:
.L_simem_size_0:
called_computation.1_lowered:
.L_overlay_start_0:
0x88: {  	s2 =	sld [smem:$0x3FD9]  }
0x89: {  	s3 =	sld [smem:$0x3FFE];
	_ =	sdelay $0x1  }
0x8a: {  	s1 =	srdreg.scid  }
0x8b: {  	s0 =	sand.u32 $0x1, s1  }
0x8c: {  	s17 =	sshll.u32 s0, $0xA;
	s2 =	sadd.s32 s3, s2  }
0x8d: {  	s2 =	sadd.s32 s2, s17  }
0x8e: {  	[smem:$0x3FBF] =	sst s2  }
0x8f: {  	_ = 	snop  }
0x90: {  	s18 =	sld [smem:$0x3FD0];
	(tm) =	ssettm $0x1  }
0x91: {  	s19 =	sld [smem:$0x3FFB];
	_ =	sdelay $0x3  }
0x92: {  	_ =	strace s19  }
0x93: {  	s2 =	sld [smem:$0x3FFC];
	_ =	sdelay $0x3  }
0x94: {  	_ =	strace s2  }
0x95: {  	s2 =	sld [smem:$0x3FFD];
	_ =	sdelay $0x3  }
0x96: {  	_ =	strace s2  }
0x97: {  	_ =	strace $0x8FFFFFFF  }
0x98: {  	s20 =	sld [smem:$0x3FDB];
	_ =	sdelay $0x1  }
0x99: {  	s4 =	simm.s32 $_scs_section_size  }
0x9a: {  	s5 =	simm.s32 $_size__tile_overlayer_lowered;
	s6 =	simm.s32 $_tile_overlayer_lowered  }
0x9b: {  	s7 =	simm.s32 $0x1BFF;
	s21 =	sshll.u32 s6, $0x1;
	s4 =	sadd.s32 s4, s20  }
0x9c: {  	s22 =	simm.s32 $0x0;
	s5 =	sshll.u32 s5, $0x1;
	s6 =	sadd.s32 s21, s4  }
0x9d: {  	[timem:s22], [sflag:s7] =	dma.local [hbm:s6], s5  }
0x9e: {  	_ =	swait.ge [sflag:s7], s5  }
0x9f: {  	s5 =	ssub.s32 $0x0, s5;
	[sflag:s7] =	ssyncset.done $0x0  }
0xa0: {  	[sflag:s7] =	ssyncadd.s32 s5;
	_ =	sdelay $0x1  }
0xa1: {  	s23 =	simm.s32 $0x1B8B  }
0xa2: {  	_ =	swait.ge [sflag:s23], $0x1  }
0xa3: {  	[sflag:s23] =	ssyncset.done $0x0  }
0xa4: {  	[sflag:s23] =	ssyncadd.s32 $0xFFFFFFFF  }
0xa5: {  	s5 =	sld [smem:$0x0]  }
0xa6: {  	s6 =	sand.u32 $0xFFFFFFFE, s1  }
0xa7: {  	p0 =	sne.s32 s1, s6  }
0xa8: {  	s6 =	sshll.u32 @p0 s6, $0xE  }
0xa9: {  	s6 =	sadd.s32 @p0 $0x11B8D, s6;
	s7 =	sshll.u32 @p0 s5, $0x11  }
0xaa: {  	s6 =	sor.u32 @p0 s7, s6  }
0xab: {  	[sflag:s6] =	ssyncadd.remote.s32 @p0 $0x1;
	_ =	sdelay $0x1  }
0xac: {  	s6 =	simm.s32 @p0 $0x1B8D  }
0xad: {  	_ =	swait.eq @p0 [sflag:s6], $0x1  }
0xae: {  	[sflag:s6] =	ssyncadd.s32 @p0 $0xFFFFFFFF  }
0xaf: {  	s7 =	sshll.u32 @!p0 s1, $0xE  }
0xb0: {  	s7 =	sor.u32 @!p0 $0x4000, s7;
	s6 =	simm.s32 @!p0 $0x1B8D  }
0xb1: {  	s5 =	sshll.u32 @!p0 s5, $0x11;
	s7 =	sadd.s32 @!p0 $0x11B8D, s7;
	_ =	swait.eq @!p0 [sflag:s6], $0x1  }
0xb2: {  	s5 =	sor.u32 @!p0 s5, s7;
	[sflag:s6] =	ssyncadd.s32 @!p0 $0xFFFFFFFF  }
0xb3: {  	s25 =	simm.s32 $0x1B8E;
	s24 =	sld [smem:$0x3FFE];
	[sflag:s5] =	ssyncadd.remote.s32 @!p0 $0x1  }
0xb4: {  	s26 =	simm.s32 $execute0_lowered;
	[smem:$0x3FD2] =	sst s25  }
0xb5: {  	s6 =	sshll.u32 s26, $0x1;
	_ =	strace $0x80000049;
	[dreg:$0x1] =	wrdreg $0xFFFFFFFF  }
0xb6: {  	s28 =	simm.s32 $_size_execute0_lowered;
	s4 =	sadd.s32 s4, s6;
	[dreg:$0x0] =	wrdreg $0x0  }
0xb7: {  	s6 =	sshll.u32 s28, $0x1;
	[dreg:$0x2] =	wrdreg s4  }
0xb8: {  	[dreg:$0x3] =	wrdreg s6  }
0xb9: {  	[dreg:$0x4] =	wrdreg $0xC0  }
0xba: {  	_ =	task [dreg:s22], $0x5FFFF  }
0xbb: {  	[dreg:$0x1] =	wrdreg $0xFFFFFFFF  }
0xbc: {  	[dreg:$0x0] =	wrdreg $0x60  }
0xbd: {  	[dreg:$0x2] =	wrdreg s18  }
0xbe: {  	[dreg:$0x3] =	wrdreg s24  }
0xbf: {  	[dreg:$0x4] =	wrdreg $0xA  }
0xc0: {  	_ =	task.clear_ibuf [dreg:s22], $0x5FFFF;
	_ =	strace $0x90000049  }
0xc1: {  	s29 =	simm.s32 $0xA;
	_ =	strace $0x8000004B  }
0xc2: {  	_ =	swait.ge [sflag:s29], $0x1  }
0xc3: {  	[sflag:s29] =	ssyncadd.s32 $0xFFFFFFFF  }
0xc4: {  	_ =	strace $0x9000004B  }
0xc5: {  	_ =	sfence  }
0xc6: {  	s30 =	sld [smem:$0x0];
	_ =	sdelay $0x2  }
0xc7: {  	s31 =	sshll.u32 s1, $0xD;
	s1 =	sshrl.u32 s1, $0x2  }
0xc8: {  	s4 =	sand.u32 $0x4000, s31;
	s1 =	sadd.s32 s1, s30  }
0xc9: {  	s0 =	sor.u32 s4, s0;
	s1 =	sshll.u32 s1, $0x11  }
0xca: {  	s0 =	sor.u32 s1, s0  }
0xcb: {  	s0 =	sadd.s32 $0x8F2B, s0  }
0xcc: {  	[sflag:s0] =	ssyncadd.remote.s32 $0x1  }
0xcd: {  	_ =	sfence.sel $0xFFFF  }
0xce: {  	[dreg:$0x0] =	wrdreg $0xFFFFFFFF;
	(pc) =	sbr.abs _section_cstart, $3  }
0xcf: {  	[dreg:$0x1] =	wrdreg $0xFFFFFFFF  }
0xd0: {  	_ =	task.clear_ibuf [dreg:s22], $0x2FFFF;
	_ =	strace $0x9FFFFFFF  }
0xd1: {  	(tm) =	ssettm $0x7FFFFFFF  }
tec
execute0_lowered:
.L_overlay_start_1:
0x0: {  	(tag) =	ssettag $0x1  }
0x1: {  	s1 =	srdreg.scid;
	s2 =	rddreg [dreg:$0x0]  }
0x2: {  	s0 =	stileid.u32;
	s6 =	rddreg [dreg:$0x1];
	s3 =	simm.s32 $0x0  }
0x3: {  	s17 =	simm.s32 $0x1800;
	s18 =	simm.s32 $0x3800;
	s19 =	simm.s32 $0x5800  }
0x4: {  	s20 =	simm.s32 $0x7800;
	s21 =	simm.s32 $0x1;
	s4 =	smul.u32 $0x28, s0  }
0x5: {  	s22 =	simm.s32 $0x2;
	s23 =	simm.s32 $0x0;
	s13 =	smul.u32 $0x5000, s0  }
0x6: {  	s9 =	sand.u32 $0x1, s1;
	[smem:$0x7FF] =	sst s3;
	s14 =	smul.u32 $0xA000, s0  }
0x7: {  	s1 =	rddreg [dreg:$0x2];
	s5 =	smul.u32 $0x18, s9;
	_ =	strace $0x8000004A  }
0x8: {  	s8 =	ssub.s32 $0x2, s9;
	s11 =	smul.u32 $0x3000, s9;
	s31 =	sshll.u32 s9, $0x2  }
0x9: {  	s16 =	smul.u32 $0x6000, s9;
	s30 =	sshrl.u32 s8, $0x1;
	s4 =	sadd.s32 s5, s4  }
0xa: {  	s5 =	sadd.s32 $0x1F3000, s6;
	s12 =	ssub.s32 s8, s30;
	s10 =	smin.u32 s4, $0x268  }
0xb: {  	s8 =	sxor.u32 $0xC, s31;
	s9 =	smax.u32 s12, $0x1;
	s4 =	sshll.u32 s10, $0x4  }
0xc: {  	s15 =	sshll.u32 s10, $0x9;
	s10 =	sshrl.u32 s11, $0x2;
	s7 =	sadd.s32 s4, s6  }
0xd: {  	s4 =	sadd.s32 $0x153000, s6;
	s11 =	ssub.s32 s13, s15;
	s12 =	sadd.s32 $0xC00, s10  }
0xe: {  	s13 =	sadd.s32 s16, s14;
	s14 =	simm.s32 $0x3;
	s15 =	simm.s32 $0xC00  }
0xf: {  	s16 =	simm.s32 $0x80;
	s6 =	sadd.s32 $0x14E000, s7;
	s7 =	sadd.s32 $0x150800, s7  }
.LBB2_1:
0x10: {  	[tilespmem:s3], [sflag:$0x3] =	stream.linear.gather [hbm4b:s6+s3], $0xC00, $0x38;
	[tilespmem:$0x9800] =	vst v63  }
0x11: {  	_ =	swait.ge [sflag:s14], $0xC00  }
0x12: {  	[sflag:s14] =	ssyncset.done $0x0  }
0x13: {  	[sflag:s14] =	ssyncadd.s32 $0xFFFFF400  }
0x14: {  	[tilespmem:s15], [sflag:$0x3] =	stream.linear.gather [hbm4b:s7+s3], $0xC00, $0x38;
	[tilespmem:$0x9800] =	vst v63  }
0x15: {  	_ =	swait.ge [sflag:s14], $0xC00  }
0x16: {  	s24 =	sshra.s32 s11, $0x2;
	[sflag:s14] =	ssyncset.done $0x0  }
0x17: {  	s25 =	sadd.s32 s24, s10;
	[sflag:s14] =	ssyncadd.s32 $0xFFFFF400  }
0x18: {  	[tilespmem:s17], [sflag:$0x1] =	stream.indirect.gather [hbm4b:s2+s16], $0x40, s25, s16, $0xb8;
	[tilespmem:$0x9800] =	vst v63  }
0x19: {  	s24 =	sadd.s32 s24, s12  }
0x1a: {  	[tilespmem:s18], [sflag:$0x1] =	stream.indirect.gather [hbm4b:s2+s16], $0x40, s24, s16, $0xb8;
	[tilespmem:$0x9800] =	vst v63  }
0x1b: {  	s25 =	sadd.s32 $0x80, s25  }
0x1c: {  	[tilespmem:s19], [sflag:$0x1] =	stream.indirect.gather [hbm4b:s2+s16], $0x40, s25, s16, $0xb8;
	[tilespmem:$0x9800] =	vst v63  }
0x1d: {  	p0 =	por $0x1, $0x1;
	s24 =	sadd.s32 $0x80, s24  }
0x1e: {  	[tilespmem:s20], [sflag:$0x1] =	stream.indirect.gather [hbm4b:s2+s16], $0x40, s24, s16, $0xb8;
	[tilespmem:$0x9800] =	vst v63  }
0x1f: {  	s24 =	simm.s32 @!p0 $0x2  }
0x20: {  	_ =	swait.ge @!p0 [sflag:s24], $0x2000  }
0x21: {  	[sflag:s24] =	ssyncset.done @!p0 $0x0  }
0x22: {  	[sflag:s24] =	ssyncadd.s32 @!p0 $0xFFFFE000  }
0x23: {  	_ =	swait.ge @!p0 [sflag:s24], $0x2000  }
0x24: {  	[sflag:s24] =	ssyncset.done @!p0 $0x0  }
0x25: {  	[sflag:s24] =	ssyncadd.s32 @!p0 $0xFFFFE000  }
0x26: {  	_ =	swait.ge @!p0 [sflag:s24], $0x2000  }
0x27: {  	[sflag:s24] =	ssyncset.done @!p0 $0x0  }
0x28: {  	[sflag:s24] =	ssyncadd.s32 @!p0 $0xFFFFE000  }
0x29: {  	_ =	swait.ge @!p0 [sflag:s24], $0x2000  }
0x2a: {  	[sflag:s24] =	ssyncset.done @!p0 $0x0  }
0x2b: {  	[sflag:s24] =	ssyncadd.s32 @!p0 $0xFFFFE000  }
0x2c: {  	_ =	swait.ge [sflag:s21], $0x2000  }
0x2d: {  	s26 =	sand.u32 $0x1FFFF800, s13;
	[sflag:s21] =	ssyncset.done $0x0  }
0x2e: {  	s30 =	sadd.s32 s4, s26;
	[sflag:s21] =	ssyncadd.s32 $0xFFFFE000  }
0x2f: {  	[hbm4b:s30+s3] =	stream.linear.scatter [tilespmem:s17], [sflag:$0x2], $0x2000, $0x38;
	[tilespmem:$0x9800] =	vst v63  }
0x30: {  	_ =	swait.ge [sflag:s21], $0x2000  }
0x31: {  	[sflag:s21] =	ssyncset.done $0x0  }
0x32: {  	s24 =	sadd.s32 s5, s26;
	[sflag:s21] =	ssyncadd.s32 $0xFFFFE000  }
0x33: {  	[hbm4b:s24+s3] =	stream.linear.scatter [tilespmem:s18], [sflag:$0x2], $0x2000, $0x38;
	[tilespmem:$0x9800] =	vst v63  }
0x34: {  	s24 =	sadd.s32 $0xFFFFFFFF, s8  }
0x35: {  	s31 =	sadd.s32 $0x400, s13;
	_ =	swait.ge [sflag:s21], $0x2000;
	p0 =	sne.s32 s24, $0x0  }
.Ltmp0:
0x36: {  	s28 =	sand.u32 $0x1FFFFC00, s31;
	[sflag:s21] =	ssyncset.done $0x0;
	(pc) =	sbr.rel @!p0 .LBB2_3-.Ltmp0, $4  }
0x37: {  	s25 =	sadd.s32 s4, s28;
	[sflag:s21] =	ssyncadd.s32 $0xFFFFE000  }
0x38: {  	[hbm4b:s25+s3] =	stream.linear.scatter [tilespmem:s19], [sflag:$0x2], $0x2000, $0x38;
	[tilespmem:$0x9800] =	vst v63  }
0x39: {  	s29 =	sadd.s32 s5, s28;
	s28 =	sadd.s32 $0x400, s11;
	_ =	swait.ge [sflag:s21], $0x2000  }
0x3a: {  	s26 =	simm.s32 $0x2;
	s25 =	sadd.s32 $0x800, s13;
	[sflag:s21] =	ssyncset.done $0x0  }
.LBB2_2:
0x3b: {  	s30 =	sshra.s32 s28, $0x2;
	s24 =	sadd.s32 $0xFFFFFFFF, s24;
	[sflag:s21] =	ssyncadd.s32 $0xFFFFE000  }
0x3c: {  	[hbm4b:s29+s3] =	stream.linear.scatter [tilespmem:s20], [sflag:$0x2], $0x2000, $0x38;
	[tilespmem:$0x9800] =	vst v63  }
0x3d: {  	s29 =	sadd.s32 s30, s10;
	p0 =	sne.s32 s24, $0x0  }
0x3e: {  	[tilespmem:s17], [sflag:$0x1] =	stream.indirect.gather [hbm4b:s2+s16], $0x40, s29, s16, $0xb8;
	[tilespmem:$0x9800] =	vst v63  }
0x3f: {  	s30 =	sadd.s32 s30, s12  }
0x40: {  	[tilespmem:s18], [sflag:$0x1] =	stream.indirect.gather [hbm4b:s2+s16], $0x40, s30, s16, $0xb8;
	[tilespmem:$0x9800] =	vst v63  }
0x41: {  	s29 =	sadd.s32 $0x80, s29  }
0x42: {  	[tilespmem:s19], [sflag:$0x1] =	stream.indirect.gather [hbm4b:s2+s16], $0x40, s29, s16, $0xb8;
	[tilespmem:$0x9800] =	vst v63  }
0x43: {  	p1 =	slt.s32 s26, $0x1;
	s29 =	sadd.s32 $0x80, s30  }
0x44: {  	[tilespmem:s20], [sflag:$0x1] =	stream.indirect.gather [hbm4b:s2+s16], $0x40, s29, s16, $0xb8;
	[tilespmem:$0x9800] =	vst v63  }
0x45: {  	s29 =	simm.s32 @!p1 $0x2  }
0x46: {  	_ =	swait.ge @!p1 [sflag:s29], $0x2000  }
0x47: {  	[sflag:s29] =	ssyncset.done @!p1 $0x0  }
0x48: {  	[sflag:s29] =	ssyncadd.s32 @!p1 $0xFFFFE000  }
0x49: {  	_ =	swait.ge @!p1 [sflag:s29], $0x2000  }
0x4a: {  	[sflag:s29] =	ssyncset.done @!p1 $0x0  }
0x4b: {  	[sflag:s29] =	ssyncadd.s32 @!p1 $0xFFFFE000  }
0x4c: {  	_ =	swait.ge @!p1 [sflag:s29], $0x2000  }
0x4d: {  	[sflag:s29] =	ssyncset.done @!p1 $0x0  }
0x4e: {  	[sflag:s29] =	ssyncadd.s32 @!p1 $0xFFFFE000  }
0x4f: {  	_ =	swait.ge @!p1 [sflag:s29], $0x2000  }
0x50: {  	[sflag:s29] =	ssyncset.done @!p1 $0x0  }
0x51: {  	[sflag:s29] =	ssyncadd.s32 @!p1 $0xFFFFE000  }
0x52: {  	s29 =	sand.u32 $0x1FFFF800, s25;
	_ =	swait.ge [sflag:s21], $0x2000  }
0x53: {  	s30 =	sadd.s32 s4, s29;
	[sflag:s21] =	ssyncset.done $0x0  }
0x54: {  	[sflag:s21] =	ssyncadd.s32 $0xFFFFE000  }
0x55: {  	[hbm4b:s30+s3] =	stream.linear.scatter [tilespmem:s17], [sflag:$0x2], $0x2000, $0x38;
	[tilespmem:$0x9800] =	vst v63  }
0x56: {  	_ =	swait.ge [sflag:s21], $0x2000  }
0x57: {  	s29 =	sadd.s32 s5, s29;
	[sflag:s21] =	ssyncset.done $0x0  }
0x58: {  	s30 =	sadd.s32 $0x400, s25;
	[sflag:s21] =	ssyncadd.s32 $0xFFFFE000  }
0x59: {  	[hbm4b:s29+s3] =	stream.linear.scatter [tilespmem:s18], [sflag:$0x2], $0x2000, $0x38;
	[tilespmem:$0x9800] =	vst v63  }
0x5a: {  	s29 =	sand.u32 $0x1FFFFC00, s30;
	_ =	swait.ge [sflag:s21], $0x2000  }
.Ltmp1:
0x5b: {  	s30 =	sadd.s32 s4, s29;
	[sflag:s21] =	ssyncset.done $0x0;
	(pc) =	sbr.rel @p0 .LBB2_2-.Ltmp1, $4  }
0x5c: {  	[sflag:s21] =	ssyncadd.s32 $0xFFFFE000  }
0x5d: {  	[hbm4b:s30+s3] =	stream.linear.scatter [tilespmem:s19], [sflag:$0x2], $0x2000, $0x38;
	[tilespmem:$0x9800] =	vst v63  }
0x5e: {  	s26 =	sadd.s32 $0x2, s26;
	s25 =	sadd.s32 $0x800, s25;
	_ =	swait.ge [sflag:s21], $0x2000  }
0x5f: {  	s28 =	sadd.s32 $0x400, s28;
	s29 =	sadd.s32 s5, s29;
	[sflag:s21] =	ssyncset.done $0x0  }
.LBB2_3:
0x60: {  	[sflag:s21] =	ssyncadd.s32 $0xFFFFE000  }
0x61: {  	[hbm4b:s29+s3] =	stream.linear.scatter [tilespmem:s20], [sflag:$0x2], $0x2000, $0x38;
	[tilespmem:$0x9800] =	vst v63  }
0x62: {  	_ =	swait.ge [sflag:s22], $0x2000  }
0x63: {  	[sflag:s22] =	ssyncset.done $0x0  }
0x64: {  	[sflag:s22] =	ssyncadd.s32 $0xFFFFE000  }
0x65: {  	_ =	swait.ge [sflag:s22], $0x2000  }
0x66: {  	[sflag:s22] =	ssyncset.done $0x0  }
0x67: {  	s23 =	sadd.s32 $0x1, s23;
	[sflag:s22] =	ssyncadd.s32 $0xFFFFE000  }
0x68: {  	p0 =	sne.s32 s23, s9;
	_ =	swait.ge [sflag:s22], $0x2000  }
.Ltmp2:
0x69: {  	[sflag:s22] =	ssyncset.done $0x0;
	(pc) =	sbr.rel @p0 .LBB2_1-.Ltmp2, $4  }
0x6a: {  	[sflag:s22] =	ssyncadd.s32 $0xFFFFE000  }
0x6b: {  	_ =	swait.ge [sflag:s22], $0x2000  }
0x6c: {  	[sflag:s22] =	ssyncset.done $0x0  }
0x6d: {  	[sflag:s22] =	ssyncadd.s32 $0xFFFFE000  }
0x6e: {  	_ =	sfence.sel $0x180000  }
0x6f: {  	[bflag:$0x0] =	sbarrier.arrive $0xFFFF  }
0x70: {  	p0 =	sne.s32 s0, $0x0;
	_ =	strace $0x9000004A  }
0x71: {  	s0 =	sadd.s32 @!p0 $0x100000, s1;
	[bflag:$0x2] =	sbarrier.arrive $0xFFFF  }
0x72: {  	[sflag:s0] =	ssyncadd.tile.s32 @!p0 $0x1;
	_ =	shalt  }
.Lfunc_end2:
_tile_overlayer_lowered:
.L_overlay_start_2:
0x73: {  	(tag) =	ssettag $0x2  }
0x74: {  	s0 =	rddreg [dreg:$0x0];
	s2 =	stileid.u32  }
0x75: {  	s1 =	rddreg [dreg:$0x1];
	p0 =	sne.s32 s2, $0x0  }
0x76: {  	s3 =	rddreg [dreg:$0x2];
	[bflag:$0x3] =	sbarrier.arrive $0xFFFF;
	s2 =	simm.s32 @!p0 $0x1C03  }
0x77: {  	[timem:s3], [sflag:s2] =	dma.local @!p0 [hbm:s0], s1  }
0x78: {  	s0 =	simm.s32 @!p0 $0x3  }
0x79: {  	_ =	swait.ge @!p0 [sflag:s0], s1  }
0x7a: {  	s1 =	ssub.s32 @!p0 $0x0, s1;
	[sflag:s0] =	ssyncset.done @!p0 $0x0  }
0x7b: {  	[sflag:s0] =	ssyncadd.s32 @!p0 s1  }
0x7c: {  	[bflag:$0x3] =	sbarrier.arrive $0xFFFF  }
0x7d: {  	_ =	shalt  }

// kernel: kernel.14.cloned.1.call-start
scs
__scs_entry_jumppad:
0x0: {  	(pc) =	sbr.rel $0x88, $3  }
0x1: {  	(tag) =	ssettag $0x0;
	lr =	simm.s32 $0x1  }
0x2: {  	[smem:$0x3F98] =	sst lr;
	_ =	strace $0xD0000000  }
0x3: {  	_ = 	snop  }
0x4: {  	_ = 	snop  }
0x5: {  	_ = 	snop  }
0x6: {  	_ = 	snop  }
0x7: {  	_ = 	snop  }
__scs_overlays_trampoline_lowered:
0x8: {  	[smem:$0x3FA7] =	sst s0  }
0x9: {  	[smem:$0x3FA8] =	sst s1  }
0xa: {  	[smem:$0x3FA9] =	sst s2  }
0xb: {  	[smem:$0x3FAA] =	sst s3  }
0xc: {  	[smem:$0x3FAB] =	sst s4  }
0xd: {  	[smem:$0x3FAC] =	sst s5  }
0xe: {  	[smem:$0x3FAD] =	sst s6  }
0xf: {  	[smem:$0x3FAE] =	sst s7  }
0x10: {  	[smem:$0x3FAF] =	sst s8  }
0x11: {  	[smem:$0x3FB0] =	sst s9;
	s0 =	simm.s32 @!p0 $0x0  }
0x12: {  	s1 =	sld [smem:$0x3F96];
	s0 =	simm.s32 @p0 $0x1  }
0x13: {  	[smem:$0x3FB1] =	sst s0;
	s0 =	simm.s32 @!p1 $0x0  }
0x14: {  	s2 =	sld [smem:$0x3F95];
	s0 =	simm.s32 @p1 $0x1  }
0x15: {  	[smem:$0x3FB2] =	sst s0;
	s0 =	simm.s32 @!p2 $0x0  }
0x16: {  	s3 =	sld [smem:$0x3FDB];
	s0 =	simm.s32 @p2 $0x1  }
0x17: {  	s4 =	simm.s32 $0x1BF5;
	[smem:$0x3FB4] =	sst s0  }
0x18: {  	s0 =	sld [smem:$0x3F97];
	_ =	swait.ge [sflag:s4], $0x0  }
0x19: {  	s7 =	sld [smem:$0x3F98]  }
0x1a: {  	s8 =	sadd.s32 $0xFFFFE003, lr  }
0x1b: {  	s9 =	sadd.s32 $0xFFFFFEF7, lr;
	s5 =	simm.s32 $0xFFFFFFFF;
	p2 =	slt.u32 s8, $0xFFFFF086  }
0x1c: {  	p1 =	slt.u32 s9, $0xF7A;
	s5 =	simm.s32 @!p2 $0x0  }
0x1d: {  	s5 =	simm.s32 @p1 $0x1;
	p0 =	seq.s32 s7, s2  }
0x1e: {  	s7 =	smul.u32 @!p0 $0xF7A, s2;
	p2 =	seq.s32 @!p0 s5, $0x0  }
0x1f: {  	s9 =	smul.u32 $0xF7A, s1;
	s8 =	simm.s32 @!p0 $0x1BF5;
	p2 =	por !p2, p0  }
0x20: {  	[sflag:s8] =	ssyncset.s32 @!p0 $0xFFFFF086;
	s6 =	sadd.s32 @!p0 s3, s7;
	s7 =	simm.s32 @!p0 $0x108  }
0x21: {  	s3 =	sadd.s32 s3, s9;
	s6 =	sadd.s32 @!p0 $0x88, s6;
	s7 =	simm.s32 @p2 $0x1082  }
0x22: {  	[simem:s7], [sflag:s8] =	dma.local @!p0 [hbm:s6], $0xF7A  }
0x23: {  	s9 =	sor.u32 $0xD0000000, s2;
	s6 =	simm.s32 $0x108;
	_ =	swait.ge @!p0 [sflag:s8], $0x0  }
0x24: {  	s3 =	sadd.s32 $0x88, s3;
	s6 =	simm.s32 @!p1 $0x1082;
	[sflag:s4] =	ssyncset.s32 $0xFFFFF086  }
0x25: {  	[simem:s6], [sflag:s4] =	dma.local [hbm:s3], $0xF7A  }
0x26: {  	[smem:$0x3F98] =	sst s1;
	(tag) =	ssettag s2;
	_ =	strace s9  }
0x27: {  	s1 =	sld [smem:$0x3FA8]  }
0x28: {  	s2 =	sld [smem:$0x3FA9]  }
0x29: {  	s4 =	sld [smem:$0x3FAB]  }
0x2a: {  	p0 =	seq.s32 s5, $0x0;
	s5 =	sld [smem:$0x3FAC]  }
0x2b: {  	s6 =	sld [smem:$0x3FAD]  }
0x2c: {  	s7 =	sld [smem:$0x3FAE]  }
0x2d: {  	s3 =	simm.s32 $0x108;
	s8 =	sld [smem:$0x3FAF]  }
0x2e: {  	s3 =	simm.s32 @!p0 $0x1082;
	s9 =	sld [smem:$0x3FB0]  }
0x2f: {  	lr =	sadd.s32 s0, s3;
	s0 =	sld [smem:$0x3FA7]  }
0x30: {  	s3 =	sld [smem:$0x3FAA]  }
0x31: {  	[smem:$0x3FB3] =	sst s10  }
0x32: {  	s10 =	sld [smem:$0x3FB1];
	_ =	sdelay $0x3  }
0x33: {  	p0 =	seq.s32 s10, $0x1;
	s10 =	sld [smem:$0x3FB3];
	_ =	sdelay $0x3  }
0x34: {  	[smem:$0x3FB3] =	sst s10  }
0x35: {  	s10 =	sld [smem:$0x3FB2];
	_ =	sdelay $0x3  }
0x36: {  	p1 =	seq.s32 s10, $0x1;
	s10 =	sld [smem:$0x3FB3];
	_ =	sdelay $0x3  }
0x37: {  	[smem:$0x3FB3] =	sst s10  }
0x38: {  	s10 =	sld [smem:$0x3FB4]  }
0x39: {  	_ = 	snop;
	(pc) =	sbr.ind lr, $3  }
0x3a: {  	_ = 	snop  }
0x3b: {  	_ = 	snop  }
0x3c: {  	p2 =	seq.s32 s10, $0x1;
	s10 =	sld [smem:$0x3FB3]  }
0x3d: {  	_ =	shalt  }
0x3e: {  	_ =	shalt  }
0x3f: {  	_ =	shalt  }
0x40: {  	_ =	shalt  }
0x41: {  	_ =	shalt  }
0x42: {  	_ =	shalt  }
0x43: {  	_ =	shalt  }
0x44: {  	_ =	shalt  }
0x45: {  	_ =	shalt  }
0x46: {  	_ =	shalt  }
0x47: {  	_ =	shalt  }
0x48: {  	_ =	shalt  }
0x49: {  	_ =	shalt  }
0x4a: {  	_ =	shalt  }
0x4b: {  	_ =	shalt  }
0x4c: {  	_ =	shalt  }
0x4d: {  	_ =	shalt  }
0x4e: {  	_ =	shalt  }
0x4f: {  	_ =	shalt  }
0x50: {  	_ =	shalt  }
0x51: {  	_ =	shalt  }
0x52: {  	_ =	shalt  }
0x53: {  	_ =	shalt  }
0x54: {  	_ =	shalt  }
0x55: {  	_ =	shalt  }
0x56: {  	_ =	shalt  }
0x57: {  	_ =	shalt  }
0x58: {  	_ =	shalt  }
0x59: {  	_ =	shalt  }
0x5a: {  	_ =	shalt  }
0x5b: {  	_ =	shalt  }
0x5c: {  	_ =	shalt  }
0x5d: {  	_ =	shalt  }
0x5e: {  	_ =	shalt  }
0x5f: {  	_ =	shalt  }
0x60: {  	_ =	shalt  }
0x61: {  	_ =	shalt  }
0x62: {  	_ =	shalt  }
0x63: {  	_ =	shalt  }
0x64: {  	_ =	shalt  }
0x65: {  	_ =	shalt  }
0x66: {  	_ =	shalt  }
0x67: {  	_ =	shalt  }
0x68: {  	_ =	shalt  }
0x69: {  	_ =	shalt  }
0x6a: {  	_ =	shalt  }
0x6b: {  	_ =	shalt  }
0x6c: {  	_ =	shalt  }
0x6d: {  	_ =	shalt  }
0x6e: {  	_ =	shalt  }
0x6f: {  	_ =	shalt  }
0x70: {  	_ =	shalt  }
0x71: {  	_ =	shalt  }
0x72: {  	_ =	shalt  }
0x73: {  	_ =	shalt  }
0x74: {  	_ =	shalt  }
0x75: {  	_ =	shalt  }
0x76: {  	_ =	shalt  }
0x77: {  	_ =	shalt  }
0x78: {  	_ =	shalt  }
0x79: {  	_ =	shalt  }
0x7a: {  	_ =	shalt  }
0x7b: {  	_ =	shalt  }
0x7c: {  	_ =	shalt  }
0x7d: {  	_ =	shalt  }
0x7e: {  	_ =	shalt  }
0x7f: {  	_ =	shalt  }
0x80: {  	_ =	shalt  }
0x81: {  	_ =	shalt  }
0x82: {  	_ =	shalt  }
0x83: {  	_ =	shalt  }
0x84: {  	_ =	shalt  }
0x85: {  	_ =	shalt  }
0x86: {  	_ =	shalt  }
0x87: {  	_ =	shalt  }
.Lfunc_end0:
.L_simem_size_0:
called_computation.2_lowered:
.L_overlay_start_0:
0x88: {  	s2 =	sld [smem:$0x3FD9]  }
0x89: {  	s3 =	sld [smem:$0x3FFE];
	_ =	sdelay $0x1  }
0x8a: {  	s1 =	srdreg.scid  }
0x8b: {  	s0 =	sand.u32 $0x1, s1  }
0x8c: {  	s16 =	sshll.u32 s0, $0xA;
	s2 =	sadd.s32 s3, s2  }
0x8d: {  	s2 =	sadd.s32 s2, s16  }
0x8e: {  	[smem:$0x3FBF] =	sst s2  }
0x8f: {  	_ = 	snop  }
0x90: {  	(tm) =	ssettm $0x1  }
0x91: {  	s17 =	sld [smem:$0x3FFB];
	_ =	sdelay $0x3  }
0x92: {  	_ =	strace s17  }
0x93: {  	s2 =	sld [smem:$0x3FFC];
	_ =	sdelay $0x3  }
0x94: {  	_ =	strace s2  }
0x95: {  	s2 =	sld [smem:$0x3FFD];
	_ =	sdelay $0x3  }
0x96: {  	_ =	strace s2  }
0x97: {  	_ =	strace $0x8FFFFFFF  }
0x98: {  	s18 =	sld [smem:$0x3FDB];
	_ =	sdelay $0x1  }
0x99: {  	s19 =	simm.s32 $_scs_section_size  }
0x9a: {  	s4 =	simm.s32 $_size__tile_overlayer_lowered;
	s5 =	simm.s32 $_tile_overlayer_lowered  }
0x9b: {  	s22 =	simm.s32 $0x1BFF;
	s21 =	sshll.u32 s5, $0x1;
	s2 =	sadd.s32 s19, s18  }
0x9c: {  	s6 =	simm.s32 $0x0;
	s20 =	sshll.u32 s4, $0x1;
	s4 =	sadd.s32 s21, s2  }
0x9d: {  	[timem:s6], [sflag:s22] =	dma.local [hbm:s4], s20  }
0x9e: {  	_ =	swait.ge [sflag:s22], s20  }
0x9f: {  	s3 =	ssub.s32 $0x0, s20;
	[sflag:s22] =	ssyncset.done $0x0  }
0xa0: {  	[sflag:s22] =	ssyncadd.s32 s3;
	_ =	sdelay $0x1  }
0xa1: {  	s23 =	simm.s32 $0x1B8B  }
0xa2: {  	_ =	swait.ge [sflag:s23], $0x1  }
0xa3: {  	[sflag:s23] =	ssyncset.done $0x0  }
0xa4: {  	s25 =	simm.s32 $0x1B8E;
	s24 =	sld [smem:$0x3FFE];
	[sflag:s23] =	ssyncadd.s32 $0xFFFFFFFF  }
0xa5: {  	s26 =	simm.s32 $execute0_lowered;
	[smem:$0x3FD2] =	sst s25  }
0xa6: {  	s4 =	sshll.u32 s26, $0x1;
	_ =	strace $0x8000004C;
	[dreg:$0x1] =	wrdreg $0xFFFFFFFF  }
0xa7: {  	s28 =	simm.s32 $_size_execute0_lowered;
	s2 =	sadd.s32 s2, s4;
	[dreg:$0x0] =	wrdreg $0x0  }
0xa8: {  	s4 =	sshll.u32 s28, $0x1;
	[dreg:$0x2] =	wrdreg s2  }
0xa9: {  	[dreg:$0x3] =	wrdreg s4  }
0xaa: {  	[dreg:$0x4] =	wrdreg $0xC0  }
0xab: {  	_ =	task [dreg:s6], $0x5FFFF  }
0xac: {  	[dreg:$0x1] =	wrdreg $0xFFFFFFFF  }
0xad: {  	[dreg:$0x0] =	wrdreg $0x60  }
0xae: {  	[dreg:$0x2] =	wrdreg s24  }
0xaf: {  	[dreg:$0x3] =	wrdreg $0x0  }
0xb0: {  	[dreg:$0x4] =	wrdreg $0x9  }
0xb1: {  	_ =	task.clear_ibuf [dreg:s6], $0x5FFFF;
	_ =	strace $0x9000004C  }
0xb2: {  	s29 =	simm.s32 $0x9;
	_ =	strace $0x8000004E  }
0xb3: {  	_ =	swait.ge [sflag:s29], $0x1  }
0xb4: {  	[sflag:s29] =	ssyncadd.s32 $0xFFFFFFFF  }
0xb5: {  	_ =	strace $0x9000004E  }
0xb6: {  	_ =	sfence  }
0xb7: {  	s30 =	sld [smem:$0x0];
	_ =	sdelay $0x2  }
0xb8: {  	s31 =	sshll.u32 s1, $0xD;
	s1 =	sshrl.u32 s1, $0x2  }
0xb9: {  	s3 =	sand.u32 $0x4000, s31;
	s1 =	sadd.s32 s1, s30  }
0xba: {  	s0 =	sor.u32 s3, s0;
	s1 =	sshll.u32 s1, $0x11  }
0xbb: {  	s0 =	sor.u32 s1, s0  }
0xbc: {  	s0 =	sadd.s32 $0x8F2B, s0  }
0xbd: {  	[sflag:s0] =	ssyncadd.remote.s32 $0x1  }
0xbe: {  	_ =	sfence.sel $0xFFFF  }
0xbf: {  	[dreg:$0x0] =	wrdreg $0xFFFFFFFF;
	(pc) =	sbr.abs _section_cstart, $3  }
0xc0: {  	[dreg:$0x1] =	wrdreg $0xFFFFFFFF  }
0xc1: {  	_ =	task.clear_ibuf [dreg:s6], $0x2FFFF;
	_ =	strace $0x9FFFFFFF  }
0xc2: {  	(tm) =	ssettm $0x7FFFFFFF  }
0xc3: {  	_ =	shalt  }
tec
execute0_lowered:
.L_overlay_start_1:
0x0: {  	(tag) =	ssettag $0x1  }
0x1: {  	s1 =	srdreg.scid  }
0x2: {  	s0 =	stileid.u32;
	s7 =	rddreg [dreg:$0x0]  }
0x3: {  	s2 =	rddreg [dreg:$0x1];
	s5 =	smul.u32 $0x28, s0  }
0x4: {  	s3 =	simm.s32 $0x0;
	s14 =	simm.s32 $0x80;
	s9 =	smul.u32 $0x14000, s0  }
0x5: {  	s4 =	sand.u32 $0x1, s1;
	s1 =	rddreg [dreg:$0x2];
	s11 =	smul.u32 $0x50000, s0  }
0x6: {  	s15 =	simm.s32 $0x0;
	[smem:$0x7FF] =	sst s3;
	s6 =	smul.u32 $0x280, s4  }
0x7: {  	s31 =	sshll.u32 s0, $0x6;
	s28 =	smul.u32 $0x140000, s4;
	_ =	strace $0x8000004D  }
0x8: {  	s10 =	ssub.s32 $0x2, s4;
	p0 =	seq.s32 s4, $0x1;
	s29 =	sshrl.u32 s9, $0x3  }
0x9: {  	s12 =	sshrl.u32 s10, $0x1;
	s30 =	sshrl.u32 s11, $0x2;
	s5 =	sadd.s32 s5, s6  }
0xa: {  	s6 =	sadd.s32 s9, s28;
	s10 =	ssub.s32 s10, s12;
	s11 =	sadd.s32 s30, s2  }
0xb: {  	s12 =	simm.s32 $0x28E000;
	s5 =	sshll.u32 s5, $0x4;
	s6 =	sshrl.u32 s6, $0x3  }
0xc: {  	s12 =	simm.s32 @!p0 $0x14E000;
	s8 =	sadd.s32 s5, s7;
	s5 =	sadd.s32 s29, s7  }
0xd: {  	s13 =	sadd.s32 s6, s7;
	s12 =	sadd.s32 s12, s7;
	s4 =	sadd.s32 $0x4000, s5  }
0xe: {  	s5 =	sor.u32 $0x1C01, s31;
	s6 =	sadd.s32 $0x149000, s8;
	s7 =	sadd.s32 $0x2C000, s13  }
0xf: {  	s8 =	smax.u32 s10, $0x1;
	s9 =	sadd.s32 s9, s12;
	s10 =	sshrl.u32 s11, $0x3  }
0x10: {  	s11 =	simm.s32 $0x1;
	s12 =	simm.s32 $0x14000;
	s13 =	simm.s32 $0x15400  }
.LBB2_1:
0x11: {  	[spmem:s10], [sflag:s5] =	dma.local [hbm:s4], $0x2800  }
0x12: {  	_ =	swait.ge [sflag:s11], $0x2800  }
0x13: {  	[sflag:s11] =	ssyncset.done $0x0  }
0x14: {  	[sflag:s11] =	ssyncadd.s32 $0xFFFFD800  }
0x15: {  	[tilespmem:s12], [sflag:$0x1] =	stream.linear.gather [hbm4b:s6+s3], $0x1400, $0x38;
	[tilespmem:$0x19400] =	vst v63  }
0x16: {  	_ =	swait.ge [sflag:s11], $0x1400  }
0x17: {  	[sflag:s11] =	ssyncset.done $0x0  }
0x18: {  	[sflag:s11] =	ssyncadd.s32 $0xFFFFEC00  }
0x19: {  	[bflag:$0x0] =	sbarrier.arrive $0xFFFF  }
0x1a: {  	[tilespmem:s13], [sflag:$0x1] =	stream.linear.gather [hbm4b:s9+s3], $0x4000, $0x38;
	[tilespmem:$0x19400] =	vst v63  }
0x1b: {  	_ =	swait.ge [sflag:s11], $0x4000  }
0x1c: {  	[sflag:s11] =	ssyncset.done $0x0  }
0x1d: {  	s16 =	simm.s32 $0x14000;
	[sflag:s11] =	ssyncadd.s32 $0xFFFFC000  }
0x1e: {  	[spmem:s2] =	stream.indirect.scatter.add.f32 [tilespmem:s13], [sflag:$0x1], $0x80, s16, s14, $0xb8;
	[tilespmem:$0x19400] =	vst v63  }
0x1f: {  	_ =	swait.ge [sflag:s11], $0x4000  }
0x20: {  	s17 =	smov.u32 s9;
	s16 =	simm.s32 $0x200;
	[sflag:s11] =	ssyncset.done $0x0  }
.LBB2_2:
0x21: {  	p0 =	sne.s32 s16, $0x4E00;
	[sflag:s11] =	ssyncadd.s32 $0xFFFFC000;
	s17 =	sadd.s32 $0x800, s17  }
0x22: {  	[tilespmem:s13], [sflag:$0x1] =	stream.linear.gather [hbm4b:s17+s3], $0x4000, $0x38;
	[tilespmem:$0x19400] =	vst v63  }
0x23: {  	s18 =	smov.u32 s16;
	s16 =	sadd.s32 $0x200, s16;
	_ =	swait.ge [sflag:s11], $0x4000  }
.Ltmp0:
0x24: {  	s18 =	sshra.s32 s18, $0x2;
	[sflag:s11] =	ssyncset.done $0x0;
	(pc) =	sbr.rel @p0 .LBB2_2-.Ltmp0, $4  }
0x25: {  	s18 =	sadd.s32 $0x14000, s18;
	[sflag:s11] =	ssyncadd.s32 $0xFFFFC000  }
0x26: {  	[spmem:s2] =	stream.indirect.scatter.add.f32 [tilespmem:s13], [sflag:$0x1], $0x80, s18, s14, $0xb8;
	[tilespmem:$0x19400] =	vst v63  }
0x27: {  	_ =	swait.ge [sflag:s11], $0x4000  }
0x28: {  	[sflag:s11] =	ssyncset.done $0x0  }
0x29: {  	s15 =	sadd.s32 $0x1, s15  }
0x2a: {  	[sflag:s11] =	ssyncadd.s32 $0xFFFFC000;
	p0 =	sne.s32 s15, s8  }
.Ltmp1:
0x2b: {  	[bflag:$0x0] =	sbarrier.arrive $0xFFFF;
	(pc) =	sbr.rel @p0 .LBB2_1-.Ltmp1, $4  }
0x2c: {  	[hbm:s7], [sflag:s5] =	dma.local [spmem:s10], $0x2800  }
0x2d: {  	_ =	swait.ge [sflag:s11], $0x2800  }
0x2e: {  	[sflag:s11] =	ssyncset.done $0x0  }
0x2f: {  	[sflag:s11] =	ssyncadd.s32 $0xFFFFD800  }
0x30: {  	_ =	sfence.sel $0x180000  }
0x31: {  	[bflag:$0x0] =	sbarrier.arrive $0xFFFF  }
0x32: {  	p0 =	sne.s32 s0, $0x0;
	_ =	strace $0x9000004D  }
0x33: {  	s0 =	sadd.s32 @!p0 $0x100000, s1;
	[bflag:$0x2] =	sbarrier.arrive $0xFFFF  }
0x34: {  	[sflag:s0] =	ssyncadd.tile.s32 @!p0 $0x1;
	_ =	shalt  }
.Lfunc_end2:
_tile_overlayer_lowered:
.L_overlay_start_2:
0x35: {  	(tag) =	ssettag $0x2  }
0x36: {  	s0 =	rddreg [dreg:$0x0];
	s2 =	stileid.u32  }
0x37: {  	s1 =	rddreg [dreg:$0x1];
	p0 =	sne.s32 s2, $0x0  }
0x38: {  	s3 =	rddreg [dreg:$0x2];
	[bflag:$0x3] =	sbarrier.arrive $0xFFFF;
	s2 =	simm.s32 @!p0 $0x1C01  }
0x39: {  	[timem:s3], [sflag:s2] =	dma.local @!p0 [hbm:s0], s1  }
0x3a: {  	s0 =	simm.s32 @!p0 $0x1  }
0x3b: {  	_ =	swait.ge @!p0 [sflag:s0], s1  }
0x3c: {  	s1 =	ssub.s32 @!p0 $0x0, s1;
	[sflag:s0] =	ssyncset.done @!p0 $0x0  }
0x3d: {  	[sflag:s0] =	ssyncadd.s32 @!p0 s1  }
0x3e: {  	[bflag:$0x3] =	sbarrier.arrive $0xFFFF  }
0x3f: {  	_ =	shalt  }

// kernel: kernel.8.cloned.1.call-start
scs
__scs_entry_jumppad:
0x0: {  	(pc) =	sbr.rel $0x88, $3  }
0x1: {  	(tag) =	ssettag $0x0;
	lr =	simm.s32 $0x1  }
0x2: {  	[smem:$0x3F98] =	sst lr;
	_ =	strace $0xD0000000  }
0x3: {  	_ = 	snop  }
0x4: {  	_ = 	snop  }
0x5: {  	_ = 	snop  }
0x6: {  	_ = 	snop  }
0x7: {  	_ = 	snop  }
__scs_overlays_trampoline_lowered:
0x8: {  	[smem:$0x3FA7] =	sst s0  }
0x9: {  	[smem:$0x3FA8] =	sst s1  }
0xa: {  	[smem:$0x3FA9] =	sst s2  }
0xb: {  	[smem:$0x3FAA] =	sst s3  }
0xc: {  	[smem:$0x3FAB] =	sst s4  }
0xd: {  	[smem:$0x3FAC] =	sst s5  }
0xe: {  	[smem:$0x3FAD] =	sst s6  }
0xf: {  	[smem:$0x3FAE] =	sst s7  }
0x10: {  	[smem:$0x3FAF] =	sst s8  }
0x11: {  	[smem:$0x3FB0] =	sst s9;
	s0 =	simm.s32 @!p0 $0x0  }
0x12: {  	s1 =	sld [smem:$0x3F96];
	s0 =	simm.s32 @p0 $0x1  }
0x13: {  	[smem:$0x3FB1] =	sst s0;
	s0 =	simm.s32 @!p1 $0x0  }
0x14: {  	s2 =	sld [smem:$0x3F95];
	s0 =	simm.s32 @p1 $0x1  }
0x15: {  	[smem:$0x3FB2] =	sst s0;
	s0 =	simm.s32 @!p2 $0x0  }
0x16: {  	s3 =	sld [smem:$0x3FDB];
	s0 =	simm.s32 @p2 $0x1  }
0x17: {  	s4 =	simm.s32 $0x1BF5;
	[smem:$0x3FB4] =	sst s0  }
0x18: {  	s0 =	sld [smem:$0x3F97];
	_ =	swait.ge [sflag:s4], $0x0  }
0x19: {  	s7 =	sld [smem:$0x3F98]  }
0x1a: {  	s8 =	sadd.s32 $0xFFFFE003, lr  }
0x1b: {  	s9 =	sadd.s32 $0xFFFFFEF7, lr;
	s5 =	simm.s32 $0xFFFFFFFF;
	p2 =	slt.u32 s8, $0xFFFFF086  }
0x1c: {  	p1 =	slt.u32 s9, $0xF7A;
	s5 =	simm.s32 @!p2 $0x0  }
0x1d: {  	s5 =	simm.s32 @p1 $0x1;
	p0 =	seq.s32 s7, s2  }
0x1e: {  	s7 =	smul.u32 @!p0 $0xF7A, s2;
	p2 =	seq.s32 @!p0 s5, $0x0  }
0x1f: {  	s9 =	smul.u32 $0xF7A, s1;
	s8 =	simm.s32 @!p0 $0x1BF5;
	p2 =	por !p2, p0  }
0x20: {  	[sflag:s8] =	ssyncset.s32 @!p0 $0xFFFFF086;
	s6 =	sadd.s32 @!p0 s3, s7;
	s7 =	simm.s32 @!p0 $0x108  }
0x21: {  	s3 =	sadd.s32 s3, s9;
	s6 =	sadd.s32 @!p0 $0x88, s6;
	s7 =	simm.s32 @p2 $0x1082  }
0x22: {  	[simem:s7], [sflag:s8] =	dma.local @!p0 [hbm:s6], $0xF7A  }
0x23: {  	s9 =	sor.u32 $0xD0000000, s2;
	s6 =	simm.s32 $0x108;
	_ =	swait.ge @!p0 [sflag:s8], $0x0  }
0x24: {  	s3 =	sadd.s32 $0x88, s3;
	s6 =	simm.s32 @!p1 $0x1082;
	[sflag:s4] =	ssyncset.s32 $0xFFFFF086  }
0x25: {  	[simem:s6], [sflag:s4] =	dma.local [hbm:s3], $0xF7A  }
0x26: {  	[smem:$0x3F98] =	sst s1;
	(tag) =	ssettag s2;
	_ =	strace s9  }
0x27: {  	s1 =	sld [smem:$0x3FA8]  }
0x28: {  	s2 =	sld [smem:$0x3FA9]  }
0x29: {  	s4 =	sld [smem:$0x3FAB]  }
0x2a: {  	p0 =	seq.s32 s5, $0x0;
	s5 =	sld [smem:$0x3FAC]  }
0x2b: {  	s6 =	sld [smem:$0x3FAD]  }
0x2c: {  	s7 =	sld [smem:$0x3FAE]  }
0x2d: {  	s3 =	simm.s32 $0x108;
	s8 =	sld [smem:$0x3FAF]  }
0x2e: {  	s3 =	simm.s32 @!p0 $0x1082;
	s9 =	sld [smem:$0x3FB0]  }
0x2f: {  	lr =	sadd.s32 s0, s3;
	s0 =	sld [smem:$0x3FA7]  }
0x30: {  	s3 =	sld [smem:$0x3FAA]  }
0x31: {  	[smem:$0x3FB3] =	sst s10  }
0x32: {  	s10 =	sld [smem:$0x3FB1];
	_ =	sdelay $0x3  }
0x33: {  	p0 =	seq.s32 s10, $0x1;
	s10 =	sld [smem:$0x3FB3];
	_ =	sdelay $0x3  }
0x34: {  	[smem:$0x3FB3] =	sst s10  }
0x35: {  	s10 =	sld [smem:$0x3FB2];
	_ =	sdelay $0x3  }
0x36: {  	p1 =	seq.s32 s10, $0x1;
	s10 =	sld [smem:$0x3FB3];
	_ =	sdelay $0x3  }
0x37: {  	[smem:$0x3FB3] =	sst s10  }
0x38: {  	s10 =	sld [smem:$0x3FB4]  }
0x39: {  	_ = 	snop;
	(pc) =	sbr.ind lr, $3  }
0x3a: {  	_ = 	snop  }
0x3b: {  	_ = 	snop  }
0x3c: {  	p2 =	seq.s32 s10, $0x1;
	s10 =	sld [smem:$0x3FB3]  }
0x3d: {  	_ =	shalt  }
0x3e: {  	_ =	shalt  }
0x3f: {  	_ =	shalt  }
0x40: {  	_ =	shalt  }
0x41: {  	_ =	shalt  }
0x42: {  	_ =	shalt  }
0x43: {  	_ =	shalt  }
0x44: {  	_ =	shalt  }
0x45: {  	_ =	shalt  }
0x46: {  	_ =	shalt  }
0x47: {  	_ =	shalt  }
0x48: {  	_ =	shalt  }
0x49: {  	_ =	shalt  }
0x4a: {  	_ =	shalt  }
0x4b: {  	_ =	shalt  }
0x4c: {  	_ =	shalt  }
0x4d: {  	_ =	shalt  }
0x4e: {  	_ =	shalt  }
0x4f: {  	_ =	shalt  }
0x50: {  	_ =	shalt  }
0x51: {  	_ =	shalt  }
0x52: {  	_ =	shalt  }
0x53: {  	_ =	shalt  }
0x54: {  	_ =	shalt  }
0x55: {  	_ =	shalt  }
0x56: {  	_ =	shalt  }
0x57: {  	_ =	shalt  }
0x58: {  	_ =	shalt  }
0x59: {  	_ =	shalt  }
0x5a: {  	_ =	shalt  }
0x5b: {  	_ =	shalt  }
0x5c: {  	_ =	shalt  }
0x5d: {  	_ =	shalt  }
0x5e: {  	_ =	shalt  }
0x5f: {  	_ =	shalt  }
0x60: {  	_ =	shalt  }
0x61: {  	_ =	shalt  }
0x62: {  	_ =	shalt  }
0x63: {  	_ =	shalt  }
0x64: {  	_ =	shalt  }
0x65: {  	_ =	shalt  }
0x66: {  	_ =	shalt  }
0x67: {  	_ =	shalt  }
0x68: {  	_ =	shalt  }
0x69: {  	_ =	shalt  }
0x6a: {  	_ =	shalt  }
0x6b: {  	_ =	shalt  }
0x6c: {  	_ =	shalt  }
0x6d: {  	_ =	shalt  }
0x6e: {  	_ =	shalt  }
0x6f: {  	_ =	shalt  }
0x70: {  	_ =	shalt  }
0x71: {  	_ =	shalt  }
0x72: {  	_ =	shalt  }
0x73: {  	_ =	shalt  }
0x74: {  	_ =	shalt  }
0x75: {  	_ =	shalt  }
0x76: {  	_ =	shalt  }
0x77: {  	_ =	shalt  }
0x78: {  	_ =	shalt  }
0x79: {  	_ =	shalt  }
0x7a: {  	_ =	shalt  }
0x7b: {  	_ =	shalt  }
0x7c: {  	_ =	shalt  }
0x7d: {  	_ =	shalt  }
0x7e: {  	_ =	shalt  }
0x7f: {  	_ =	shalt  }
0x80: {  	_ =	shalt  }
0x81: {  	_ =	shalt  }
0x82: {  	_ =	shalt  }
0x83: {  	_ =	shalt  }
0x84: {  	_ =	shalt  }
0x85: {  	_ =	shalt  }
0x86: {  	_ =	shalt  }
0x87: {  	_ =	shalt  }
.Lfunc_end0:
.L_simem_size_0:
called_computation_lowered:
.L_overlay_start_0:
0x88: {  	s2 =	sld [smem:$0x3FD9]  }
0x89: {  	s3 =	sld [smem:$0x3FFE];
	_ =	sdelay $0x1  }
0x8a: {  	s1 =	srdreg.scid  }
0x8b: {  	s0 =	sand.u32 $0x1, s1  }
0x8c: {  	s17 =	sshll.u32 s0, $0xA;
	s2 =	sadd.s32 s3, s2  }
0x8d: {  	s2 =	sadd.s32 s2, s17  }
0x8e: {  	[smem:$0x3FBF] =	sst s2  }
0x8f: {  	_ = 	snop  }
0x90: {  	s2 =	sld [smem:$0x3FD0];
	(tm) =	ssettm $0x1  }
0x91: {  	s18 =	sld [smem:$0x3FFB];
	_ =	sdelay $0x3  }
0x92: {  	_ =	strace s18  }
0x93: {  	s3 =	sld [smem:$0x3FFC];
	_ =	sdelay $0x3  }
0x94: {  	_ =	strace s3  }
0x95: {  	s3 =	sld [smem:$0x3FFD];
	_ =	sdelay $0x3  }
0x96: {  	_ =	strace s3  }
0x97: {  	_ =	strace $0x8FFFFFFF  }
0x98: {  	s19 =	sld [smem:$0x3FDB];
	_ =	sdelay $0x1  }
0x99: {  	s4 =	simm.s32 $_scs_section_size  }
0x9a: {  	s5 =	simm.s32 $_size__tile_overlayer_lowered;
	s6 =	simm.s32 $_tile_overlayer_lowered  }
0x9b: {  	s22 =	simm.s32 $0x1BFF;
	s21 =	sshll.u32 s6, $0x1;
	s3 =	sadd.s32 s4, s19  }
0x9c: {  	s7 =	simm.s32 $0x0;
	s20 =	sshll.u32 s5, $0x1;
	s5 =	sadd.s32 s21, s3  }
0x9d: {  	[timem:s7], [sflag:s22] =	dma.local [hbm:s5], s20  }
0x9e: {  	_ =	swait.ge [sflag:s22], s20  }
0x9f: {  	s4 =	ssub.s32 $0x0, s20;
	[sflag:s22] =	ssyncset.done $0x0  }
0xa0: {  	[sflag:s22] =	ssyncadd.s32 s4;
	_ =	sdelay $0x1  }
0xa1: {  	s23 =	simm.s32 $0x1B8B  }
0xa2: {  	_ =	swait.ge [sflag:s23], $0x1  }
0xa3: {  	[sflag:s23] =	ssyncset.done $0x0  }
0xa4: {  	s25 =	simm.s32 $0x1B8E;
	s24 =	sld [smem:$0x3FFE];
	[sflag:s23] =	ssyncadd.s32 $0xFFFFFFFF  }
0xa5: {  	s26 =	simm.s32 $execute0_lowered;
	[smem:$0x3FD2] =	sst s25  }
0xa6: {  	s5 =	sshll.u32 s26, $0x1;
	_ =	strace $0x80000046;
	[dreg:$0x1] =	wrdreg $0xFFFFFFFF  }
0xa7: {  	s28 =	simm.s32 $_size_execute0_lowered;
	s3 =	sadd.s32 s3, s5;
	[dreg:$0x0] =	wrdreg $0x0  }
0xa8: {  	s5 =	sshll.u32 s28, $0x1;
	[dreg:$0x2] =	wrdreg s3  }
0xa9: {  	[dreg:$0x3] =	wrdreg s5  }
0xaa: {  	[dreg:$0x4] =	wrdreg $0xC0  }
0xab: {  	_ =	task [dreg:s7], $0x5FFFF  }
0xac: {  	[dreg:$0x1] =	wrdreg $0xFFFFFFFF  }
0xad: {  	[dreg:$0x0] =	wrdreg $0x60  }
0xae: {  	[dreg:$0x2] =	wrdreg s2  }
0xaf: {  	[dreg:$0x3] =	wrdreg s24  }
0xb0: {  	[dreg:$0x4] =	wrdreg $0x9  }
0xb1: {  	_ =	task.clear_ibuf [dreg:s7], $0x5FFFF;
	_ =	strace $0x90000046  }
0xb2: {  	s29 =	simm.s32 $0x9;
	_ =	strace $0x80000048  }
0xb3: {  	_ =	swait.ge [sflag:s29], $0x1  }
0xb4: {  	[sflag:s29] =	ssyncadd.s32 $0xFFFFFFFF  }
0xb5: {  	_ =	strace $0x90000048  }
0xb6: {  	_ =	sfence  }
0xb7: {  	s30 =	sld [smem:$0x0];
	_ =	sdelay $0x2  }
0xb8: {  	s31 =	sshll.u32 s1, $0xD;
	s1 =	sshrl.u32 s1, $0x2  }
0xb9: {  	s3 =	sand.u32 $0x4000, s31;
	s1 =	sadd.s32 s1, s30  }
0xba: {  	s0 =	sor.u32 s3, s0;
	s1 =	sshll.u32 s1, $0x11  }
0xbb: {  	s0 =	sor.u32 s1, s0  }
0xbc: {  	s0 =	sadd.s32 $0x8F2B, s0  }
0xbd: {  	[sflag:s0] =	ssyncadd.remote.s32 $0x1  }
0xbe: {  	_ =	sfence.sel $0xFFFF  }
0xbf: {  	[dreg:$0x0] =	wrdreg $0xFFFFFFFF;
	(pc) =	sbr.abs _section_cstart, $3  }
0xc0: {  	[dreg:$0x1] =	wrdreg $0xFFFFFFFF  }
0xc1: {  	_ =	task.clear_ibuf [dreg:s7], $0x2FFFF;
	_ =	strace $0x9FFFFFFF  }
0xc2: {  	(tm) =	ssettm $0x7FFFFFFF  }
0xc3: {  	_ =	shalt  }
tec
execute0_lowered:
.L_overlay_start_1:
0x0: {  	(tag) =	ssettag $0x1  }
0x1: {  	s1 =	srdreg.scid;
	s2 =	rddreg [dreg:$0x0]  }
0x2: {  	s0 =	stileid.u32;
	s6 =	rddreg [dreg:$0x1];
	s3 =	simm.s32 $0x0  }
0x3: {  	s17 =	simm.s32 $0x1800;
	s18 =	simm.s32 $0x3800;
	s19 =	simm.s32 $0x5800  }
0x4: {  	s20 =	simm.s32 $0x7800;
	s21 =	simm.s32 $0x1;
	s4 =	smul.u32 $0x28, s0  }
0x5: {  	s22 =	simm.s32 $0x2;
	s23 =	simm.s32 $0x0;
	s13 =	smul.u32 $0x5000, s0  }
0x6: {  	s9 =	sand.u32 $0x1, s1;
	[smem:$0x7FF] =	sst s3;
	s14 =	smul.u32 $0xA000, s0  }
0x7: {  	s1 =	rddreg [dreg:$0x2];
	s5 =	smul.u32 $0x18, s9;
	_ =	strace $0x80000047  }
0x8: {  	s8 =	ssub.s32 $0x2, s9;
	s11 =	smul.u32 $0x3000, s9;
	s31 =	sshll.u32 s9, $0x2  }
0x9: {  	s16 =	smul.u32 $0x6000, s9;
	s30 =	sshrl.u32 s8, $0x1;
	s4 =	sadd.s32 s5, s4  }
0xa: {  	s5 =	sadd.s32 $0xA9000, s6;
	s12 =	ssub.s32 s8, s30;
	s10 =	smin.u32 s4, $0x268  }
0xb: {  	s8 =	sxor.u32 $0xC, s31;
	s9 =	smax.u32 s12, $0x1;
	s4 =	sshll.u32 s10, $0x4  }
0xc: {  	s15 =	sshll.u32 s10, $0x9;
	s10 =	sshrl.u32 s11, $0x2;
	s7 =	sadd.s32 s4, s6  }
0xd: {  	s4 =	sadd.s32 $0x9000, s6;
	s11 =	ssub.s32 s13, s15;
	s12 =	sadd.s32 $0xC00, s10  }
0xe: {  	s13 =	sadd.s32 s16, s14;
	s14 =	simm.s32 $0x3;
	s15 =	simm.s32 $0xC00  }
0xf: {  	s16 =	simm.s32 $0x80;
	s6 =	sadd.s32 $0x6800, s7;
	s7 =	sadd.s32 $0x4000, s7  }
.LBB2_1:
0x10: {  	[tilespmem:s3], [sflag:$0x3] =	stream.linear.gather [hbm4b:s6+s3], $0xC00, $0x38;
	[tilespmem:$0x9800] =	vst v63  }
0x11: {  	_ =	swait.ge [sflag:s14], $0xC00  }
0x12: {  	[sflag:s14] =	ssyncset.done $0x0  }
0x13: {  	[sflag:s14] =	ssyncadd.s32 $0xFFFFF400  }
0x14: {  	[tilespmem:s15], [sflag:$0x3] =	stream.linear.gather [hbm4b:s7+s3], $0xC00, $0x38;
	[tilespmem:$0x9800] =	vst v63  }
0x15: {  	_ =	swait.ge [sflag:s14], $0xC00  }
0x16: {  	s24 =	sshra.s32 s11, $0x2;
	[sflag:s14] =	ssyncset.done $0x0  }
0x17: {  	s25 =	sadd.s32 s24, s10;
	[sflag:s14] =	ssyncadd.s32 $0xFFFFF400  }
0x18: {  	[tilespmem:s17], [sflag:$0x1] =	stream.indirect.gather [hbm4b:s2+s16], $0x40, s25, s16, $0xb8;
	[tilespmem:$0x9800] =	vst v63  }
0x19: {  	s24 =	sadd.s32 s24, s12  }
0x1a: {  	[tilespmem:s18], [sflag:$0x1] =	stream.indirect.gather [hbm4b:s2+s16], $0x40, s24, s16, $0xb8;
	[tilespmem:$0x9800] =	vst v63  }
0x1b: {  	s25 =	sadd.s32 $0x80, s25  }
0x1c: {  	[tilespmem:s19], [sflag:$0x1] =	stream.indirect.gather [hbm4b:s2+s16], $0x40, s25, s16, $0xb8;
	[tilespmem:$0x9800] =	vst v63  }
0x1d: {  	p0 =	por $0x1, $0x1;
	s24 =	sadd.s32 $0x80, s24  }
0x1e: {  	[tilespmem:s20], [sflag:$0x1] =	stream.indirect.gather [hbm4b:s2+s16], $0x40, s24, s16, $0xb8;
	[tilespmem:$0x9800] =	vst v63  }
0x1f: {  	s24 =	simm.s32 @!p0 $0x2  }
0x20: {  	_ =	swait.ge @!p0 [sflag:s24], $0x2000  }
0x21: {  	[sflag:s24] =	ssyncset.done @!p0 $0x0  }
0x22: {  	[sflag:s24] =	ssyncadd.s32 @!p0 $0xFFFFE000  }
0x23: {  	_ =	swait.ge @!p0 [sflag:s24], $0x2000  }
0x24: {  	[sflag:s24] =	ssyncset.done @!p0 $0x0  }
0x25: {  	[sflag:s24] =	ssyncadd.s32 @!p0 $0xFFFFE000  }
0x26: {  	_ =	swait.ge @!p0 [sflag:s24], $0x2000  }
0x27: {  	[sflag:s24] =	ssyncset.done @!p0 $0x0  }
0x28: {  	[sflag:s24] =	ssyncadd.s32 @!p0 $0xFFFFE000  }
0x29: {  	_ =	swait.ge @!p0 [sflag:s24], $0x2000  }
0x2a: {  	[sflag:s24] =	ssyncset.done @!p0 $0x0  }
0x2b: {  	[sflag:s24] =	ssyncadd.s32 @!p0 $0xFFFFE000  }
0x2c: {  	_ =	swait.ge [sflag:s21], $0x2000  }
0x2d: {  	s26 =	sand.u32 $0x1FFFF800, s13;
	[sflag:s21] =	ssyncset.done $0x0  }
0x2e: {  	s30 =	sadd.s32 s4, s26;
	[sflag:s21] =	ssyncadd.s32 $0xFFFFE000  }
0x2f: {  	[hbm4b:s30+s3] =	stream.linear.scatter [tilespmem:s17], [sflag:$0x2], $0x2000, $0x38;
	[tilespmem:$0x9800] =	vst v63  }
0x30: {  	_ =	swait.ge [sflag:s21], $0x2000  }
0x31: {  	[sflag:s21] =	ssyncset.done $0x0  }
0x32: {  	s24 =	sadd.s32 s5, s26;
	[sflag:s21] =	ssyncadd.s32 $0xFFFFE000  }
0x33: {  	[hbm4b:s24+s3] =	stream.linear.scatter [tilespmem:s18], [sflag:$0x2], $0x2000, $0x38;
	[tilespmem:$0x9800] =	vst v63  }
0x34: {  	s24 =	sadd.s32 $0xFFFFFFFF, s8  }
0x35: {  	s31 =	sadd.s32 $0x400, s13;
	_ =	swait.ge [sflag:s21], $0x2000;
	p0 =	sne.s32 s24, $0x0  }
.Ltmp0:
0x36: {  	s28 =	sand.u32 $0x1FFFFC00, s31;
	[sflag:s21] =	ssyncset.done $0x0;
	(pc) =	sbr.rel @!p0 .LBB2_3-.Ltmp0, $4  }
0x37: {  	s25 =	sadd.s32 s4, s28;
	[sflag:s21] =	ssyncadd.s32 $0xFFFFE000  }
0x38: {  	[hbm4b:s25+s3] =	stream.linear.scatter [tilespmem:s19], [sflag:$0x2], $0x2000, $0x38;
	[tilespmem:$0x9800] =	vst v63  }
0x39: {  	s29 =	sadd.s32 s5, s28;
	s28 =	sadd.s32 $0x400, s11;
	_ =	swait.ge [sflag:s21], $0x2000  }
0x3a: {  	s26 =	simm.s32 $0x2;
	s25 =	sadd.s32 $0x800, s13;
	[sflag:s21] =	ssyncset.done $0x0  }
.LBB2_2:
0x3b: {  	s30 =	sshra.s32 s28, $0x2;
	s24 =	sadd.s32 $0xFFFFFFFF, s24;
	[sflag:s21] =	ssyncadd.s32 $0xFFFFE000  }
0x3c: {  	[hbm4b:s29+s3] =	stream.linear.scatter [tilespmem:s20], [sflag:$0x2], $0x2000, $0x38;
	[tilespmem:$0x9800] =	vst v63  }
0x3d: {  	s29 =	sadd.s32 s30, s10;
	p0 =	sne.s32 s24, $0x0  }
0x3e: {  	[tilespmem:s17], [sflag:$0x1] =	stream.indirect.gather [hbm4b:s2+s16], $0x40, s29, s16, $0xb8;
	[tilespmem:$0x9800] =	vst v63  }
0x3f: {  	s30 =	sadd.s32 s30, s12  }
0x40: {  	[tilespmem:s18], [sflag:$0x1] =	stream.indirect.gather [hbm4b:s2+s16], $0x40, s30, s16, $0xb8;
	[tilespmem:$0x9800] =	vst v63  }
0x41: {  	s29 =	sadd.s32 $0x80, s29  }
0x42: {  	[tilespmem:s19], [sflag:$0x1] =	stream.indirect.gather [hbm4b:s2+s16], $0x40, s29, s16, $0xb8;
	[tilespmem:$0x9800] =	vst v63  }
0x43: {  	p1 =	slt.s32 s26, $0x1;
	s29 =	sadd.s32 $0x80, s30  }
0x44: {  	[tilespmem:s20], [sflag:$0x1] =	stream.indirect.gather [hbm4b:s2+s16], $0x40, s29, s16, $0xb8;
	[tilespmem:$0x9800] =	vst v63  }
0x45: {  	s29 =	simm.s32 @!p1 $0x2  }
0x46: {  	_ =	swait.ge @!p1 [sflag:s29], $0x2000  }
0x47: {  	[sflag:s29] =	ssyncset.done @!p1 $0x0  }
0x48: {  	[sflag:s29] =	ssyncadd.s32 @!p1 $0xFFFFE000  }
0x49: {  	_ =	swait.ge @!p1 [sflag:s29], $0x2000  }
0x4a: {  	[sflag:s29] =	ssyncset.done @!p1 $0x0  }
0x4b: {  	[sflag:s29] =	ssyncadd.s32 @!p1 $0xFFFFE000  }
0x4c: {  	_ =	swait.ge @!p1 [sflag:s29], $0x2000  }
0x4d: {  	[sflag:s29] =	ssyncset.done @!p1 $0x0  }
0x4e: {  	[sflag:s29] =	ssyncadd.s32 @!p1 $0xFFFFE000  }
0x4f: {  	_ =	swait.ge @!p1 [sflag:s29], $0x2000  }
0x50: {  	[sflag:s29] =	ssyncset.done @!p1 $0x0  }
0x51: {  	[sflag:s29] =	ssyncadd.s32 @!p1 $0xFFFFE000  }
0x52: {  	s29 =	sand.u32 $0x1FFFF800, s25;
	_ =	swait.ge [sflag:s21], $0x2000  }
0x53: {  	s30 =	sadd.s32 s4, s29;
	[sflag:s21] =	ssyncset.done $0x0  }
0x54: {  	[sflag:s21] =	ssyncadd.s32 $0xFFFFE000  }
0x55: {  	[hbm4b:s30+s3] =	stream.linear.scatter [tilespmem:s17], [sflag:$0x2], $0x2000, $0x38;
	[tilespmem:$0x9800] =	vst v63  }
0x56: {  	_ =	swait.ge [sflag:s21], $0x2000  }
0x57: {  	s29 =	sadd.s32 s5, s29;
	[sflag:s21] =	ssyncset.done $0x0  }
0x58: {  	s30 =	sadd.s32 $0x400, s25;
	[sflag:s21] =	ssyncadd.s32 $0xFFFFE000  }
0x59: {  	[hbm4b:s29+s3] =	stream.linear.scatter [tilespmem:s18], [sflag:$0x2], $0x2000, $0x38;
	[tilespmem:$0x9800] =	vst v63  }
0x5a: {  	s29 =	sand.u32 $0x1FFFFC00, s30;
	_ =	swait.ge [sflag:s21], $0x2000  }
.Ltmp1:
0x5b: {  	s30 =	sadd.s32 s4, s29;
	[sflag:s21] =	ssyncset.done $0x0;
	(pc) =	sbr.rel @p0 .LBB2_2-.Ltmp1, $4  }
0x5c: {  	[sflag:s21] =	ssyncadd.s32 $0xFFFFE000  }
0x5d: {  	[hbm4b:s30+s3] =	stream.linear.scatter [tilespmem:s19], [sflag:$0x2], $0x2000, $0x38;
	[tilespmem:$0x9800] =	vst v63  }
0x5e: {  	s26 =	sadd.s32 $0x2, s26;
	s25 =	sadd.s32 $0x800, s25;
	_ =	swait.ge [sflag:s21], $0x2000  }
0x5f: {  	s28 =	sadd.s32 $0x400, s28;
	s29 =	sadd.s32 s5, s29;
	[sflag:s21] =	ssyncset.done $0x0  }
.LBB2_3:
0x60: {  	[sflag:s21] =	ssyncadd.s32 $0xFFFFE000  }
0x61: {  	[hbm4b:s29+s3] =	stream.linear.scatter [tilespmem:s20], [sflag:$0x2], $0x2000, $0x38;
	[tilespmem:$0x9800] =	vst v63  }
0x62: {  	_ =	swait.ge [sflag:s22], $0x2000  }
0x63: {  	[sflag:s22] =	ssyncset.done $0x0  }
0x64: {  	[sflag:s22] =	ssyncadd.s32 $0xFFFFE000  }
0x65: {  	_ =	swait.ge [sflag:s22], $0x2000  }
0x66: {  	[sflag:s22] =	ssyncset.done $0x0  }
0x67: {  	s23 =	sadd.s32 $0x1, s23;
	[sflag:s22] =	ssyncadd.s32 $0xFFFFE000  }
0x68: {  	p0 =	sne.s32 s23, s9;
	_ =	swait.ge [sflag:s22], $0x2000  }
.Ltmp2:
0x69: {  	[sflag:s22] =	ssyncset.done $0x0;
	(pc) =	sbr.rel @p0 .LBB2_1-.Ltmp2, $4  }
0x6a: {  	[sflag:s22] =	ssyncadd.s32 $0xFFFFE000  }
0x6b: {  	_ =	swait.ge [sflag:s22], $0x2000  }
0x6c: {  	[sflag:s22] =	ssyncset.done $0x0  }
0x6d: {  	[sflag:s22] =	ssyncadd.s32 $0xFFFFE000  }
0x6e: {  	_ =	sfence.sel $0x180000  }
0x6f: {  	[bflag:$0x0] =	sbarrier.arrive $0xFFFF  }
0x70: {  	p0 =	sne.s32 s0, $0x0;
	_ =	strace $0x90000047  }
0x71: {  	s0 =	sadd.s32 @!p0 $0x100000, s1;
	[bflag:$0x2] =	sbarrier.arrive $0xFFFF  }
0x72: {  	[sflag:s0] =	ssyncadd.tile.s32 @!p0 $0x1;
	_ =	shalt  }
.Lfunc_end2:
_tile_overlayer_lowered:
.L_overlay_start_2:
0x73: {  	(tag) =	ssettag $0x2  }
0x74: {  	s0 =	rddreg [dreg:$0x0];
	s2 =	stileid.u32  }
0x75: {  	s1 =	rddreg [dreg:$0x1];
	p0 =	sne.s32 s2, $0x0  }
0x76: {  	s3 =	rddreg [dreg:$0x2];
	[bflag:$0x3] =	sbarrier.arrive $0xFFFF;
	s2 =	simm.s32 @!p0 $0x1C03  }
0x77: {  	[timem:s3], [sflag:s2] =	dma.local @!p0 [hbm:s0], s1  }
0x78: {  	s0 =	simm.s32 @!p0 $0x3  }
0x79: {  	_ =	swait.ge @!p0 [sflag:s0], s1  }
0x7a: {  	s1 =	ssub.s32 @!p0 $0x0, s1;
	[sflag:s0] =	ssyncset.done @!p0 $0x0  }
0x7b: {  	[sflag:s0] =	ssyncadd.s32 @!p0 s1  }
0x7c: {  	[bflag:$0x3] =	sbarrier.arrive $0xFFFF  }
0x7d: {  	_ =	shalt  }

</sc_bundles>
